<compile_context>
chip_gen: v7x
topology: tpu7x:2x2x1
jax: 0.10.2.dev20260603
libtpu: 0.0.44.dev20260713+nightly
codegen_flags: <defaults>
</compile_context>

<pallas_src>
import functools

import jax
import jax.numpy as jnp
from jax import lax
from jax.experimental import pallas as pl
from jax.experimental.pallas import tpu as pltpu
from jax.experimental.pallas import tpu_sc as plsc

N = 10000
E = 320000
D_IN = 128
D_EDGE = 16
D_MID = 128

NC = 2
NS = 16
L = 16
NW = NC * NS

NP = 10240
NPT = NP // NS
EP = 327680
KB = 128
EW = EP // NW
NB = EW // KB
ET = EP // NS
CH = 2560
NCH = ET // CH
NBC = CH // KB

_f32 = jnp.float32
_i32 = jnp.int32

_MESH = plsc.VectorSubcoreMesh(core_axis_name="c", subcore_axis_name="s")
_SC_PARAMS = pltpu.CompilerParams(
    needs_layout_passes=False, use_tc_tiling_on_sc=False)


def _leaky_exp(lg):
    lg = jnp.where(lg >= 0, lg, 0.2 * lg)
    return jnp.exp(lg)


@functools.partial(
    pl.kernel,
    out_type=[
        jax.ShapeDtypeStruct((NC, NP, 16), _f32),
        jax.ShapeDtypeStruct((NC, NS, NP), _f32),
    ],
    mesh=_MESH,
    scratch_types=[
        pltpu.VMEM((NP,), _f32),
        pltpu.VMEM((NP,), _f32),
        pltpu.VMEM((NP,), _f32),
        pltpu.VMEM((EW,), _i32),
        pltpu.VMEM((EW,), _i32),
        pltpu.VMEM((EW,), _f32),
        pltpu.VMEM((KB,), _f32),
        pltpu.VMEM((KB, 16), _f32),
        pltpu.VMEM_SHARED((NP, 16), _f32),
        pltpu.VMEM_SHARED((NP, 16), _f32),
        pltpu.SemaphoreType.DMA,
    ],
    compiler_params=_SC_PARAMS,
)
def _sc_layer16(src_hbm, dst_hbm, eg_hbm, s_hbm, t_hbm, h_hbm, z16_hbm,
                z1_hbm, acc_out, den_out,
                s_tab, t_tab, den_tab, srcv, dstv, egv, exv, rows,
                h_sh, acc_sh, sem):
    c = lax.axis_index("c")
    sid = lax.axis_index("s")
    wid = c * NS + sid
    rows_sl = pl.ds(sid * NPT, NPT)

    base = wid * EW
    pltpu.sync_copy(s_hbm, s_tab)
    pltpu.sync_copy(t_hbm, t_tab)
    pltpu.sync_copy(z1_hbm, den_tab)
    pltpu.sync_copy(src_hbm.at[pl.ds(base, EW)], srcv)
    pltpu.sync_copy(dst_hbm.at[pl.ds(base, EW)], dstv)
    pltpu.sync_copy(eg_hbm.at[pl.ds(base, EW)], egv)
    pltpu.sync_copy(h_hbm.at[rows_sl, :], h_sh.at[rows_sl, :])
    pltpu.sync_copy(z16_hbm.at[rows_sl, :], acc_sh.at[rows_sl, :])
    plsc.subcore_barrier()

    @pl.loop(0, NB)
    def _batch(b):
        off = b * KB
        bsl = pl.ds(off, KB)
        cp = pltpu.async_copy(h_sh.at[srcv.at[bsl]], rows, sem)
        for g in range(KB // L):
            sl = pl.ds(off + g * L, L)
            sg = srcv[sl]
            dg = dstv[sl]
            ex = _leaky_exp(plsc.load_gather(s_tab, [sg])
                            + plsc.load_gather(t_tab, [dg]) + egv[sl])
            exv[pl.ds(g * L, L)] = ex
            plsc.addupdate_scatter(den_tab, [dg], ex)
        cp.wait()

        @plsc.parallel_loop(0, KB, unroll=8)
        def _scale(e):
            exs = plsc.load_gather(exv, [jnp.full((L,), e, _i32)])
            rows[e, :] = rows[e, :] * exs

        pltpu.async_copy(rows, acc_sh.at[dstv.at[bsl]], sem, add=True).wait()

    plsc.subcore_barrier()
    pltpu.sync_copy(acc_sh.at[rows_sl, :], acc_out.at[c, rows_sl, :])
    pltpu.sync_copy(den_tab, den_out.at[c, sid])


@functools.partial(
    pl.kernel,
    out_type=[
        jax.ShapeDtypeStruct((NC, NP, 64), _f32),
        jax.ShapeDtypeStruct((NS, NP), _f32),
    ],
    mesh=_MESH,
    scratch_types=[
        pltpu.VMEM((NP,), _f32),
        pltpu.VMEM((NP,), _f32),
        pltpu.VMEM((NP,), _f32),
        pltpu.VMEM((CH,), _i32),
        pltpu.VMEM((CH,), _i32),
        pltpu.VMEM((CH,), _f32),
        pltpu.VMEM((KB,), _f32),
        pltpu.VMEM((KB, 64), _f32),
        pltpu.VMEM_SHARED((NP, 64), _f32),
        pltpu.VMEM_SHARED((NP, 64), _f32),
        pltpu.SemaphoreType.DMA,
    ],
    compiler_params=_SC_PARAMS,
)
def _sc_layer128(src_hbm, dst_hbm, eg_hbm, s_hbm, t_hbm, h_hbm, z64_hbm,
                 z1_hbm, acc_out, den_out,
                 s_tab, t_tab, den_tab, srcv, dstv, egv, exv, rows,
                 h_sh, acc_sh, sem):
    c = lax.axis_index("c")
    sid = lax.axis_index("s")
    rows_sl = pl.ds(sid * NPT, NPT)
    col0 = c * 64

    base = sid * ET
    pltpu.sync_copy(s_hbm, s_tab)
    pltpu.sync_copy(t_hbm, t_tab)
    pltpu.sync_copy(z1_hbm, den_tab)
    pltpu.sync_copy(h_hbm.at[rows_sl, pl.ds(col0, 64)], h_sh.at[rows_sl, :])
    pltpu.sync_copy(z64_hbm.at[rows_sl, :], acc_sh.at[rows_sl, :])
    plsc.subcore_barrier()

    @pl.loop(0, NCH)
    def _chunk(ci):
        coff = base + ci * CH
        pltpu.sync_copy(src_hbm.at[pl.ds(coff, CH)], srcv)
        pltpu.sync_copy(dst_hbm.at[pl.ds(coff, CH)], dstv)
        pltpu.sync_copy(eg_hbm.at[pl.ds(coff, CH)], egv)

        @pl.loop(0, NBC)
        def _batch(b):
            off = b * KB
            bsl = pl.ds(off, KB)
            cp = pltpu.async_copy(h_sh.at[srcv.at[bsl]], rows, sem)
            for g in range(KB // L):
                sl = pl.ds(off + g * L, L)
                sg = srcv[sl]
                dg = dstv[sl]
                ex = _leaky_exp(plsc.load_gather(s_tab, [sg])
                                + plsc.load_gather(t_tab, [dg]) + egv[sl])
                exv[pl.ds(g * L, L)] = ex

                @pl.when(c == 0)
                def _():
                    plsc.addupdate_scatter(den_tab, [dg], ex)

            cp.wait()

            @plsc.parallel_loop(0, KB, unroll=4)
            def _scale(e):
                exs = plsc.load_gather(exv, [jnp.full((L,), e, _i32)])
                for k in range(64 // L):
                    sl = pl.ds(k * L, L)
                    rows[e, sl] = rows[e, sl] * exs

            pltpu.async_copy(rows, acc_sh.at[dstv.at[bsl]], sem,
                             add=True).wait()

    plsc.subcore_barrier()
    pltpu.sync_copy(acc_sh.at[rows_sl, :], acc_out.at[c, rows_sl, :])

    @pl.when(c == 0)
    def _den_epilogue():
        pltpu.sync_copy(den_tab, den_out.at[sid])


def _tc_pre_body(x_ref, w1_ref, asrc_ref, adst_ref, h1_ref, s1_ref, t1_ref):
    h1 = jnp.dot(x_ref[...], w1_ref[...], preferred_element_type=_f32)
    h1p = jnp.concatenate([h1, jnp.zeros((NP - N, 16), _f32)], axis=0)
    h1_ref[...] = h1p
    s1_ref[...] = h1p @ asrc_ref[...]
    t1_ref[...] = h1p @ adst_ref[...]


_tc_pre = pl.pallas_call(
    _tc_pre_body,
    out_shape=[
        jax.ShapeDtypeStruct((NP, 16), _f32),
        jax.ShapeDtypeStruct((NP,), _f32),
        jax.ShapeDtypeStruct((NP,), _f32),
    ],
)

_EGB = 20480
_NEG = EP // _EGB


def _tc_eg_body(ea_ref, we1_ref, a1e_ref, we2_ref, a2e_ref,
                we3_ref, a3e_ref, eg1_ref, eg2_ref, eg3_ref):
    ve1 = we1_ref[...] @ a1e_ref[...]
    ve2 = we2_ref[...] @ a2e_ref[...]
    ve3 = we3_ref[...] @ a3e_ref[...]
    ea = ea_ref[...]
    eg1_ref[...] = (ea @ ve1).reshape(1, 8, _EGB // 8)
    eg2_ref[...] = (ea @ ve2).reshape(1, 8, _EGB // 8)
    eg3_ref[...] = (ea @ ve3).reshape(1, 8, _EGB // 8)


_tc_eg = pl.pallas_call(
    _tc_eg_body,
    grid=(_NEG,),
    in_specs=[
        pl.BlockSpec((_EGB, D_EDGE), lambda i: (i, 0)),
        pl.BlockSpec((D_EDGE, D_EDGE), lambda i: (0, 0)),
        pl.BlockSpec((D_EDGE,), lambda i: (0,)),
        pl.BlockSpec((D_EDGE, D_MID), lambda i: (0, 0)),
        pl.BlockSpec((D_MID,), lambda i: (0,)),
        pl.BlockSpec((D_EDGE, 2), lambda i: (0, 0)),
        pl.BlockSpec((2,), lambda i: (0,)),
    ],
    out_specs=[
        pl.BlockSpec((1, 8, _EGB // 8), lambda i: (i, 0, 0)),
        pl.BlockSpec((1, 8, _EGB // 8), lambda i: (i, 0, 0)),
        pl.BlockSpec((1, 8, _EGB // 8), lambda i: (i, 0, 0)),
    ],
    out_shape=[
        jax.ShapeDtypeStruct((_NEG, 8, _EGB // 8), _f32),
        jax.ShapeDtypeStruct((_NEG, 8, _EGB // 8), _f32),
        jax.ShapeDtypeStruct((_NEG, 8, _EGB // 8), _f32),
    ],
)


def _tc_post1_body(acc_ref, den_ref, b1_ref, w2_ref, asrc_ref, adst_ref,
                   h2_ref, s2_ref, t2_ref):
    d = jnp.sum(den_ref[...], axis=0)
    inv = 1.0 / (d + 1e-16)
    out1 = (acc_ref[0] + acc_ref[1]) * inv[:, None] + b1_ref[...][None, :]
    x2 = jnp.maximum(out1, 0.0)
    h2 = jnp.dot(x2, w2_ref[...], preferred_element_type=_f32)
    h2_ref[...] = h2
    s2_ref[...] = h2 @ asrc_ref[...]
    t2_ref[...] = h2 @ adst_ref[...]


_tc_post1 = pl.pallas_call(
    _tc_post1_body,
    out_shape=[
        jax.ShapeDtypeStruct((NP, D_MID), _f32),
        jax.ShapeDtypeStruct((NP,), _f32),
        jax.ShapeDtypeStruct((NP,), _f32),
    ],
)


def _tc_post2_body(acc_ref, den_ref, b2_ref, w3_ref, asrc_ref, adst_ref,
                   h3_ref, s3_ref, t3_ref):
    d = jnp.sum(den_ref[...], axis=0)
    inv = 1.0 / (d + 1e-16)
    out2 = jnp.concatenate([acc_ref[0], acc_ref[1]], axis=1)
    out2 = out2 * inv[:, None] + b2_ref[...][None, :]
    w3p = jnp.concatenate([w3_ref[...], jnp.zeros((D_MID, 14), _f32)], axis=1)
    a3s = jnp.concatenate([asrc_ref[...], jnp.zeros((14,), _f32)])
    a3d = jnp.concatenate([adst_ref[...], jnp.zeros((14,), _f32)])
    h3 = jnp.dot(out2, w3p, preferred_element_type=_f32)
    h3_ref[...] = h3
    s3_ref[...] = h3 @ a3s
    t3_ref[...] = h3 @ a3d


_tc_post2 = pl.pallas_call(
    _tc_post2_body,
    out_shape=[
        jax.ShapeDtypeStruct((NP, 16), _f32),
        jax.ShapeDtypeStruct((NP,), _f32),
        jax.ShapeDtypeStruct((NP,), _f32),
    ],
)


def _tc_post3_body(acc_ref, den_ref, b3_ref, wc_ref, bc_ref, out_ref):
    d = jnp.sum(den_ref[...], axis=0)
    inv = 1.0 / (d + 1e-16)
    out3 = (acc_ref[0] + acc_ref[1])[:, :2] * inv[:, None] + b3_ref[...][None, :]
    logits = jnp.dot(out3, wc_ref[...], preferred_element_type=_f32)
    logits = logits + bc_ref[...][None, :]
    row = lax.broadcasted_iota(_i32, (NP, 1), 0)
    valid = row < N
    neg = jnp.float32(-jnp.inf)
    masked = jnp.where(valid, logits, neg)
    mx = jnp.max(masked, axis=0, keepdims=True)
    z = jnp.where(valid, jnp.exp(logits - mx), 0.0)
    lse = jnp.log(jnp.sum(z, axis=0, keepdims=True)) + mx
    out_ref[...] = lax.slice(logits - lse, (0, 0), (N, 21))


_tc_post3 = pl.pallas_call(
    _tc_post3_body,
    out_shape=jax.ShapeDtypeStruct((N, 21), _f32),
)


def kernel(x, edge_index, edge_attr, W1, We1, a1_src, a1_dst, a1_edge, b1,
           W2, We2, a2_src, a2_dst, a2_edge, b2,
           W3, We3, a3_src, a3_dst, a3_edge, b3, Wc, bc):
    z1 = jnp.zeros((NP,), _f32)
    z16 = jnp.zeros((NP, 16), _f32)
    z64 = jnp.zeros((NP, 64), _f32)

    h1, s1, t1 = _tc_pre(x, W1, a1_src, a1_dst)
    src = jnp.pad(edge_index[0], (0, EP - E), constant_values=N)
    dst = jnp.pad(edge_index[1], (0, EP - E), constant_values=N)
    eg1, eg2, eg3 = [
        a.reshape(EP) for a in _tc_eg(
            edge_attr, We1, a1_edge, We2, a2_edge, We3, a3_edge)]

    acc1, den1 = _sc_layer16(src, dst, eg1, s1, t1, h1, z16, z1)
    h2, s2, t2 = _tc_post1(acc1, den1.reshape(NW, NP), b1, W2, a2_src, a2_dst)

    acc2, den2 = _sc_layer128(src, dst, eg2, s2, t2, h2, z64, z1)
    h3, s3, t3 = _tc_post2(acc2, den2, b2, W3, a3_src, a3_dst)

    acc3, den3 = _sc_layer16(src, dst, eg3, s3, t3, h3, z16, z1)
    return _tc_post3(acc3, den3.reshape(NW, NP), b3, Wc, bc)

# --- scband reference (transcript-rebuilt; emitter-appended) ---
"""Pipeline reference for scband-gnn-47974784697099 (READ-ONLY COPY).

The authoritative reference and input builder live on the scoring server;
editing this copy changes nothing except your own understanding.
"""

import jax, jax.numpy as jnp
import numpy as np

N = 10000
E = 320000
D_IN = 128
D_EDGE = 16
D_MID = 128


def _gat_conv(x, edge_index, edge_attr, W, We, a_src, a_dst, a_edge, b):
    src = edge_index[0]
    dst = edge_index[1]
    h = x @ W
    he = edge_attr @ We
    logit = (h @ a_src)[src] + (h @ a_dst)[dst] + he @ a_edge
    logit = jnp.where(logit >= 0, logit, 0.2 * logit)  # LeakyReLU(0.2)
    m = jax.ops.segment_max(logit, dst, num_segments=x.shape[0])
    m = jnp.where(jnp.isfinite(m), m, 0.0)
    ex = jnp.exp(logit - m[dst])
    denom = jax.ops.segment_sum(ex, dst, num_segments=x.shape[0])
    alpha = ex / (denom[dst] + 1e-16)
    msg = jnp.take(h, src, axis=0) * alpha[:, None]
    out = jax.ops.segment_sum(msg, dst, num_segments=x.shape[0])
    return out + b


def setup_inputs(seed: int = 0):
    key = jax.random.key(seed)
    ks = jax.random.split(key, 32)
    s = 0.1
    inp = {}
    inp['x'] = jax.random.normal(ks[0], (N, D_IN), dtype=jnp.float32)
    inp['edge_index'] = jax.random.randint(ks[1], (2, E), 0, N, dtype=jnp.int32)
    inp['edge_attr'] = jax.random.normal(ks[2], (E, D_EDGE), dtype=jnp.float32)
    # conv1: GATConv(D_IN -> D_EDGE) with edge_dim=D_EDGE
    inp['W1'] = jax.random.normal(ks[3], (D_IN, D_EDGE), dtype=jnp.float32) * s
    inp['We1'] = jax.random.normal(ks[4], (D_EDGE, D_EDGE), dtype=jnp.float32) * s
    inp['a1_src'] = jax.random.normal(ks[5], (D_EDGE,), dtype=jnp.float32) * s
    inp['a1_dst'] = jax.random.normal(ks[6], (D_EDGE,), dtype=jnp.float32) * s
    inp['a1_edge'] = jax.random.normal(ks[7], (D_EDGE,), dtype=jnp.float32) * s
    inp['b1'] = jnp.zeros((D_EDGE,), dtype=jnp.float32)
    # conv2: GATConv(D_EDGE -> D_MID)
    inp['W2'] = jax.random.normal(ks[8], (D_EDGE, D_MID), dtype=jnp.float32) * s
    inp['We2'] = jax.random.normal(ks[9], (D_EDGE, D_MID), dtype=jnp.float32) * s
    inp['a2_src'] = jax.random.normal(ks[10], (D_MID,), dtype=jnp.float32) * s
    inp['a2_dst'] = jax.random.normal(ks[11], (D_MID,), dtype=jnp.float32) * s
    inp['a2_edge'] = jax.random.normal(ks[12], (D_MID,), dtype=jnp.float32) * s
    inp['b2'] = jnp.zeros((D_MID,), dtype=jnp.float32)
    # conv3: GATConv(D_MID -> 2)
    inp['W3'] = jax.random.normal(ks[13], (D_MID, 2), dtype=jnp.float32) * s
    inp['We3'] = jax.random.normal(ks[14], (D_EDGE, 2), dtype=jnp.float32) * s
    inp['a3_src'] = jax.random.normal(ks[15], (2,), dtype=jnp.float32) * s
    inp['a3_dst'] = jax.random.normal(ks[16], (2,), dtype=jnp.float32) * s
    inp['a3_edge'] = jax.random.normal(ks[17], (2,), dtype=jnp.float32) * s
    inp['b3'] = jnp.zeros((2,), dtype=jnp.float32)
    # classifier Linear(2 -> 21)
    inp['Wc'] = jax.random.normal(ks[18], (2, 21), dtype=jnp.float32) * s
    inp['bc'] = jnp.zeros((21,), dtype=jnp.float32)
    return inp


def reference(x, edge_index, edge_attr, W1, We1, a1_src, a1_dst, a1_edge, b1,
              W2, We2, a2_src, a2_dst, a2_edge, b2,
              W3, We3, a3_src, a3_dst, a3_edge, b3, Wc, bc):
    h = _gat_conv(x, edge_index, edge_attr, W1, We1, a1_src, a1_dst, a1_edge, b1)
    h = jax.nn.relu(h)
    # F.dropout with training=False is identity (eval-mode reference)
    h = _gat_conv(h, edge_index, edge_attr, W2, We2, a2_src, a2_dst, a2_edge, b2)
    h = _gat_conv(h, edge_index, edge_attr, W3, We3, a3_src, a3_dst, a3_edge, b3)
    h = h @ Wc + bc
    return jax.nn.log_softmax(h, axis=0)

if __name__ == "__main__":
    import jax
    _d = setup_inputs()
    print(jax.jit(kernel)(*tuple(_d.values())))

</pallas_src>

<mosaic_0001>
#map = affine_map<(d0, d1) -> (0)>
#map1 = affine_map<(d0, d1) -> (0, 0)>
#map2 = affine_map<(d0, d1) -> (0, 0, 0)>
module attributes {stable_mosaic.version = 14 : i64} {
  func.func @_sc_layer16(%arg0: i32, %arg1: i32, %arg2: memref<327680xi32, #tpu.memory_space<hbm>>, %arg3: memref<327680xi32, #tpu.memory_space<hbm>>, %arg4: memref<327680xf32, #tpu.memory_space<hbm>>, %arg5: memref<10240xf32, #tpu.memory_space<hbm>>, %arg6: memref<10240xf32, #tpu.memory_space<hbm>>, %arg7: memref<10240x16xf32, #tpu.memory_space<hbm>>, %arg8: memref<10240x16xf32, #tpu.memory_space<hbm>>, %arg9: memref<10240xf32, #tpu.memory_space<hbm>>, %arg10: memref<2x10240x16xf32, #tpu.memory_space<hbm>>, %arg11: memref<2x16x10240xf32, #tpu.memory_space<hbm>>, %arg12: memref<10240xf32, #tpu.memory_space<vmem>>, %arg13: memref<10240xf32, #tpu.memory_space<vmem>>, %arg14: memref<10240xf32, #tpu.memory_space<vmem>>, %arg15: memref<10240xi32, #tpu.memory_space<vmem>>, %arg16: memref<10240xi32, #tpu.memory_space<vmem>>, %arg17: memref<10240xf32, #tpu.memory_space<vmem>>, %arg18: memref<128xf32, #tpu.memory_space<vmem>>, %arg19: memref<128x16xf32, #tpu.memory_space<vmem>>, %arg20: memref<10240x16xf32, #tpu.memory_space<vmem_shared>>, %arg21: memref<10240x16xf32, #tpu.memory_space<vmem_shared>>, %arg22: memref<!tpu.dma_semaphore, #tpu.memory_space<semaphore_mem>>) attributes {dimension_semantics = [#tpu.dimension_semantics<core_parallel>, #tpu.dimension_semantics<subcore_parallel>], iteration_bounds = array<i64: 2, 16>, scalar_prefetch = 0 : i64, scratch_operands = 11 : i64, tpu.core_type = #tpu.core_type<sc_vector_subcore>, window_params = [{transform_indices = #map}, {transform_indices = #map}, {transform_indices = #map}, {transform_indices = #map}, {transform_indices = #map}, {transform_indices = #map1}, {transform_indices = #map1}, {transform_indices = #map}, {transform_indices = #map2}, {transform_indices = #map2}]} {
    %mul3A = arith.constant 16 : i32
    %mul3A_0 = arith.muli %arg0, %mul3A : i32
    %add3A = arith.addi %mul3A_0, %arg1 : i32
    %mul3A_1 = arith.constant 640 : i32
    %mul3A_2 = arith.muli %arg1, %mul3A_1 : i32
    %mul3A_3 = arith.constant 10240 : i32
    %mul3A_4 = arith.muli %add3A, %mul3A_3 : i32
    "tpu.region"() ({
      %run_scoped3A = tpu.sem_alloc : memref<!tpu.dma_semaphore, #tpu.memory_space<semaphore_mem>>
      tpu.enqueue_dma source(%arg5 : memref<10240xf32, #tpu.memory_space<hbm>>) target(%arg12 : memref<10240xf32, #tpu.memory_space<vmem>>) target_semaphore(%run_scoped3A : memref<!tpu.dma_semaphore, #tpu.memory_space<semaphore_mem>>)
      tpu.wait_dma2 semaphore(%run_scoped3A : memref<!tpu.dma_semaphore, #tpu.memory_space<semaphore_mem>>) src(%arg5 : memref<10240xf32, #tpu.memory_space<hbm>>) dst(%arg12 : memref<10240xf32, #tpu.memory_space<vmem>>)
      tpu.yield
    }) : () -> ()
    "tpu.region"() ({
      %run_scoped3A = tpu.sem_alloc : memref<!tpu.dma_semaphore, #tpu.memory_space<semaphore_mem>>
      tpu.enqueue_dma source(%arg6 : memref<10240xf32, #tpu.memory_space<hbm>>) target(%arg13 : memref<10240xf32, #tpu.memory_space<vmem>>) target_semaphore(%run_scoped3A : memref<!tpu.dma_semaphore, #tpu.memory_space<semaphore_mem>>)
      tpu.wait_dma2 semaphore(%run_scoped3A : memref<!tpu.dma_semaphore, #tpu.memory_space<semaphore_mem>>) src(%arg6 : memref<10240xf32, #tpu.memory_space<hbm>>) dst(%arg13 : memref<10240xf32, #tpu.memory_space<vmem>>)
      tpu.yield
    }) : () -> ()
    "tpu.region"() ({
      %run_scoped3A = tpu.sem_alloc : memref<!tpu.dma_semaphore, #tpu.memory_space<semaphore_mem>>
      tpu.enqueue_dma source(%arg9 : memref<10240xf32, #tpu.memory_space<hbm>>) target(%arg14 : memref<10240xf32, #tpu.memory_space<vmem>>) target_semaphore(%run_scoped3A : memref<!tpu.dma_semaphore, #tpu.memory_space<semaphore_mem>>)
      tpu.wait_dma2 semaphore(%run_scoped3A : memref<!tpu.dma_semaphore, #tpu.memory_space<semaphore_mem>>) src(%arg9 : memref<10240xf32, #tpu.memory_space<hbm>>) dst(%arg14 : memref<10240xf32, #tpu.memory_space<vmem>>)
      tpu.yield
    }) : () -> ()
    "tpu.region"() ({
      %run_scoped3A = tpu.sem_alloc : memref<!tpu.dma_semaphore, #tpu.memory_space<semaphore_mem>>
      %dma_start3A = tpu.memref_slice %arg2[%mul3A_4] : memref<327680xi32, #tpu.memory_space<hbm>> -> memref<10240xi32, #tpu.memory_space<hbm>>
      %dma_start3A_10 = tpu.memref_slice %arg2[%mul3A_4] : memref<327680xi32, #tpu.memory_space<hbm>> -> memref<10240xi32, #tpu.memory_space<hbm>>
      tpu.enqueue_dma source(%dma_start3A_10 : memref<10240xi32, #tpu.memory_space<hbm>>) target(%arg15 : memref<10240xi32, #tpu.memory_space<vmem>>) target_semaphore(%run_scoped3A : memref<!tpu.dma_semaphore, #tpu.memory_space<semaphore_mem>>)
      %dma_wait3A = tpu.memref_slice %arg2[%mul3A_4] : memref<327680xi32, #tpu.memory_space<hbm>> -> memref<10240xi32, #tpu.memory_space<hbm>>
      %dma_wait3A_11 = tpu.memref_slice %arg2[%mul3A_4] : memref<327680xi32, #tpu.memory_space<hbm>> -> memref<10240xi32, #tpu.memory_space<hbm>>
      tpu.wait_dma2 semaphore(%run_scoped3A : memref<!tpu.dma_semaphore, #tpu.memory_space<semaphore_mem>>) src(%dma_wait3A_11 : memref<10240xi32, #tpu.memory_space<hbm>>) dst(%arg15 : memref<10240xi32, #tpu.memory_space<vmem>>)
      tpu.yield
    }) : () -> ()
    "tpu.region"() ({
      %run_scoped3A = tpu.sem_alloc : memref<!tpu.dma_semaphore, #tpu.memory_space<semaphore_mem>>
      %dma_start3A = tpu.memref_slice %arg3[%mul3A_4] : memref<327680xi32, #tpu.memory_space<hbm>> -> memref<10240xi32, #tpu.memory_space<hbm>>
      %dma_start3A_10 = tpu.memref_slice %arg3[%mul3A_4] : memref<327680xi32, #tpu.memory_space<hbm>> -> memref<10240xi32, #tpu.memory_space<hbm>>
      tpu.enqueue_dma source(%dma_start3A_10 : memref<10240xi32, #tpu.memory_space<hbm>>) target(%arg16 : memref<10240xi32, #tpu.memory_space<vmem>>) target_semaphore(%run_scoped3A : memref<!tpu.dma_semaphore, #tpu.memory_space<semaphore_mem>>)
      %dma_wait3A = tpu.memref_slice %arg3[%mul3A_4] : memref<327680xi32, #tpu.memory_space<hbm>> -> memref<10240xi32, #tpu.memory_space<hbm>>
      %dma_wait3A_11 = tpu.memref_slice %arg3[%mul3A_4] : memref<327680xi32, #tpu.memory_space<hbm>> -> memref<10240xi32, #tpu.memory_space<hbm>>
      tpu.wait_dma2 semaphore(%run_scoped3A : memref<!tpu.dma_semaphore, #tpu.memory_space<semaphore_mem>>) src(%dma_wait3A_11 : memref<10240xi32, #tpu.memory_space<hbm>>) dst(%arg16 : memref<10240xi32, #tpu.memory_space<vmem>>)
      tpu.yield
    }) : () -> ()
    "tpu.region"() ({
      %run_scoped3A = tpu.sem_alloc : memref<!tpu.dma_semaphore, #tpu.memory_space<semaphore_mem>>
      %dma_start3A = tpu.memref_slice %arg4[%mul3A_4] : memref<327680xf32, #tpu.memory_space<hbm>> -> memref<10240xf32, #tpu.memory_space<hbm>>
      %dma_start3A_10 = tpu.memref_slice %arg4[%mul3A_4] : memref<327680xf32, #tpu.memory_space<hbm>> -> memref<10240xf32, #tpu.memory_space<hbm>>
      tpu.enqueue_dma source(%dma_start3A_10 : memref<10240xf32, #tpu.memory_space<hbm>>) target(%arg17 : memref<10240xf32, #tpu.memory_space<vmem>>) target_semaphore(%run_scoped3A : memref<!tpu.dma_semaphore, #tpu.memory_space<semaphore_mem>>)
      %dma_wait3A = tpu.memref_slice %arg4[%mul3A_4] : memref<327680xf32, #tpu.memory_space<hbm>> -> memref<10240xf32, #tpu.memory_space<hbm>>
      %dma_wait3A_11 = tpu.memref_slice %arg4[%mul3A_4] : memref<327680xf32, #tpu.memory_space<hbm>> -> memref<10240xf32, #tpu.memory_space<hbm>>
      tpu.wait_dma2 semaphore(%run_scoped3A : memref<!tpu.dma_semaphore, #tpu.memory_space<semaphore_mem>>) src(%dma_wait3A_11 : memref<10240xf32, #tpu.memory_space<hbm>>) dst(%arg17 : memref<10240xf32, #tpu.memory_space<vmem>>)
      tpu.yield
    }) : () -> ()
    "tpu.region"() ({
      %run_scoped3A = tpu.sem_alloc : memref<!tpu.dma_semaphore, #tpu.memory_space<semaphore_mem>>
      %dma_start3A = arith.constant 0 : i32
      %dma_start3A_10 = tpu.memref_slice %arg20[%mul3A_2, %dma_start3A] : memref<10240x16xf32, #tpu.memory_space<vmem_shared>> -> memref<640x16xf32, #tpu.memory_space<vmem_shared>>
      %dma_start3A_11 = arith.constant 0 : i32
      %dma_start3A_12 = tpu.memref_slice %arg7[%mul3A_2, %dma_start3A_11] : memref<10240x16xf32, #tpu.memory_space<hbm>> -> memref<640x16xf32, #tpu.memory_space<hbm>>
      tpu.enqueue_dma source(%dma_start3A_12 : memref<640x16xf32, #tpu.memory_space<hbm>>) target(%dma_start3A_10 : memref<640x16xf32, #tpu.memory_space<vmem_shared>>) target_semaphore(%run_scoped3A : memref<!tpu.dma_semaphore, #tpu.memory_space<semaphore_mem>>)
      %dma_wait3A = arith.constant 0 : i32
      %dma_wait3A_13 = tpu.memref_slice %arg20[%mul3A_2, %dma_wait3A] : memref<10240x16xf32, #tpu.memory_space<vmem_shared>> -> memref<640x16xf32, #tpu.memory_space<vmem_shared>>
      %dma_wait3A_14 = arith.constant 0 : i32
      %dma_wait3A_15 = tpu.memref_slice %arg7[%mul3A_2, %dma_wait3A_14] : memref<10240x16xf32, #tpu.memory_space<hbm>> -> memref<640x16xf32, #tpu.memory_space<hbm>>
      tpu.wait_dma2 semaphore(%run_scoped3A : memref<!tpu.dma_semaphore, #tpu.memory_space<semaphore_mem>>) src(%dma_wait3A_15 : memref<640x16xf32, #tpu.memory_space<hbm>>) dst(%dma_wait3A_13 : memref<640x16xf32, #tpu.memory_space<vmem_shared>>)
      tpu.yield
    }) : () -> ()
    "tpu.region"() ({
      %run_scoped3A = tpu.sem_alloc : memref<!tpu.dma_semaphore, #tpu.memory_space<semaphore_mem>>
      %dma_start3A = arith.constant 0 : i32
      %dma_start3A_10 = tpu.memref_slice %arg21[%mul3A_2, %dma_start3A] : memref<10240x16xf32, #tpu.memory_space<vmem_shared>> -> memref<640x16xf32, #tpu.memory_space<vmem_shared>>
      %dma_start3A_11 = arith.constant 0 : i32
      %dma_start3A_12 = tpu.memref_slice %arg8[%mul3A_2, %dma_start3A_11] : memref<10240x16xf32, #tpu.memory_space<hbm>> -> memref<640x16xf32, #tpu.memory_space<hbm>>
      tpu.enqueue_dma source(%dma_start3A_12 : memref<640x16xf32, #tpu.memory_space<hbm>>) target(%dma_start3A_10 : memref<640x16xf32, #tpu.memory_space<vmem_shared>>) target_semaphore(%run_scoped3A : memref<!tpu.dma_semaphore, #tpu.memory_space<semaphore_mem>>)
      %dma_wait3A = arith.constant 0 : i32
      %dma_wait3A_13 = tpu.memref_slice %arg21[%mul3A_2, %dma_wait3A] : memref<10240x16xf32, #tpu.memory_space<vmem_shared>> -> memref<640x16xf32, #tpu.memory_space<vmem_shared>>
      %dma_wait3A_14 = arith.constant 0 : i32
      %dma_wait3A_15 = tpu.memref_slice %arg8[%mul3A_2, %dma_wait3A_14] : memref<10240x16xf32, #tpu.memory_space<hbm>> -> memref<640x16xf32, #tpu.memory_space<hbm>>
      tpu.wait_dma2 semaphore(%run_scoped3A : memref<!tpu.dma_semaphore, #tpu.memory_space<semaphore_mem>>) src(%dma_wait3A_15 : memref<640x16xf32, #tpu.memory_space<hbm>>) dst(%dma_wait3A_13 : memref<640x16xf32, #tpu.memory_space<vmem_shared>>)
      tpu.yield
    }) : () -> ()
    %barrier3A = arith.constant 0 : index
    tpu.barrier barrier_id(%barrier3A)
    %scan3A = arith.constant 0 : i32
    %scan3A_5 = arith.constant 80 : i32
    %scan3A_6 = arith.addi %scan3A, %scan3A_5 : i32
    %scan3A_7 = arith.constant 1 : i32
    scf.for %scan3A_10 = %scan3A to %scan3A_6 step %scan3A_7  : i32 {
      %mul3A_11 = arith.constant 1 : i32
      %mul3A_12 = arith.muli %scan3A_10, %mul3A_11 : i32
      %add3A_13 = arith.constant 0 : i32
      %add3A_14 = arith.addi %add3A_13, %mul3A_12 : i32
      %mul3A_15 = arith.constant 128 : i32
      %mul3A_16 = arith.muli %add3A_14, %mul3A_15 : i32
      %dma_start3A = tpu.memref_slice %arg15[%mul3A_16] : memref<10240xi32, #tpu.memory_space<vmem>> -> memref<128xi32, #tpu.memory_space<vmem>>
      %dma_start3A_17 = arith.constant 0 : i32
      %dma_start3A_18 = arith.constant 0 : i32
      %dma_start3A_19 = tpu.memref_slice %arg20[%dma_start3A_17, %dma_start3A_18] : memref<10240x16xf32, #tpu.memory_space<vmem_shared>> -> memref<10240x16xf32, #tpu.memory_space<vmem_shared>>
      tpu.enqueue_indirect_dma source(%dma_start3A_19 : memref<10240x16xf32, #tpu.memory_space<vmem_shared>>) target(%arg19 : memref<128x16xf32, #tpu.memory_space<vmem>>) offsets(%dma_start3A : memref<128xi32, #tpu.memory_space<vmem>>) semaphore(%arg22 : memref<!tpu.dma_semaphore, #tpu.memory_space<semaphore_mem>>)
      %add3A_20 = arith.constant 0 : i32
      %add3A_21 = arith.addi %mul3A_16, %add3A_20 : i32
      %get3A = arith.index_cast %add3A_21 : i32 to index
      %get3A_22 = tpu.vector_load %arg15[%get3A] {strides = array<i32>} : memref<10240xi32, #tpu.memory_space<vmem>>, vector<16xi32>,
      %get3A_23 = arith.index_cast %add3A_21 : i32 to index
      %get3A_24 = tpu.vector_load %arg16[%get3A_23] {strides = array<i32>} : memref<10240xi32, #tpu.memory_space<vmem>>, vector<16xi32>,
      %gather3A = tpu.vector_load_idx %arg12[%get3A_22] : memref<10240xf32, #tpu.memory_space<vmem>>[vector<16xi32>], vector<16xf32>,
      %gather3A_25 = tpu.vector_load_idx %arg13[%get3A_24] : memref<10240xf32, #tpu.memory_space<vmem>>[vector<16xi32>], vector<16xf32>,
      %add3A_26 = arith.addf %gather3A, %gather3A_25 : vector<16xf32>
      %get3A_27 = arith.index_cast %add3A_21 : i32 to index
      %get3A_28 = tpu.vector_load %arg17[%get3A_27] {strides = array<i32>} : memref<10240xf32, #tpu.memory_space<vmem>>, vector<16xf32>,
      %add3A_29 = arith.addf %add3A_26, %get3A_28 : vector<16xf32>
      %ge3A = arith.constant 0.000000e+00 : f32
      %ge3A_30 = vector.broadcast %ge3A : f32 to vector<16xf32>
      %ge3A_31 = arith.cmpf oge, %add3A_29, %ge3A_30 : vector<16xf32>
      %mul3A_32 = arith.constant 2.000000e-01 : f32
      %mul3A_33 = vector.broadcast %mul3A_32 : f32 to vector<16xf32>
      %mul3A_34 = arith.mulf %mul3A_33, %add3A_29 : vector<16xf32>
      %select_n3A = arith.select %ge3A_31, %add3A_29, %mul3A_34 : vector<16xi1>, vector<16xf32>
      %exp3A = math.exp %select_n3A : vector<16xf32>
      %swap3A = arith.constant 0 : index
      %swap3A_35 = tpu.vector_load %arg18[%swap3A] {strides = array<i32>} : memref<128xf32, #tpu.memory_space<vmem>>, vector<16xf32>,
      tpu.vector_store %arg18[%swap3A], %exp3A {strides = array<i32>} : memref<128xf32, #tpu.memory_space<vmem>>, vector<16xf32>,
      tpu.vector_store_idx %arg14[%get3A_24], %exp3A {add = true} : memref<10240xf32, #tpu.memory_space<vmem>>[vector<16xi32>], vector<16xf32>,
      %add3A_36 = arith.constant 16 : i32
      %add3A_37 = arith.addi %mul3A_16, %add3A_36 : i32
      %get3A_38 = arith.index_cast %add3A_37 : i32 to index
      %get3A_39 = tpu.vector_load %arg15[%get3A_38] {strides = array<i32>} : memref<10240xi32, #tpu.memory_space<vmem>>, vector<16xi32>,
      %get3A_40 = arith.index_cast %add3A_37 : i32 to index
      %get3A_41 = tpu.vector_load %arg16[%get3A_40] {strides = array<i32>} : memref<10240xi32, #tpu.memory_space<vmem>>, vector<16xi32>,
      %gather3A_42 = tpu.vector_load_idx %arg12[%get3A_39] : memref<10240xf32, #tpu.memory_space<vmem>>[vector<16xi32>], vector<16xf32>,
      %gather3A_43 = tpu.vector_load_idx %arg13[%get3A_41] : memref<10240xf32, #tpu.memory_space<vmem>>[vector<16xi32>], vector<16xf32>,
      %add3A_44 = arith.addf %gather3A_42, %gather3A_43 : vector<16xf32>
      %get3A_45 = arith.index_cast %add3A_37 : i32 to index
      %get3A_46 = tpu.vector_load %arg17[%get3A_45] {strides = array<i32>} : memref<10240xf32, #tpu.memory_space<vmem>>, vector<16xf32>,
      %add3A_47 = arith.addf %add3A_44, %get3A_46 : vector<16xf32>
      %ge3A_48 = arith.constant 0.000000e+00 : f32
      %ge3A_49 = vector.broadcast %ge3A_48 : f32 to vector<16xf32>
      %ge3A_50 = arith.cmpf oge, %add3A_47, %ge3A_49 : vector<16xf32>
      %mul3A_51 = arith.constant 2.000000e-01 : f32
      %mul3A_52 = vector.broadcast %mul3A_51 : f32 to vector<16xf32>
      %mul3A_53 = arith.mulf %mul3A_52, %add3A_47 : vector<16xf32>
      %select_n3A_54 = arith.select %ge3A_50, %add3A_47, %mul3A_53 : vector<16xi1>, vector<16xf32>
      %exp3A_55 = math.exp %select_n3A_54 : vector<16xf32>
      %swap3A_56 = arith.constant 16 : index
      %swap3A_57 = tpu.vector_load %arg18[%swap3A_56] {strides = array<i32>} : memref<128xf32, #tpu.memory_space<vmem>>, vector<16xf32>,
      tpu.vector_store %arg18[%swap3A_56], %exp3A_55 {strides = array<i32>} : memref<128xf32, #tpu.memory_space<vmem>>, vector<16xf32>,
      tpu.vector_store_idx %arg14[%get3A_41], %exp3A_55 {add = true} : memref<10240xf32, #tpu.memory_space<vmem>>[vector<16xi32>], vector<16xf32>,
      %add3A_58 = arith.constant 32 : i32
      %add3A_59 = arith.addi %mul3A_16, %add3A_58 : i32
      %get3A_60 = arith.index_cast %add3A_59 : i32 to index
      %get3A_61 = tpu.vector_load %arg15[%get3A_60] {strides = array<i32>} : memref<10240xi32, #tpu.memory_space<vmem>>, vector<16xi32>,
      %get3A_62 = arith.index_cast %add3A_59 : i32 to index
      %get3A_63 = tpu.vector_load %arg16[%get3A_62] {strides = array<i32>} : memref<10240xi32, #tpu.memory_space<vmem>>, vector<16xi32>,
      %gather3A_64 = tpu.vector_load_idx %arg12[%get3A_61] : memref<10240xf32, #tpu.memory_space<vmem>>[vector<16xi32>], vector<16xf32>,
      %gather3A_65 = tpu.vector_load_idx %arg13[%get3A_63] : memref<10240xf32, #tpu.memory_space<vmem>>[vector<16xi32>], vector<16xf32>,
      %add3A_66 = arith.addf %gather3A_64, %gather3A_65 : vector<16xf32>
      %get3A_67 = arith.index_cast %add3A_59 : i32 to index
      %get3A_68 = tpu.vector_load %arg17[%get3A_67] {strides = array<i32>} : memref<10240xf32, #tpu.memory_space<vmem>>, vector<16xf32>,
      %add3A_69 = arith.addf %add3A_66, %get3A_68 : vector<16xf32>
      %ge3A_70 = arith.constant 0.000000e+00 : f32
      %ge3A_71 = vector.broadcast %ge3A_70 : f32 to vector<16xf32>
      %ge3A_72 = arith.cmpf oge, %add3A_69, %ge3A_71 : vector<16xf32>
      %mul3A_73 = arith.constant 2.000000e-01 : f32
      %mul3A_74 = vector.broadcast %mul3A_73 : f32 to vector<16xf32>
      %mul3A_75 = arith.mulf %mul3A_74, %add3A_69 : vector<16xf32>
      %select_n3A_76 = arith.select %ge3A_72, %add3A_69, %mul3A_75 : vector<16xi1>, vector<16xf32>
      %exp3A_77 = math.exp %select_n3A_76 : vector<16xf32>
      %swap3A_78 = arith.constant 32 : index
      %swap3A_79 = tpu.vector_load %arg18[%swap3A_78] {strides = array<i32>} : memref<128xf32, #tpu.memory_space<vmem>>, vector<16xf32>,
      tpu.vector_store %arg18[%swap3A_78], %exp3A_77 {strides = array<i32>} : memref<128xf32, #tpu.memory_space<vmem>>, vector<16xf32>,
      tpu.vector_store_idx %arg14[%get3A_63], %exp3A_77 {add = true} : memref<10240xf32, #tpu.memory_space<vmem>>[vector<16xi32>], vector<16xf32>,
      %add3A_80 = arith.constant 48 : i32
      %add3A_81 = arith.addi %mul3A_16, %add3A_80 : i32
      %get3A_82 = arith.index_cast %add3A_81 : i32 to index
      %get3A_83 = tpu.vector_load %arg15[%get3A_82] {strides = array<i32>} : memref<10240xi32, #tpu.memory_space<vmem>>, vector<16xi32>,
      %get3A_84 = arith.index_cast %add3A_81 : i32 to index
      %get3A_85 = tpu.vector_load %arg16[%get3A_84] {strides = array<i32>} : memref<10240xi32, #tpu.memory_space<vmem>>, vector<16xi32>,
      %gather3A_86 = tpu.vector_load_idx %arg12[%get3A_83] : memref<10240xf32, #tpu.memory_space<vmem>>[vector<16xi32>], vector<16xf32>,
      %gather3A_87 = tpu.vector_load_idx %arg13[%get3A_85] : memref<10240xf32, #tpu.memory_space<vmem>>[vector<16xi32>], vector<16xf32>,
      %add3A_88 = arith.addf %gather3A_86, %gather3A_87 : vector<16xf32>
      %get3A_89 = arith.index_cast %add3A_81 : i32 to index
      %get3A_90 = tpu.vector_load %arg17[%get3A_89] {strides = array<i32>} : memref<10240xf32, #tpu.memory_space<vmem>>, vector<16xf32>,
      %add3A_91 = arith.addf %add3A_88, %get3A_90 : vector<16xf32>
      %ge3A_92 = arith.constant 0.000000e+00 : f32
      %ge3A_93 = vector.broadcast %ge3A_92 : f32 to vector<16xf32>
      %ge3A_94 = arith.cmpf oge, %add3A_91, %ge3A_93 : vector<16xf32>
      %mul3A_95 = arith.constant 2.000000e-01 : f32
      %mul3A_96 = vector.broadcast %mul3A_95 : f32 to vector<16xf32>
      %mul3A_97 = arith.mulf %mul3A_96, %add3A_91 : vector<16xf32>
      %select_n3A_98 = arith.select %ge3A_94, %add3A_91, %mul3A_97 : vector<16xi1>, vector<16xf32>
      %exp3A_99 = math.exp %select_n3A_98 : vector<16xf32>
      %swap3A_100 = arith.constant 48 : index
      %swap3A_101 = tpu.vector_load %arg18[%swap3A_100] {strides = array<i32>} : memref<128xf32, #tpu.memory_space<vmem>>, vector<16xf32>,
      tpu.vector_store %arg18[%swap3A_100], %exp3A_99 {strides = array<i32>} : memref<128xf32, #tpu.memory_space<vmem>>, vector<16xf32>,
      tpu.vector_store_idx %arg14[%get3A_85], %exp3A_99 {add = true} : memref<10240xf32, #tpu.memory_space<vmem>>[vector<16xi32>], vector<16xf32>,
      %add3A_102 = arith.constant 64 : i32
      %add3A_103 = arith.addi %mul3A_16, %add3A_102 : i32
      %get3A_104 = arith.index_cast %add3A_103 : i32 to index
      %get3A_105 = tpu.vector_load %arg15[%get3A_104] {strides = array<i32>} : memref<10240xi32, #tpu.memory_space<vmem>>, vector<16xi32>,
      %get3A_106 = arith.index_cast %add3A_103 : i32 to index
      %get3A_107 = tpu.vector_load %arg16[%get3A_106] {strides = array<i32>} : memref<10240xi32, #tpu.memory_space<vmem>>, vector<16xi32>,
      %gather3A_108 = tpu.vector_load_idx %arg12[%get3A_105] : memref<10240xf32, #tpu.memory_space<vmem>>[vector<16xi32>], vector<16xf32>,
      %gather3A_109 = tpu.vector_load_idx %arg13[%get3A_107] : memref<10240xf32, #tpu.memory_space<vmem>>[vector<16xi32>], vector<16xf32>,
      %add3A_110 = arith.addf %gather3A_108, %gather3A_109 : vector<16xf32>
      %get3A_111 = arith.index_cast %add3A_103 : i32 to index
      %get3A_112 = tpu.vector_load %arg17[%get3A_111] {strides = array<i32>} : memref<10240xf32, #tpu.memory_space<vmem>>, vector<16xf32>,
      %add3A_113 = arith.addf %add3A_110, %get3A_112 : vector<16xf32>
      %ge3A_114 = arith.constant 0.000000e+00 : f32
      %ge3A_115 = vector.broadcast %ge3A_114 : f32 to vector<16xf32>
      %ge3A_116 = arith.cmpf oge, %add3A_113, %ge3A_115 : vector<16xf32>
      %mul3A_117 = arith.constant 2.000000e-01 : f32
      %mul3A_118 = vector.broadcast %mul3A_117 : f32 to vector<16xf32>
      %mul3A_119 = arith.mulf %mul3A_118, %add3A_113 : vector<16xf32>
      %select_n3A_120 = arith.select %ge3A_116, %add3A_113, %mul3A_119 : vector<16xi1>, vector<16xf32>
      %exp3A_121 = math.exp %select_n3A_120 : vector<16xf32>
      %swap3A_122 = arith.constant 64 : index
      %swap3A_123 = tpu.vector_load %arg18[%swap3A_122] {strides = array<i32>} : memref<128xf32, #tpu.memory_space<vmem>>, vector<16xf32>,
      tpu.vector_store %arg18[%swap3A_122], %exp3A_121 {strides = array<i32>} : memref<128xf32, #tpu.memory_space<vmem>>, vector<16xf32>,
      tpu.vector_store_idx %arg14[%get3A_107], %exp3A_121 {add = true} : memref<10240xf32, #tpu.memory_space<vmem>>[vector<16xi32>], vector<16xf32>,
      %add3A_124 = arith.constant 80 : i32
      %add3A_125 = arith.addi %mul3A_16, %add3A_124 : i32
      %get3A_126 = arith.index_cast %add3A_125 : i32 to index
      %get3A_127 = tpu.vector_load %arg15[%get3A_126] {strides = array<i32>} : memref<10240xi32, #tpu.memory_space<vmem>>, vector<16xi32>,
      %get3A_128 = arith.index_cast %add3A_125 : i32 to index
      %get3A_129 = tpu.vector_load %arg16[%get3A_128] {strides = array<i32>} : memref<10240xi32, #tpu.memory_space<vmem>>, vector<16xi32>,
      %gather3A_130 = tpu.vector_load_idx %arg12[%get3A_127] : memref<10240xf32, #tpu.memory_space<vmem>>[vector<16xi32>], vector<16xf32>,
      %gather3A_131 = tpu.vector_load_idx %arg13[%get3A_129] : memref<10240xf32, #tpu.memory_space<vmem>>[vector<16xi32>], vector<16xf32>,
      %add3A_132 = arith.addf %gather3A_130, %gather3A_131 : vector<16xf32>
      %get3A_133 = arith.index_cast %add3A_125 : i32 to index
      %get3A_134 = tpu.vector_load %arg17[%get3A_133] {strides = array<i32>} : memref<10240xf32, #tpu.memory_space<vmem>>, vector<16xf32>,
      %add3A_135 = arith.addf %add3A_132, %get3A_134 : vector<16xf32>
      %ge3A_136 = arith.constant 0.000000e+00 : f32
      %ge3A_137 = vector.broadcast %ge3A_136 : f32 to vector<16xf32>
      %ge3A_138 = arith.cmpf oge, %add3A_135, %ge3A_137 : vector<16xf32>
      %mul3A_139 = arith.constant 2.000000e-01 : f32
      %mul3A_140 = vector.broadcast %mul3A_139 : f32 to vector<16xf32>
      %mul3A_141 = arith.mulf %mul3A_140, %add3A_135 : vector<16xf32>
      %select_n3A_142 = arith.select %ge3A_138, %add3A_135, %mul3A_141 : vector<16xi1>, vector<16xf32>
      %exp3A_143 = math.exp %select_n3A_142 : vector<16xf32>
      %swap3A_144 = arith.constant 80 : index
      %swap3A_145 = tpu.vector_load %arg18[%swap3A_144] {strides = array<i32>} : memref<128xf32, #tpu.memory_space<vmem>>, vector<16xf32>,
      tpu.vector_store %arg18[%swap3A_144], %exp3A_143 {strides = array<i32>} : memref<128xf32, #tpu.memory_space<vmem>>, vector<16xf32>,
      tpu.vector_store_idx %arg14[%get3A_129], %exp3A_143 {add = true} : memref<10240xf32, #tpu.memory_space<vmem>>[vector<16xi32>], vector<16xf32>,
      %add3A_146 = arith.constant 96 : i32
      %add3A_147 = arith.addi %mul3A_16, %add3A_146 : i32
      %get3A_148 = arith.index_cast %add3A_147 : i32 to index
      %get3A_149 = tpu.vector_load %arg15[%get3A_148] {strides = array<i32>} : memref<10240xi32, #tpu.memory_space<vmem>>, vector<16xi32>,
      %get3A_150 = arith.index_cast %add3A_147 : i32 to index
      %get3A_151 = tpu.vector_load %arg16[%get3A_150] {strides = array<i32>} : memref<10240xi32, #tpu.memory_space<vmem>>, vector<16xi32>,
      %gather3A_152 = tpu.vector_load_idx %arg12[%get3A_149] : memref<10240xf32, #tpu.memory_space<vmem>>[vector<16xi32>], vector<16xf32>,
      %gather3A_153 = tpu.vector_load_idx %arg13[%get3A_151] : memref<10240xf32, #tpu.memory_space<vmem>>[vector<16xi32>], vector<16xf32>,
      %add3A_154 = arith.addf %gather3A_152, %gather3A_153 : vector<16xf32>
      %get3A_155 = arith.index_cast %add3A_147 : i32 to index
      %get3A_156 = tpu.vector_load %arg17[%get3A_155] {strides = array<i32>} : memref<10240xf32, #tpu.memory_space<vmem>>, vector<16xf32>,
      %add3A_157 = arith.addf %add3A_154, %get3A_156 : vector<16xf32>
      %ge3A_158 = arith.constant 0.000000e+00 : f32
      %ge3A_159 = vector.broadcast %ge3A_158 : f32 to vector<16xf32>
      %ge3A_160 = arith.cmpf oge, %add3A_157, %ge3A_159 : vector<16xf32>
      %mul3A_161 = arith.constant 2.000000e-01 : f32
      %mul3A_162 = vector.broadcast %mul3A_161 : f32 to vector<16xf32>
      %mul3A_163 = arith.mulf %mul3A_162, %add3A_157 : vector<16xf32>
      %select_n3A_164 = arith.select %ge3A_160, %add3A_157, %mul3A_163 : vector<16xi1>, vector<16xf32>
      %exp3A_165 = math.exp %select_n3A_164 : vector<16xf32>
      %swap3A_166 = arith.constant 96 : index
      %swap3A_167 = tpu.vector_load %arg18[%swap3A_166] {strides = array<i32>} : memref<128xf32, #tpu.memory_space<vmem>>, vector<16xf32>,
      tpu.vector_store %arg18[%swap3A_166], %exp3A_165 {strides = array<i32>} : memref<128xf32, #tpu.memory_space<vmem>>, vector<16xf32>,
      tpu.vector_store_idx %arg14[%get3A_151], %exp3A_165 {add = true} : memref<10240xf32, #tpu.memory_space<vmem>>[vector<16xi32>], vector<16xf32>,
      %add3A_168 = arith.constant 112 : i32
      %add3A_169 = arith.addi %mul3A_16, %add3A_168 : i32
      %get3A_170 = arith.index_cast %add3A_169 : i32 to index
      %get3A_171 = tpu.vector_load %arg15[%get3A_170] {strides = array<i32>} : memref<10240xi32, #tpu.memory_space<vmem>>, vector<16xi32>,
      %get3A_172 = arith.index_cast %add3A_169 : i32 to index
      %get3A_173 = tpu.vector_load %arg16[%get3A_172] {strides = array<i32>} : memref<10240xi32, #tpu.memory_space<vmem>>, vector<16xi32>,
      %gather3A_174 = tpu.vector_load_idx %arg12[%get3A_171] : memref<10240xf32, #tpu.memory_space<vmem>>[vector<16xi32>], vector<16xf32>,
      %gather3A_175 = tpu.vector_load_idx %arg13[%get3A_173] : memref<10240xf32, #tpu.memory_space<vmem>>[vector<16xi32>], vector<16xf32>,
      %add3A_176 = arith.addf %gather3A_174, %gather3A_175 : vector<16xf32>
      %get3A_177 = arith.index_cast %add3A_169 : i32 to index
      %get3A_178 = tpu.vector_load %arg17[%get3A_177] {strides = array<i32>} : memref<10240xf32, #tpu.memory_space<vmem>>, vector<16xf32>,
      %add3A_179 = arith.addf %add3A_176, %get3A_178 : vector<16xf32>
      %ge3A_180 = arith.constant 0.000000e+00 : f32
      %ge3A_181 = vector.broadcast %ge3A_180 : f32 to vector<16xf32>
      %ge3A_182 = arith.cmpf oge, %add3A_179, %ge3A_181 : vector<16xf32>
      %mul3A_183 = arith.constant 2.000000e-01 : f32
      %mul3A_184 = vector.broadcast %mul3A_183 : f32 to vector<16xf32>
      %mul3A_185 = arith.mulf %mul3A_184, %add3A_179 : vector<16xf32>
      %select_n3A_186 = arith.select %ge3A_182, %add3A_179, %mul3A_185 : vector<16xi1>, vector<16xf32>
      %exp3A_187 = math.exp %select_n3A_186 : vector<16xf32>
      %swap3A_188 = arith.constant 112 : index
      %swap3A_189 = tpu.vector_load %arg18[%swap3A_188] {strides = array<i32>} : memref<128xf32, #tpu.memory_space<vmem>>, vector<16xf32>,
      tpu.vector_store %arg18[%swap3A_188], %exp3A_187 {strides = array<i32>} : memref<128xf32, #tpu.memory_space<vmem>>, vector<16xf32>,
      tpu.vector_store_idx %arg14[%get3A_173], %exp3A_187 {add = true} : memref<10240xf32, #tpu.memory_space<vmem>>[vector<16xi32>], vector<16xf32>,
      %dma_wait3A = tpu.memref_slice %arg15[%mul3A_16] : memref<10240xi32, #tpu.memory_space<vmem>> -> memref<128xi32, #tpu.memory_space<vmem>>
      %dma_wait3A_190 = arith.constant 0 : i32
      %dma_wait3A_191 = arith.constant 0 : i32
      %dma_wait3A_192 = tpu.memref_slice %arg20[%dma_wait3A_190, %dma_wait3A_191] : memref<10240x16xf32, #tpu.memory_space<vmem_shared>> -> memref<10240x16xf32, #tpu.memory_space<vmem_shared>>
      tpu.wait_indirect_dma semaphore(%arg22 : memref<!tpu.dma_semaphore, #tpu.memory_space<semaphore_mem>>) src(%dma_wait3A_192 : memref<10240x16xf32, #tpu.memory_space<vmem_shared>>) dst(%arg19 : memref<128x16xf32, #tpu.memory_space<vmem>>)
      %parallel_loop3A = arith.constant 0 : i32
      %parallel_loop3A_193 = arith.constant 128 : i32
      %parallel_loop3A_194 = arith.constant 1 : i32
      scf.for %parallel_loop3A_203 = %parallel_loop3A to %parallel_loop3A_193 step %parallel_loop3A_194  : i32 {
        %parallel_loop3A_204 = vector.broadcast %parallel_loop3A_203 : i32 to vector<16xi32>
        %parallel_loop3A_205 = tpu.vector_load_idx %arg18[%parallel_loop3A_204] : memref<128xf32, #tpu.memory_space<vmem>>[vector<16xi32>], vector<16xf32>,
        %parallel_loop3A_206 = arith.index_cast %parallel_loop3A_203 : i32 to index
        %parallel_loop3A_207 = arith.constant 0 : index
        %parallel_loop3A_208 = tpu.vector_load %arg19[%parallel_loop3A_206, %parallel_loop3A_207] {strides = array<i32>} : memref<128x16xf32, #tpu.memory_space<vmem>>, vector<16xf32>,
        %parallel_loop3A_209 = arith.mulf %parallel_loop3A_208, %parallel_loop3A_205 : vector<16xf32>
        %parallel_loop3A_210 = arith.index_cast %parallel_loop3A_203 : i32 to index
        %parallel_loop3A_211 = arith.constant 0 : index
        %parallel_loop3A_212 = tpu.vector_load %arg19[%parallel_loop3A_210, %parallel_loop3A_211] {strides = array<i32>} : memref<128x16xf32, #tpu.memory_space<vmem>>, vector<16xf32>,
        tpu.vector_store %arg19[%parallel_loop3A_210, %parallel_loop3A_211], %parallel_loop3A_209 {strides = array<i32>} : memref<128x16xf32, #tpu.memory_space<vmem>>, vector<16xf32>,
      } {sc.loop_unroll_factor = 8 : i64, sc.parallel_access}
      %dma_start3A_195 = tpu.memref_slice %arg16[%mul3A_16] : memref<10240xi32, #tpu.memory_space<vmem>> -> memref<128xi32, #tpu.memory_space<vmem>>
      %dma_start3A_196 = arith.constant 0 : i32
      %dma_start3A_197 = arith.constant 0 : i32
      %dma_start3A_198 = tpu.memref_slice %arg21[%dma_start3A_196, %dma_start3A_197] : memref<10240x16xf32, #tpu.memory_space<vmem_shared>> -> memref<10240x16xf32, #tpu.memory_space<vmem_shared>>
      tpu.enqueue_indirect_dma source(%arg19 : memref<128x16xf32, #tpu.memory_space<vmem>>) target(%dma_start3A_198 : memref<10240x16xf32, #tpu.memory_space<vmem_shared>>) offsets(%dma_start3A_195 : memref<128xi32, #tpu.memory_space<vmem>>) semaphore(%arg22 : memref<!tpu.dma_semaphore, #tpu.memory_space<semaphore_mem>>) {add = true}
      %dma_wait3A_199 = tpu.memref_slice %arg16[%mul3A_16] : memref<10240xi32, #tpu.memory_space<vmem>> -> memref<128xi32, #tpu.memory_space<vmem>>
      %dma_wait3A_200 = arith.constant 0 : i32
      %dma_wait3A_201 = arith.constant 0 : i32
      %dma_wait3A_202 = tpu.memref_slice %arg21[%dma_wait3A_200, %dma_wait3A_201] : memref<10240x16xf32, #tpu.memory_space<vmem_shared>> -> memref<10240x16xf32, #tpu.memory_space<vmem_shared>>
      tpu.wait_indirect_dma semaphore(%arg22 : memref<!tpu.dma_semaphore, #tpu.memory_space<semaphore_mem>>) src(%arg19 : memref<128x16xf32, #tpu.memory_space<vmem>>) dst(%dma_wait3A_202 : memref<10240x16xf32, #tpu.memory_space<vmem_shared>>)
    }
    %scan3A_8 = arith.constant 80 : i32
    %barrier3A_9 = arith.constant 0 : index
    tpu.barrier barrier_id(%barrier3A_9)
    "tpu.region"() ({
      %run_scoped3A = tpu.sem_alloc : memref<!tpu.dma_semaphore, #tpu.memory_space<semaphore_mem>>
      %dma_start3A = arith.constant 0 : i32
      %dma_start3A_10 = tpu.memref_slice %arg10[%arg0, %mul3A_2, %dma_start3A] : memref<2x10240x16xf32, #tpu.memory_space<hbm>> -> memref<1x640x16xf32, #tpu.memory_space<hbm>>
      %dma_start3A_11 = tpu.memref_squeeze %dma_start3A_10 : memref<1x640x16xf32, #tpu.memory_space<hbm>> -> memref<640x16xf32, #tpu.memory_space<hbm>>
      %dma_start3A_12 = arith.constant 0 : i32
      %dma_start3A_13 = tpu.memref_slice %arg21[%mul3A_2, %dma_start3A_12] : memref<10240x16xf32, #tpu.memory_space<vmem_shared>> -> memref<640x16xf32, #tpu.memory_space<vmem_shared>>
      tpu.enqueue_dma source(%dma_start3A_13 : memref<640x16xf32, #tpu.memory_space<vmem_shared>>) target(%dma_start3A_11 : memref<640x16xf32, #tpu.memory_space<hbm>>) target_semaphore(%run_scoped3A : memref<!tpu.dma_semaphore, #tpu.memory_space<semaphore_mem>>)
      %dma_wait3A = arith.constant 0 : i32
      %dma_wait3A_14 = tpu.memref_slice %arg10[%arg0, %mul3A_2, %dma_wait3A] : memref<2x10240x16xf32, #tpu.memory_space<hbm>> -> memref<1x640x16xf32, #tpu.memory_space<hbm>>
      %dma_wait3A_15 = tpu.memref_squeeze %dma_wait3A_14 : memref<1x640x16xf32, #tpu.memory_space<hbm>> -> memref<640x16xf32, #tpu.memory_space<hbm>>
      %dma_wait3A_16 = arith.constant 0 : i32
      %dma_wait3A_17 = tpu.memref_slice %arg21[%mul3A_2, %dma_wait3A_16] : memref<10240x16xf32, #tpu.memory_space<vmem_shared>> -> memref<640x16xf32, #tpu.memory_space<vmem_shared>>
      tpu.wait_dma2 semaphore(%run_scoped3A : memref<!tpu.dma_semaphore, #tpu.memory_space<semaphore_mem>>) src(%dma_wait3A_17 : memref<640x16xf32, #tpu.memory_space<vmem_shared>>) dst(%dma_wait3A_15 : memref<640x16xf32, #tpu.memory_space<hbm>>)
      tpu.yield
    }) : () -> ()
    "tpu.region"() ({
      %run_scoped3A = tpu.sem_alloc : memref<!tpu.dma_semaphore, #tpu.memory_space<semaphore_mem>>
      %dma_start3A = arith.constant 0 : i32
      %dma_start3A_10 = tpu.memref_slice %arg11[%arg0, %arg1, %dma_start3A] : memref<2x16x10240xf32, #tpu.memory_space<hbm>> -> memref<1x1x10240xf32, #tpu.memory_space<hbm>>
      %dma_start3A_11 = tpu.memref_squeeze %dma_start3A_10 : memref<1x1x10240xf32, #tpu.memory_space<hbm>> -> memref<10240xf32, #tpu.memory_space<hbm>>
      %dma_start3A_12 = arith.constant 0 : i32
      %dma_start3A_13 = tpu.memref_slice %arg11[%arg0, %arg1, %dma_start3A_12] : memref<2x16x10240xf32, #tpu.memory_space<hbm>> -> memref<1x1x10240xf32, #tpu.memory_space<hbm>>
      %dma_start3A_14 = tpu.memref_squeeze %dma_start3A_13 : memref<1x1x10240xf32, #tpu.memory_space<hbm>> -> memref<10240xf32, #tpu.memory_space<hbm>>
      tpu.enqueue_dma source(%arg14 : memref<10240xf32, #tpu.memory_space<vmem>>) target(%dma_start3A_14 : memref<10240xf32, #tpu.memory_space<hbm>>) target_semaphore(%run_scoped3A : memref<!tpu.dma_semaphore, #tpu.memory_space<semaphore_mem>>)
      %dma_wait3A = arith.constant 0 : i32
      %dma_wait3A_15 = tpu.memref_slice %arg11[%arg0, %arg1, %dma_wait3A] : memref<2x16x10240xf32, #tpu.memory_space<hbm>> -> memref<1x1x10240xf32, #tpu.memory_space<hbm>>
      %dma_wait3A_16 = tpu.memref_squeeze %dma_wait3A_15 : memref<1x1x10240xf32, #tpu.memory_space<hbm>> -> memref<10240xf32, #tpu.memory_space<hbm>>
      %dma_wait3A_17 = arith.constant 0 : i32
      %dma_wait3A_18 = tpu.memref_slice %arg11[%arg0, %arg1, %dma_wait3A_17] : memref<2x16x10240xf32, #tpu.memory_space<hbm>> -> memref<1x1x10240xf32, #tpu.memory_space<hbm>>
      %dma_wait3A_19 = tpu.memref_squeeze %dma_wait3A_18 : memref<1x1x10240xf32, #tpu.memory_space<hbm>> -> memref<10240xf32, #tpu.memory_space<hbm>>
      tpu.wait_dma2 semaphore(%run_scoped3A : memref<!tpu.dma_semaphore, #tpu.memory_space<semaphore_mem>>) src(%arg14 : memref<10240xf32, #tpu.memory_space<vmem>>) dst(%dma_wait3A_19 : memref<10240xf32, #tpu.memory_space<hbm>>)
      tpu.yield
    }) : () -> ()
    return
  }
}

#map = affine_map<(d0, d1) -> (0)>
#map1 = affine_map<(d0, d1) -> (0, 0)>
#map2 = affine_map<(d0, d1) -> (0, 0, 0)>
module attributes {stable_mosaic.version = 14 : i64} {
  func.func @_sc_layer128(%arg0: i32, %arg1: i32, %arg2: memref<327680xi32, #tpu.memory_space<hbm>>, %arg3: memref<327680xi32, #tpu.memory_space<hbm>>, %arg4: memref<327680xf32, #tpu.memory_space<hbm>>, %arg5: memref<10240xf32, #tpu.memory_space<hbm>>, %arg6: memref<10240xf32, #tpu.memory_space<hbm>>, %arg7: memref<10240x128xf32, #tpu.memory_space<hbm>>, %arg8: memref<10240x64xf32, #tpu.memory_space<hbm>>, %arg9: memref<10240xf32, #tpu.memory_space<hbm>>, %arg10: memref<2x10240x64xf32, #tpu.memory_space<hbm>>, %arg11: memref<16x10240xf32, #tpu.memory_space<hbm>>, %arg12: memref<10240xf32, #tpu.memory_space<vmem>>, %arg13: memref<10240xf32, #tpu.memory_space<vmem>>, %arg14: memref<10240xf32, #tpu.memory_space<vmem>>, %arg15: memref<2560xi32, #tpu.memory_space<vmem>>, %arg16: memref<2560xi32, #tpu.memory_space<vmem>>, %arg17: memref<2560xf32, #tpu.memory_space<vmem>>, %arg18: memref<128xf32, #tpu.memory_space<vmem>>, %arg19: memref<128x64xf32, #tpu.memory_space<vmem>>, %arg20: memref<10240x64xf32, #tpu.memory_space<vmem_shared>>, %arg21: memref<10240x64xf32, #tpu.memory_space<vmem_shared>>, %arg22: memref<!tpu.dma_semaphore, #tpu.memory_space<semaphore_mem>>) attributes {dimension_semantics = [#tpu.dimension_semantics<core_parallel>, #tpu.dimension_semantics<subcore_parallel>], iteration_bounds = array<i64: 2, 16>, scalar_prefetch = 0 : i64, scratch_operands = 11 : i64, tpu.core_type = #tpu.core_type<sc_vector_subcore>, window_params = [{transform_indices = #map}, {transform_indices = #map}, {transform_indices = #map}, {transform_indices = #map}, {transform_indices = #map}, {transform_indices = #map1}, {transform_indices = #map1}, {transform_indices = #map}, {transform_indices = #map2}, {transform_indices = #map1}]} {
    %mul3A = arith.constant 640 : i32
    %mul3A_0 = arith.muli %arg1, %mul3A : i32
    %mul3A_1 = arith.constant 64 : i32
    %mul3A_2 = arith.muli %arg0, %mul3A_1 : i32
    %mul3A_3 = arith.constant 20480 : i32
    %mul3A_4 = arith.muli %arg1, %mul3A_3 : i32
    "tpu.region"() ({
      %run_scoped3A = tpu.sem_alloc : memref<!tpu.dma_semaphore, #tpu.memory_space<semaphore_mem>>
      tpu.enqueue_dma source(%arg5 : memref<10240xf32, #tpu.memory_space<hbm>>) target(%arg12 : memref<10240xf32, #tpu.memory_space<vmem>>) target_semaphore(%run_scoped3A : memref<!tpu.dma_semaphore, #tpu.memory_space<semaphore_mem>>)
      tpu.wait_dma2 semaphore(%run_scoped3A : memref<!tpu.dma_semaphore, #tpu.memory_space<semaphore_mem>>) src(%arg5 : memref<10240xf32, #tpu.memory_space<hbm>>) dst(%arg12 : memref<10240xf32, #tpu.memory_space<vmem>>)
      tpu.yield
    }) : () -> ()
    "tpu.region"() ({
      %run_scoped3A = tpu.sem_alloc : memref<!tpu.dma_semaphore, #tpu.memory_space<semaphore_mem>>
      tpu.enqueue_dma source(%arg6 : memref<10240xf32, #tpu.memory_space<hbm>>) target(%arg13 : memref<10240xf32, #tpu.memory_space<vmem>>) target_semaphore(%run_scoped3A : memref<!tpu.dma_semaphore, #tpu.memory_space<semaphore_mem>>)
      tpu.wait_dma2 semaphore(%run_scoped3A : memref<!tpu.dma_semaphore, #tpu.memory_space<semaphore_mem>>) src(%arg6 : memref<10240xf32, #tpu.memory_space<hbm>>) dst(%arg13 : memref<10240xf32, #tpu.memory_space<vmem>>)
      tpu.yield
    }) : () -> ()
    "tpu.region"() ({
      %run_scoped3A = tpu.sem_alloc : memref<!tpu.dma_semaphore, #tpu.memory_space<semaphore_mem>>
      tpu.enqueue_dma source(%arg9 : memref<10240xf32, #tpu.memory_space<hbm>>) target(%arg14 : memref<10240xf32, #tpu.memory_space<vmem>>) target_semaphore(%run_scoped3A : memref<!tpu.dma_semaphore, #tpu.memory_space<semaphore_mem>>)
      tpu.wait_dma2 semaphore(%run_scoped3A : memref<!tpu.dma_semaphore, #tpu.memory_space<semaphore_mem>>) src(%arg9 : memref<10240xf32, #tpu.memory_space<hbm>>) dst(%arg14 : memref<10240xf32, #tpu.memory_space<vmem>>)
      tpu.yield
    }) : () -> ()
    "tpu.region"() ({
      %run_scoped3A = tpu.sem_alloc : memref<!tpu.dma_semaphore, #tpu.memory_space<semaphore_mem>>
      %dma_start3A = arith.constant 0 : i32
      %dma_start3A_12 = tpu.memref_slice %arg20[%mul3A_0, %dma_start3A] : memref<10240x64xf32, #tpu.memory_space<vmem_shared>> -> memref<640x64xf32, #tpu.memory_space<vmem_shared>>
      %dma_start3A_13 = tpu.memref_slice %arg7[%mul3A_0, %mul3A_2] : memref<10240x128xf32, #tpu.memory_space<hbm>> -> memref<640x64xf32, #tpu.memory_space<hbm>>
      tpu.enqueue_dma source(%dma_start3A_13 : memref<640x64xf32, #tpu.memory_space<hbm>>) target(%dma_start3A_12 : memref<640x64xf32, #tpu.memory_space<vmem_shared>>) target_semaphore(%run_scoped3A : memref<!tpu.dma_semaphore, #tpu.memory_space<semaphore_mem>>)
      %dma_wait3A = arith.constant 0 : i32
      %dma_wait3A_14 = tpu.memref_slice %arg20[%mul3A_0, %dma_wait3A] : memref<10240x64xf32, #tpu.memory_space<vmem_shared>> -> memref<640x64xf32, #tpu.memory_space<vmem_shared>>
      %dma_wait3A_15 = tpu.memref_slice %arg7[%mul3A_0, %mul3A_2] : memref<10240x128xf32, #tpu.memory_space<hbm>> -> memref<640x64xf32, #tpu.memory_space<hbm>>
      tpu.wait_dma2 semaphore(%run_scoped3A : memref<!tpu.dma_semaphore, #tpu.memory_space<semaphore_mem>>) src(%dma_wait3A_15 : memref<640x64xf32, #tpu.memory_space<hbm>>) dst(%dma_wait3A_14 : memref<640x64xf32, #tpu.memory_space<vmem_shared>>)
      tpu.yield
    }) : () -> ()
    "tpu.region"() ({
      %run_scoped3A = tpu.sem_alloc : memref<!tpu.dma_semaphore, #tpu.memory_space<semaphore_mem>>
      %dma_start3A = arith.constant 0 : i32
      %dma_start3A_12 = tpu.memref_slice %arg21[%mul3A_0, %dma_start3A] : memref<10240x64xf32, #tpu.memory_space<vmem_shared>> -> memref<640x64xf32, #tpu.memory_space<vmem_shared>>
      %dma_start3A_13 = arith.constant 0 : i32
      %dma_start3A_14 = tpu.memref_slice %arg8[%mul3A_0, %dma_start3A_13] : memref<10240x64xf32, #tpu.memory_space<hbm>> -> memref<640x64xf32, #tpu.memory_space<hbm>>
      tpu.enqueue_dma source(%dma_start3A_14 : memref<640x64xf32, #tpu.memory_space<hbm>>) target(%dma_start3A_12 : memref<640x64xf32, #tpu.memory_space<vmem_shared>>) target_semaphore(%run_scoped3A : memref<!tpu.dma_semaphore, #tpu.memory_space<semaphore_mem>>)
      %dma_wait3A = arith.constant 0 : i32
      %dma_wait3A_15 = tpu.memref_slice %arg21[%mul3A_0, %dma_wait3A] : memref<10240x64xf32, #tpu.memory_space<vmem_shared>> -> memref<640x64xf32, #tpu.memory_space<vmem_shared>>
      %dma_wait3A_16 = arith.constant 0 : i32
      %dma_wait3A_17 = tpu.memref_slice %arg8[%mul3A_0, %dma_wait3A_16] : memref<10240x64xf32, #tpu.memory_space<hbm>> -> memref<640x64xf32, #tpu.memory_space<hbm>>
      tpu.wait_dma2 semaphore(%run_scoped3A : memref<!tpu.dma_semaphore, #tpu.memory_space<semaphore_mem>>) src(%dma_wait3A_17 : memref<640x64xf32, #tpu.memory_space<hbm>>) dst(%dma_wait3A_15 : memref<640x64xf32, #tpu.memory_space<vmem_shared>>)
      tpu.yield
    }) : () -> ()
    %barrier3A = arith.constant 0 : index
    tpu.barrier barrier_id(%barrier3A)
    %scan3A = arith.constant 0 : i32
    %scan3A_5 = arith.constant 8 : i32
    %scan3A_6 = arith.addi %scan3A, %scan3A_5 : i32
    %scan3A_7 = arith.constant 1 : i32
    scf.for %scan3A_12 = %scan3A to %scan3A_6 step %scan3A_7  : i32 {
      %mul3A_13 = arith.constant 1 : i32
      %mul3A_14 = arith.muli %scan3A_12, %mul3A_13 : i32
      %add3A = arith.constant 0 : i32
      %add3A_15 = arith.addi %add3A, %mul3A_14 : i32
      %mul3A_16 = arith.constant 2560 : i32
      %mul3A_17 = arith.muli %add3A_15, %mul3A_16 : i32
      %add3A_18 = arith.addi %mul3A_4, %mul3A_17 : i32
      "tpu.region"() ({
        %run_scoped3A = tpu.sem_alloc : memref<!tpu.dma_semaphore, #tpu.memory_space<semaphore_mem>>
        %dma_start3A = tpu.memref_slice %arg2[%add3A_18] : memref<327680xi32, #tpu.memory_space<hbm>> -> memref<2560xi32, #tpu.memory_space<hbm>>
        %dma_start3A_24 = tpu.memref_slice %arg2[%add3A_18] : memref<327680xi32, #tpu.memory_space<hbm>> -> memref<2560xi32, #tpu.memory_space<hbm>>
        tpu.enqueue_dma source(%dma_start3A_24 : memref<2560xi32, #tpu.memory_space<hbm>>) target(%arg15 : memref<2560xi32, #tpu.memory_space<vmem>>) target_semaphore(%run_scoped3A : memref<!tpu.dma_semaphore, #tpu.memory_space<semaphore_mem>>)
        %dma_wait3A = tpu.memref_slice %arg2[%add3A_18] : memref<327680xi32, #tpu.memory_space<hbm>> -> memref<2560xi32, #tpu.memory_space<hbm>>
        %dma_wait3A_25 = tpu.memref_slice %arg2[%add3A_18] : memref<327680xi32, #tpu.memory_space<hbm>> -> memref<2560xi32, #tpu.memory_space<hbm>>
        tpu.wait_dma2 semaphore(%run_scoped3A : memref<!tpu.dma_semaphore, #tpu.memory_space<semaphore_mem>>) src(%dma_wait3A_25 : memref<2560xi32, #tpu.memory_space<hbm>>) dst(%arg15 : memref<2560xi32, #tpu.memory_space<vmem>>)
        tpu.yield
      }) : () -> ()
      "tpu.region"() ({
        %run_scoped3A = tpu.sem_alloc : memref<!tpu.dma_semaphore, #tpu.memory_space<semaphore_mem>>
        %dma_start3A = tpu.memref_slice %arg3[%add3A_18] : memref<327680xi32, #tpu.memory_space<hbm>> -> memref<2560xi32, #tpu.memory_space<hbm>>
        %dma_start3A_24 = tpu.memref_slice %arg3[%add3A_18] : memref<327680xi32, #tpu.memory_space<hbm>> -> memref<2560xi32, #tpu.memory_space<hbm>>
        tpu.enqueue_dma source(%dma_start3A_24 : memref<2560xi32, #tpu.memory_space<hbm>>) target(%arg16 : memref<2560xi32, #tpu.memory_space<vmem>>) target_semaphore(%run_scoped3A : memref<!tpu.dma_semaphore, #tpu.memory_space<semaphore_mem>>)
        %dma_wait3A = tpu.memref_slice %arg3[%add3A_18] : memref<327680xi32, #tpu.memory_space<hbm>> -> memref<2560xi32, #tpu.memory_space<hbm>>
        %dma_wait3A_25 = tpu.memref_slice %arg3[%add3A_18] : memref<327680xi32, #tpu.memory_space<hbm>> -> memref<2560xi32, #tpu.memory_space<hbm>>
        tpu.wait_dma2 semaphore(%run_scoped3A : memref<!tpu.dma_semaphore, #tpu.memory_space<semaphore_mem>>) src(%dma_wait3A_25 : memref<2560xi32, #tpu.memory_space<hbm>>) dst(%arg16 : memref<2560xi32, #tpu.memory_space<vmem>>)
        tpu.yield
      }) : () -> ()
      "tpu.region"() ({
        %run_scoped3A = tpu.sem_alloc : memref<!tpu.dma_semaphore, #tpu.memory_space<semaphore_mem>>
        %dma_start3A = tpu.memref_slice %arg4[%add3A_18] : memref<327680xf32, #tpu.memory_space<hbm>> -> memref<2560xf32, #tpu.memory_space<hbm>>
        %dma_start3A_24 = tpu.memref_slice %arg4[%add3A_18] : memref<327680xf32, #tpu.memory_space<hbm>> -> memref<2560xf32, #tpu.memory_space<hbm>>
        tpu.enqueue_dma source(%dma_start3A_24 : memref<2560xf32, #tpu.memory_space<hbm>>) target(%arg17 : memref<2560xf32, #tpu.memory_space<vmem>>) target_semaphore(%run_scoped3A : memref<!tpu.dma_semaphore, #tpu.memory_space<semaphore_mem>>)
        %dma_wait3A = tpu.memref_slice %arg4[%add3A_18] : memref<327680xf32, #tpu.memory_space<hbm>> -> memref<2560xf32, #tpu.memory_space<hbm>>
        %dma_wait3A_25 = tpu.memref_slice %arg4[%add3A_18] : memref<327680xf32, #tpu.memory_space<hbm>> -> memref<2560xf32, #tpu.memory_space<hbm>>
        tpu.wait_dma2 semaphore(%run_scoped3A : memref<!tpu.dma_semaphore, #tpu.memory_space<semaphore_mem>>) src(%dma_wait3A_25 : memref<2560xf32, #tpu.memory_space<hbm>>) dst(%arg17 : memref<2560xf32, #tpu.memory_space<vmem>>)
        tpu.yield
      }) : () -> ()
      %scan3A_19 = arith.constant 0 : i32
      %scan3A_20 = arith.constant 20 : i32
      %scan3A_21 = arith.addi %scan3A_19, %scan3A_20 : i32
      %scan3A_22 = arith.constant 1 : i32
      scf.for %scan3A_24 = %scan3A_19 to %scan3A_21 step %scan3A_22  : i32 {
        %mul3A_25 = arith.constant 1 : i32
        %mul3A_26 = arith.muli %scan3A_24, %mul3A_25 : i32
        %add3A_27 = arith.constant 0 : i32
        %add3A_28 = arith.addi %add3A_27, %mul3A_26 : i32
        %mul3A_29 = arith.constant 128 : i32
        %mul3A_30 = arith.muli %add3A_28, %mul3A_29 : i32
        %dma_start3A = tpu.memref_slice %arg15[%mul3A_30] : memref<2560xi32, #tpu.memory_space<vmem>> -> memref<128xi32, #tpu.memory_space<vmem>>
        %dma_start3A_31 = arith.constant 0 : i32
        %dma_start3A_32 = arith.constant 0 : i32
        %dma_start3A_33 = tpu.memref_slice %arg20[%dma_start3A_31, %dma_start3A_32] : memref<10240x64xf32, #tpu.memory_space<vmem_shared>> -> memref<10240x64xf32, #tpu.memory_space<vmem_shared>>
        tpu.enqueue_indirect_dma source(%dma_start3A_33 : memref<10240x64xf32, #tpu.memory_space<vmem_shared>>) target(%arg19 : memref<128x64xf32, #tpu.memory_space<vmem>>) offsets(%dma_start3A : memref<128xi32, #tpu.memory_space<vmem>>) semaphore(%arg22 : memref<!tpu.dma_semaphore, #tpu.memory_space<semaphore_mem>>)
        %add3A_34 = arith.constant 0 : i32
        %add3A_35 = arith.addi %mul3A_30, %add3A_34 : i32
        %get3A = arith.index_cast %add3A_35 : i32 to index
        %get3A_36 = tpu.vector_load %arg15[%get3A] {strides = array<i32>} : memref<2560xi32, #tpu.memory_space<vmem>>, vector<16xi32>,
        %get3A_37 = arith.index_cast %add3A_35 : i32 to index
        %get3A_38 = tpu.vector_load %arg16[%get3A_37] {strides = array<i32>} : memref<2560xi32, #tpu.memory_space<vmem>>, vector<16xi32>,
        %gather3A = tpu.vector_load_idx %arg12[%get3A_36] : memref<10240xf32, #tpu.memory_space<vmem>>[vector<16xi32>], vector<16xf32>,
        %gather3A_39 = tpu.vector_load_idx %arg13[%get3A_38] : memref<10240xf32, #tpu.memory_space<vmem>>[vector<16xi32>], vector<16xf32>,
        %add3A_40 = arith.addf %gather3A, %gather3A_39 : vector<16xf32>
        %get3A_41 = arith.index_cast %add3A_35 : i32 to index
        %get3A_42 = tpu.vector_load %arg17[%get3A_41] {strides = array<i32>} : memref<2560xf32, #tpu.memory_space<vmem>>, vector<16xf32>,
        %add3A_43 = arith.addf %add3A_40, %get3A_42 : vector<16xf32>
        %ge3A = arith.constant 0.000000e+00 : f32
        %ge3A_44 = vector.broadcast %ge3A : f32 to vector<16xf32>
        %ge3A_45 = arith.cmpf oge, %add3A_43, %ge3A_44 : vector<16xf32>
        %mul3A_46 = arith.constant 2.000000e-01 : f32
        %mul3A_47 = vector.broadcast %mul3A_46 : f32 to vector<16xf32>
        %mul3A_48 = arith.mulf %mul3A_47, %add3A_43 : vector<16xf32>
        %select_n3A = arith.select %ge3A_45, %add3A_43, %mul3A_48 : vector<16xi1>, vector<16xf32>
        %exp3A = math.exp %select_n3A : vector<16xf32>
        %swap3A = arith.constant 0 : index
        %swap3A_49 = tpu.vector_load %arg18[%swap3A] {strides = array<i32>} : memref<128xf32, #tpu.memory_space<vmem>>, vector<16xf32>,
        tpu.vector_store %arg18[%swap3A], %exp3A {strides = array<i32>} : memref<128xf32, #tpu.memory_space<vmem>>, vector<16xf32>,
        %eq3A_50 = arith.constant 0 : i32
        %eq3A_51 = arith.cmpi eq, %arg0, %eq3A_50 : i32
        %convert_element_type3A_52 = arith.extui %eq3A_51 : i1 to i32
        %cond3A_53 = arith.constant 0 : i32
        %cond3A_54 = arith.cmpi ne, %convert_element_type3A_52, %cond3A_53 : i32
        scf.if %cond3A_54 {
          tpu.vector_store_idx %arg14[%get3A_38], %exp3A {add = true} : memref<10240xf32, #tpu.memory_space<vmem>>[vector<16xi32>], vector<16xf32>,
        } else {
        }
        %add3A_55 = arith.constant 16 : i32
        %add3A_56 = arith.addi %mul3A_30, %add3A_55 : i32
        %get3A_57 = arith.index_cast %add3A_56 : i32 to index
        %get3A_58 = tpu.vector_load %arg15[%get3A_57] {strides = array<i32>} : memref<2560xi32, #tpu.memory_space<vmem>>, vector<16xi32>,
        %get3A_59 = arith.index_cast %add3A_56 : i32 to index
        %get3A_60 = tpu.vector_load %arg16[%get3A_59] {strides = array<i32>} : memref<2560xi32, #tpu.memory_space<vmem>>, vector<16xi32>,
        %gather3A_61 = tpu.vector_load_idx %arg12[%get3A_58] : memref<10240xf32, #tpu.memory_space<vmem>>[vector<16xi32>], vector<16xf32>,
        %gather3A_62 = tpu.vector_load_idx %arg13[%get3A_60] : memref<10240xf32, #tpu.memory_space<vmem>>[vector<16xi32>], vector<16xf32>,
        %add3A_63 = arith.addf %gather3A_61, %gather3A_62 : vector<16xf32>
        %get3A_64 = arith.index_cast %add3A_56 : i32 to index
        %get3A_65 = tpu.vector_load %arg17[%get3A_64] {strides = array<i32>} : memref<2560xf32, #tpu.memory_space<vmem>>, vector<16xf32>,
        %add3A_66 = arith.addf %add3A_63, %get3A_65 : vector<16xf32>
        %ge3A_67 = arith.constant 0.000000e+00 : f32
        %ge3A_68 = vector.broadcast %ge3A_67 : f32 to vector<16xf32>
        %ge3A_69 = arith.cmpf oge, %add3A_66, %ge3A_68 : vector<16xf32>
        %mul3A_70 = arith.constant 2.000000e-01 : f32
        %mul3A_71 = vector.broadcast %mul3A_70 : f32 to vector<16xf32>
        %mul3A_72 = arith.mulf %mul3A_71, %add3A_66 : vector<16xf32>
        %select_n3A_73 = arith.select %ge3A_69, %add3A_66, %mul3A_72 : vector<16xi1>, vector<16xf32>
        %exp3A_74 = math.exp %select_n3A_73 : vector<16xf32>
        %swap3A_75 = arith.constant 16 : index
        %swap3A_76 = tpu.vector_load %arg18[%swap3A_75] {strides = array<i32>} : memref<128xf32, #tpu.memory_space<vmem>>, vector<16xf32>,
        tpu.vector_store %arg18[%swap3A_75], %exp3A_74 {strides = array<i32>} : memref<128xf32, #tpu.memory_space<vmem>>, vector<16xf32>,
        %eq3A_77 = arith.constant 0 : i32
        %eq3A_78 = arith.cmpi eq, %arg0, %eq3A_77 : i32
        %convert_element_type3A_79 = arith.extui %eq3A_78 : i1 to i32
        %cond3A_80 = arith.constant 0 : i32
        %cond3A_81 = arith.cmpi ne, %convert_element_type3A_79, %cond3A_80 : i32
        scf.if %cond3A_81 {
          tpu.vector_store_idx %arg14[%get3A_60], %exp3A_74 {add = true} : memref<10240xf32, #tpu.memory_space<vmem>>[vector<16xi32>], vector<16xf32>,
        } else {
        }
        %add3A_82 = arith.constant 32 : i32
        %add3A_83 = arith.addi %mul3A_30, %add3A_82 : i32
        %get3A_84 = arith.index_cast %add3A_83 : i32 to index
        %get3A_85 = tpu.vector_load %arg15[%get3A_84] {strides = array<i32>} : memref<2560xi32, #tpu.memory_space<vmem>>, vector<16xi32>,
        %get3A_86 = arith.index_cast %add3A_83 : i32 to index
        %get3A_87 = tpu.vector_load %arg16[%get3A_86] {strides = array<i32>} : memref<2560xi32, #tpu.memory_space<vmem>>, vector<16xi32>,
        %gather3A_88 = tpu.vector_load_idx %arg12[%get3A_85] : memref<10240xf32, #tpu.memory_space<vmem>>[vector<16xi32>], vector<16xf32>,
        %gather3A_89 = tpu.vector_load_idx %arg13[%get3A_87] : memref<10240xf32, #tpu.memory_space<vmem>>[vector<16xi32>], vector<16xf32>,
        %add3A_90 = arith.addf %gather3A_88, %gather3A_89 : vector<16xf32>
        %get3A_91 = arith.index_cast %add3A_83 : i32 to index
        %get3A_92 = tpu.vector_load %arg17[%get3A_91] {strides = array<i32>} : memref<2560xf32, #tpu.memory_space<vmem>>, vector<16xf32>,
        %add3A_93 = arith.addf %add3A_90, %get3A_92 : vector<16xf32>
        %ge3A_94 = arith.constant 0.000000e+00 : f32
        %ge3A_95 = vector.broadcast %ge3A_94 : f32 to vector<16xf32>
        %ge3A_96 = arith.cmpf oge, %add3A_93, %ge3A_95 : vector<16xf32>
        %mul3A_97 = arith.constant 2.000000e-01 : f32
        %mul3A_98 = vector.broadcast %mul3A_97 : f32 to vector<16xf32>
        %mul3A_99 = arith.mulf %mul3A_98, %add3A_93 : vector<16xf32>
        %select_n3A_100 = arith.select %ge3A_96, %add3A_93, %mul3A_99 : vector<16xi1>, vector<16xf32>
        %exp3A_101 = math.exp %select_n3A_100 : vector<16xf32>
        %swap3A_102 = arith.constant 32 : index
        %swap3A_103 = tpu.vector_load %arg18[%swap3A_102] {strides = array<i32>} : memref<128xf32, #tpu.memory_space<vmem>>, vector<16xf32>,
        tpu.vector_store %arg18[%swap3A_102], %exp3A_101 {strides = array<i32>} : memref<128xf32, #tpu.memory_space<vmem>>, vector<16xf32>,
        %eq3A_104 = arith.constant 0 : i32
        %eq3A_105 = arith.cmpi eq, %arg0, %eq3A_104 : i32
        %convert_element_type3A_106 = arith.extui %eq3A_105 : i1 to i32
        %cond3A_107 = arith.constant 0 : i32
        %cond3A_108 = arith.cmpi ne, %convert_element_type3A_106, %cond3A_107 : i32
        scf.if %cond3A_108 {
          tpu.vector_store_idx %arg14[%get3A_87], %exp3A_101 {add = true} : memref<10240xf32, #tpu.memory_space<vmem>>[vector<16xi32>], vector<16xf32>,
        } else {
        }
        %add3A_109 = arith.constant 48 : i32
        %add3A_110 = arith.addi %mul3A_30, %add3A_109 : i32
        %get3A_111 = arith.index_cast %add3A_110 : i32 to index
        %get3A_112 = tpu.vector_load %arg15[%get3A_111] {strides = array<i32>} : memref<2560xi32, #tpu.memory_space<vmem>>, vector<16xi32>,
        %get3A_113 = arith.index_cast %add3A_110 : i32 to index
        %get3A_114 = tpu.vector_load %arg16[%get3A_113] {strides = array<i32>} : memref<2560xi32, #tpu.memory_space<vmem>>, vector<16xi32>,
        %gather3A_115 = tpu.vector_load_idx %arg12[%get3A_112] : memref<10240xf32, #tpu.memory_space<vmem>>[vector<16xi32>], vector<16xf32>,
        %gather3A_116 = tpu.vector_load_idx %arg13[%get3A_114] : memref<10240xf32, #tpu.memory_space<vmem>>[vector<16xi32>], vector<16xf32>,
        %add3A_117 = arith.addf %gather3A_115, %gather3A_116 : vector<16xf32>
        %get3A_118 = arith.index_cast %add3A_110 : i32 to index
        %get3A_119 = tpu.vector_load %arg17[%get3A_118] {strides = array<i32>} : memref<2560xf32, #tpu.memory_space<vmem>>, vector<16xf32>,
        %add3A_120 = arith.addf %add3A_117, %get3A_119 : vector<16xf32>
        %ge3A_121 = arith.constant 0.000000e+00 : f32
        %ge3A_122 = vector.broadcast %ge3A_121 : f32 to vector<16xf32>
        %ge3A_123 = arith.cmpf oge, %add3A_120, %ge3A_122 : vector<16xf32>
        %mul3A_124 = arith.constant 2.000000e-01 : f32
        %mul3A_125 = vector.broadcast %mul3A_124 : f32 to vector<16xf32>
        %mul3A_126 = arith.mulf %mul3A_125, %add3A_120 : vector<16xf32>
        %select_n3A_127 = arith.select %ge3A_123, %add3A_120, %mul3A_126 : vector<16xi1>, vector<16xf32>
        %exp3A_128 = math.exp %select_n3A_127 : vector<16xf32>
        %swap3A_129 = arith.constant 48 : index
        %swap3A_130 = tpu.vector_load %arg18[%swap3A_129] {strides = array<i32>} : memref<128xf32, #tpu.memory_space<vmem>>, vector<16xf32>,
        tpu.vector_store %arg18[%swap3A_129], %exp3A_128 {strides = array<i32>} : memref<128xf32, #tpu.memory_space<vmem>>, vector<16xf32>,
        %eq3A_131 = arith.constant 0 : i32
        %eq3A_132 = arith.cmpi eq, %arg0, %eq3A_131 : i32
        %convert_element_type3A_133 = arith.extui %eq3A_132 : i1 to i32
        %cond3A_134 = arith.constant 0 : i32
        %cond3A_135 = arith.cmpi ne, %convert_element_type3A_133, %cond3A_134 : i32
        scf.if %cond3A_135 {
          tpu.vector_store_idx %arg14[%get3A_114], %exp3A_128 {add = true} : memref<10240xf32, #tpu.memory_space<vmem>>[vector<16xi32>], vector<16xf32>,
        } else {
        }
        %add3A_136 = arith.constant 64 : i32
        %add3A_137 = arith.addi %mul3A_30, %add3A_136 : i32
        %get3A_138 = arith.index_cast %add3A_137 : i32 to index
        %get3A_139 = tpu.vector_load %arg15[%get3A_138] {strides = array<i32>} : memref<2560xi32, #tpu.memory_space<vmem>>, vector<16xi32>,
        %get3A_140 = arith.index_cast %add3A_137 : i32 to index
        %get3A_141 = tpu.vector_load %arg16[%get3A_140] {strides = array<i32>} : memref<2560xi32, #tpu.memory_space<vmem>>, vector<16xi32>,
        %gather3A_142 = tpu.vector_load_idx %arg12[%get3A_139] : memref<10240xf32, #tpu.memory_space<vmem>>[vector<16xi32>], vector<16xf32>,
        %gather3A_143 = tpu.vector_load_idx %arg13[%get3A_141] : memref<10240xf32, #tpu.memory_space<vmem>>[vector<16xi32>], vector<16xf32>,
        %add3A_144 = arith.addf %gather3A_142, %gather3A_143 : vector<16xf32>
        %get3A_145 = arith.index_cast %add3A_137 : i32 to index
        %get3A_146 = tpu.vector_load %arg17[%get3A_145] {strides = array<i32>} : memref<2560xf32, #tpu.memory_space<vmem>>, vector<16xf32>,
        %add3A_147 = arith.addf %add3A_144, %get3A_146 : vector<16xf32>
        %ge3A_148 = arith.constant 0.000000e+00 : f32
        %ge3A_149 = vector.broadcast %ge3A_148 : f32 to vector<16xf32>
        %ge3A_150 = arith.cmpf oge, %add3A_147, %ge3A_149 : vector<16xf32>
        %mul3A_151 = arith.constant 2.000000e-01 : f32
        %mul3A_152 = vector.broadcast %mul3A_151 : f32 to vector<16xf32>
        %mul3A_153 = arith.mulf %mul3A_152, %add3A_147 : vector<16xf32>
        %select_n3A_154 = arith.select %ge3A_150, %add3A_147, %mul3A_153 : vector<16xi1>, vector<16xf32>
        %exp3A_155 = math.exp %select_n3A_154 : vector<16xf32>
        %swap3A_156 = arith.constant 64 : index
        %swap3A_157 = tpu.vector_load %arg18[%swap3A_156] {strides = array<i32>} : memref<128xf32, #tpu.memory_space<vmem>>, vector<16xf32>,
        tpu.vector_store %arg18[%swap3A_156], %exp3A_155 {strides = array<i32>} : memref<128xf32, #tpu.memory_space<vmem>>, vector<16xf32>,
        %eq3A_158 = arith.constant 0 : i32
        %eq3A_159 = arith.cmpi eq, %arg0, %eq3A_158 : i32
        %convert_element_type3A_160 = arith.extui %eq3A_159 : i1 to i32
        %cond3A_161 = arith.constant 0 : i32
        %cond3A_162 = arith.cmpi ne, %convert_element_type3A_160, %cond3A_161 : i32
        scf.if %cond3A_162 {
          tpu.vector_store_idx %arg14[%get3A_141], %exp3A_155 {add = true} : memref<10240xf32, #tpu.memory_space<vmem>>[vector<16xi32>], vector<16xf32>,
        } else {
        }
        %add3A_163 = arith.constant 80 : i32
        %add3A_164 = arith.addi %mul3A_30, %add3A_163 : i32
        %get3A_165 = arith.index_cast %add3A_164 : i32 to index
        %get3A_166 = tpu.vector_load %arg15[%get3A_165] {strides = array<i32>} : memref<2560xi32, #tpu.memory_space<vmem>>, vector<16xi32>,
        %get3A_167 = arith.index_cast %add3A_164 : i32 to index
        %get3A_168 = tpu.vector_load %arg16[%get3A_167] {strides = array<i32>} : memref<2560xi32, #tpu.memory_space<vmem>>, vector<16xi32>,
        %gather3A_169 = tpu.vector_load_idx %arg12[%get3A_166] : memref<10240xf32, #tpu.memory_space<vmem>>[vector<16xi32>], vector<16xf32>,
        %gather3A_170 = tpu.vector_load_idx %arg13[%get3A_168] : memref<10240xf32, #tpu.memory_space<vmem>>[vector<16xi32>], vector<16xf32>,
        %add3A_171 = arith.addf %gather3A_169, %gather3A_170 : vector<16xf32>
        %get3A_172 = arith.index_cast %add3A_164 : i32 to index
        %get3A_173 = tpu.vector_load %arg17[%get3A_172] {strides = array<i32>} : memref<2560xf32, #tpu.memory_space<vmem>>, vector<16xf32>,
        %add3A_174 = arith.addf %add3A_171, %get3A_173 : vector<16xf32>
        %ge3A_175 = arith.constant 0.000000e+00 : f32
        %ge3A_176 = vector.broadcast %ge3A_175 : f32 to vector<16xf32>
        %ge3A_177 = arith.cmpf oge, %add3A_174, %ge3A_176 : vector<16xf32>
        %mul3A_178 = arith.constant 2.000000e-01 : f32
        %mul3A_179 = vector.broadcast %mul3A_178 : f32 to vector<16xf32>
        %mul3A_180 = arith.mulf %mul3A_179, %add3A_174 : vector<16xf32>
        %select_n3A_181 = arith.select %ge3A_177, %add3A_174, %mul3A_180 : vector<16xi1>, vector<16xf32>
        %exp3A_182 = math.exp %select_n3A_181 : vector<16xf32>
        %swap3A_183 = arith.constant 80 : index
        %swap3A_184 = tpu.vector_load %arg18[%swap3A_183] {strides = array<i32>} : memref<128xf32, #tpu.memory_space<vmem>>, vector<16xf32>,
        tpu.vector_store %arg18[%swap3A_183], %exp3A_182 {strides = array<i32>} : memref<128xf32, #tpu.memory_space<vmem>>, vector<16xf32>,
        %eq3A_185 = arith.constant 0 : i32
        %eq3A_186 = arith.cmpi eq, %arg0, %eq3A_185 : i32
        %convert_element_type3A_187 = arith.extui %eq3A_186 : i1 to i32
        %cond3A_188 = arith.constant 0 : i32
        %cond3A_189 = arith.cmpi ne, %convert_element_type3A_187, %cond3A_188 : i32
        scf.if %cond3A_189 {
          tpu.vector_store_idx %arg14[%get3A_168], %exp3A_182 {add = true} : memref<10240xf32, #tpu.memory_space<vmem>>[vector<16xi32>], vector<16xf32>,
        } else {
        }
        %add3A_190 = arith.constant 96 : i32
        %add3A_191 = arith.addi %mul3A_30, %add3A_190 : i32
        %get3A_192 = arith.index_cast %add3A_191 : i32 to index
        %get3A_193 = tpu.vector_load %arg15[%get3A_192] {strides = array<i32>} : memref<2560xi32, #tpu.memory_space<vmem>>, vector<16xi32>,
        %get3A_194 = arith.index_cast %add3A_191 : i32 to index
        %get3A_195 = tpu.vector_load %arg16[%get3A_194] {strides = array<i32>} : memref<2560xi32, #tpu.memory_space<vmem>>, vector<16xi32>,
        %gather3A_196 = tpu.vector_load_idx %arg12[%get3A_193] : memref<10240xf32, #tpu.memory_space<vmem>>[vector<16xi32>], vector<16xf32>,
        %gather3A_197 = tpu.vector_load_idx %arg13[%get3A_195] : memref<10240xf32, #tpu.memory_space<vmem>>[vector<16xi32>], vector<16xf32>,
        %add3A_198 = arith.addf %gather3A_196, %gather3A_197 : vector<16xf32>
        %get3A_199 = arith.index_cast %add3A_191 : i32 to index
        %get3A_200 = tpu.vector_load %arg17[%get3A_199] {strides = array<i32>} : memref<2560xf32, #tpu.memory_space<vmem>>, vector<16xf32>,
        %add3A_201 = arith.addf %add3A_198, %get3A_200 : vector<16xf32>
        %ge3A_202 = arith.constant 0.000000e+00 : f32
        %ge3A_203 = vector.broadcast %ge3A_202 : f32 to vector<16xf32>
        %ge3A_204 = arith.cmpf oge, %add3A_201, %ge3A_203 : vector<16xf32>
        %mul3A_205 = arith.constant 2.000000e-01 : f32
        %mul3A_206 = vector.broadcast %mul3A_205 : f32 to vector<16xf32>
        %mul3A_207 = arith.mulf %mul3A_206, %add3A_201 : vector<16xf32>
        %select_n3A_208 = arith.select %ge3A_204, %add3A_201, %mul3A_207 : vector<16xi1>, vector<16xf32>
        %exp3A_209 = math.exp %select_n3A_208 : vector<16xf32>
        %swap3A_210 = arith.constant 96 : index
        %swap3A_211 = tpu.vector_load %arg18[%swap3A_210] {strides = array<i32>} : memref<128xf32, #tpu.memory_space<vmem>>, vector<16xf32>,
        tpu.vector_store %arg18[%swap3A_210], %exp3A_209 {strides = array<i32>} : memref<128xf32, #tpu.memory_space<vmem>>, vector<16xf32>,
        %eq3A_212 = arith.constant 0 : i32
        %eq3A_213 = arith.cmpi eq, %arg0, %eq3A_212 : i32
        %convert_element_type3A_214 = arith.extui %eq3A_213 : i1 to i32
        %cond3A_215 = arith.constant 0 : i32
        %cond3A_216 = arith.cmpi ne, %convert_element_type3A_214, %cond3A_215 : i32
        scf.if %cond3A_216 {
          tpu.vector_store_idx %arg14[%get3A_195], %exp3A_209 {add = true} : memref<10240xf32, #tpu.memory_space<vmem>>[vector<16xi32>], vector<16xf32>,
        } else {
        }
        %add3A_217 = arith.constant 112 : i32
        %add3A_218 = arith.addi %mul3A_30, %add3A_217 : i32
        %get3A_219 = arith.index_cast %add3A_218 : i32 to index
        %get3A_220 = tpu.vector_load %arg15[%get3A_219] {strides = array<i32>} : memref<2560xi32, #tpu.memory_space<vmem>>, vector<16xi32>,
        %get3A_221 = arith.index_cast %add3A_218 : i32 to index
        %get3A_222 = tpu.vector_load %arg16[%get3A_221] {strides = array<i32>} : memref<2560xi32, #tpu.memory_space<vmem>>, vector<16xi32>,
        %gather3A_223 = tpu.vector_load_idx %arg12[%get3A_220] : memref<10240xf32, #tpu.memory_space<vmem>>[vector<16xi32>], vector<16xf32>,
        %gather3A_224 = tpu.vector_load_idx %arg13[%get3A_222] : memref<10240xf32, #tpu.memory_space<vmem>>[vector<16xi32>], vector<16xf32>,
        %add3A_225 = arith.addf %gather3A_223, %gather3A_224 : vector<16xf32>
        %get3A_226 = arith.index_cast %add3A_218 : i32 to index
        %get3A_227 = tpu.vector_load %arg17[%get3A_226] {strides = array<i32>} : memref<2560xf32, #tpu.memory_space<vmem>>, vector<16xf32>,
        %add3A_228 = arith.addf %add3A_225, %get3A_227 : vector<16xf32>
        %ge3A_229 = arith.constant 0.000000e+00 : f32
        %ge3A_230 = vector.broadcast %ge3A_229 : f32 to vector<16xf32>
        %ge3A_231 = arith.cmpf oge, %add3A_228, %ge3A_230 : vector<16xf32>
        %mul3A_232 = arith.constant 2.000000e-01 : f32
        %mul3A_233 = vector.broadcast %mul3A_232 : f32 to vector<16xf32>
        %mul3A_234 = arith.mulf %mul3A_233, %add3A_228 : vector<16xf32>
        %select_n3A_235 = arith.select %ge3A_231, %add3A_228, %mul3A_234 : vector<16xi1>, vector<16xf32>
        %exp3A_236 = math.exp %select_n3A_235 : vector<16xf32>
        %swap3A_237 = arith.constant 112 : index
        %swap3A_238 = tpu.vector_load %arg18[%swap3A_237] {strides = array<i32>} : memref<128xf32, #tpu.memory_space<vmem>>, vector<16xf32>,
        tpu.vector_store %arg18[%swap3A_237], %exp3A_236 {strides = array<i32>} : memref<128xf32, #tpu.memory_space<vmem>>, vector<16xf32>,
        %eq3A_239 = arith.constant 0 : i32
        %eq3A_240 = arith.cmpi eq, %arg0, %eq3A_239 : i32
        %convert_element_type3A_241 = arith.extui %eq3A_240 : i1 to i32
        %cond3A_242 = arith.constant 0 : i32
        %cond3A_243 = arith.cmpi ne, %convert_element_type3A_241, %cond3A_242 : i32
        scf.if %cond3A_243 {
          tpu.vector_store_idx %arg14[%get3A_222], %exp3A_236 {add = true} : memref<10240xf32, #tpu.memory_space<vmem>>[vector<16xi32>], vector<16xf32>,
        } else {
        }
        %dma_wait3A = tpu.memref_slice %arg15[%mul3A_30] : memref<2560xi32, #tpu.memory_space<vmem>> -> memref<128xi32, #tpu.memory_space<vmem>>
        %dma_wait3A_244 = arith.constant 0 : i32
        %dma_wait3A_245 = arith.constant 0 : i32
        %dma_wait3A_246 = tpu.memref_slice %arg20[%dma_wait3A_244, %dma_wait3A_245] : memref<10240x64xf32, #tpu.memory_space<vmem_shared>> -> memref<10240x64xf32, #tpu.memory_space<vmem_shared>>
        tpu.wait_indirect_dma semaphore(%arg22 : memref<!tpu.dma_semaphore, #tpu.memory_space<semaphore_mem>>) src(%dma_wait3A_246 : memref<10240x64xf32, #tpu.memory_space<vmem_shared>>) dst(%arg19 : memref<128x64xf32, #tpu.memory_space<vmem>>)
        %parallel_loop3A = arith.constant 0 : i32
        %parallel_loop3A_247 = arith.constant 128 : i32
        %parallel_loop3A_248 = arith.constant 1 : i32
        scf.for %parallel_loop3A_257 = %parallel_loop3A to %parallel_loop3A_247 step %parallel_loop3A_248  : i32 {
          %parallel_loop3A_258 = vector.broadcast %parallel_loop3A_257 : i32 to vector<16xi32>
          %parallel_loop3A_259 = tpu.vector_load_idx %arg18[%parallel_loop3A_258] : memref<128xf32, #tpu.memory_space<vmem>>[vector<16xi32>], vector<16xf32>,
          %parallel_loop3A_260 = arith.index_cast %parallel_loop3A_257 : i32 to index
          %parallel_loop3A_261 = arith.constant 0 : index
          %parallel_loop3A_262 = tpu.vector_load %arg19[%parallel_loop3A_260, %parallel_loop3A_261] {strides = array<i32>} : memref<128x64xf32, #tpu.memory_space<vmem>>, vector<16xf32>,
          %parallel_loop3A_263 = arith.mulf %parallel_loop3A_262, %parallel_loop3A_259 : vector<16xf32>
          %parallel_loop3A_264 = arith.index_cast %parallel_loop3A_257 : i32 to index
          %parallel_loop3A_265 = arith.constant 0 : index
          %parallel_loop3A_266 = tpu.vector_load %arg19[%parallel_loop3A_264, %parallel_loop3A_265] {strides = array<i32>} : memref<128x64xf32, #tpu.memory_space<vmem>>, vector<16xf32>,
          tpu.vector_store %arg19[%parallel_loop3A_264, %parallel_loop3A_265], %parallel_loop3A_263 {strides = array<i32>} : memref<128x64xf32, #tpu.memory_space<vmem>>, vector<16xf32>,
          %parallel_loop3A_267 = arith.index_cast %parallel_loop3A_257 : i32 to index
          %parallel_loop3A_268 = arith.constant 16 : index
          %parallel_loop3A_269 = tpu.vector_load %arg19[%parallel_loop3A_267, %parallel_loop3A_268] {strides = array<i32>} : memref<128x64xf32, #tpu.memory_space<vmem>>, vector<16xf32>,
          %parallel_loop3A_270 = arith.mulf %parallel_loop3A_269, %parallel_loop3A_259 : vector<16xf32>
          %parallel_loop3A_271 = arith.index_cast %parallel_loop3A_257 : i32 to index
          %parallel_loop3A_272 = arith.constant 16 : index
          %parallel_loop3A_273 = tpu.vector_load %arg19[%parallel_loop3A_271, %parallel_loop3A_272] {strides = array<i32>} : memref<128x64xf32, #tpu.memory_space<vmem>>, vector<16xf32>,
          tpu.vector_store %arg19[%parallel_loop3A_271, %parallel_loop3A_272], %parallel_loop3A_270 {strides = array<i32>} : memref<128x64xf32, #tpu.memory_space<vmem>>, vector<16xf32>,
          %parallel_loop3A_274 = arith.index_cast %parallel_loop3A_257 : i32 to index
          %parallel_loop3A_275 = arith.constant 32 : index
          %parallel_loop3A_276 = tpu.vector_load %arg19[%parallel_loop3A_274, %parallel_loop3A_275] {strides = array<i32>} : memref<128x64xf32, #tpu.memory_space<vmem>>, vector<16xf32>,
          %parallel_loop3A_277 = arith.mulf %parallel_loop3A_276, %parallel_loop3A_259 : vector<16xf32>
          %parallel_loop3A_278 = arith.index_cast %parallel_loop3A_257 : i32 to index
          %parallel_loop3A_279 = arith.constant 32 : index
          %parallel_loop3A_280 = tpu.vector_load %arg19[%parallel_loop3A_278, %parallel_loop3A_279] {strides = array<i32>} : memref<128x64xf32, #tpu.memory_space<vmem>>, vector<16xf32>,
          tpu.vector_store %arg19[%parallel_loop3A_278, %parallel_loop3A_279], %parallel_loop3A_277 {strides = array<i32>} : memref<128x64xf32, #tpu.memory_space<vmem>>, vector<16xf32>,
          %parallel_loop3A_281 = arith.index_cast %parallel_loop3A_257 : i32 to index
          %parallel_loop3A_282 = arith.constant 48 : index
          %parallel_loop3A_283 = tpu.vector_load %arg19[%parallel_loop3A_281, %parallel_loop3A_282] {strides = array<i32>} : memref<128x64xf32, #tpu.memory_space<vmem>>, vector<16xf32>,
          %parallel_loop3A_284 = arith.mulf %parallel_loop3A_283, %parallel_loop3A_259 : vector<16xf32>
          %parallel_loop3A_285 = arith.index_cast %parallel_loop3A_257 : i32 to index
          %parallel_loop3A_286 = arith.constant 48 : index
          %parallel_loop3A_287 = tpu.vector_load %arg19[%parallel_loop3A_285, %parallel_loop3A_286] {strides = array<i32>} : memref<128x64xf32, #tpu.memory_space<vmem>>, vector<16xf32>,
          tpu.vector_store %arg19[%parallel_loop3A_285, %parallel_loop3A_286], %parallel_loop3A_284 {strides = array<i32>} : memref<128x64xf32, #tpu.memory_space<vmem>>, vector<16xf32>,
        } {sc.loop_unroll_factor = 4 : i64, sc.parallel_access}
        %dma_start3A_249 = tpu.memref_slice %arg16[%mul3A_30] : memref<2560xi32, #tpu.memory_space<vmem>> -> memref<128xi32, #tpu.memory_space<vmem>>
        %dma_start3A_250 = arith.constant 0 : i32
        %dma_start3A_251 = arith.constant 0 : i32
        %dma_start3A_252 = tpu.memref_slice %arg21[%dma_start3A_250, %dma_start3A_251] : memref<10240x64xf32, #tpu.memory_space<vmem_shared>> -> memref<10240x64xf32, #tpu.memory_space<vmem_shared>>
        tpu.enqueue_indirect_dma source(%arg19 : memref<128x64xf32, #tpu.memory_space<vmem>>) target(%dma_start3A_252 : memref<10240x64xf32, #tpu.memory_space<vmem_shared>>) offsets(%dma_start3A_249 : memref<128xi32, #tpu.memory_space<vmem>>) semaphore(%arg22 : memref<!tpu.dma_semaphore, #tpu.memory_space<semaphore_mem>>) {add = true}
        %dma_wait3A_253 = tpu.memref_slice %arg16[%mul3A_30] : memref<2560xi32, #tpu.memory_space<vmem>> -> memref<128xi32, #tpu.memory_space<vmem>>
        %dma_wait3A_254 = arith.constant 0 : i32
        %dma_wait3A_255 = arith.constant 0 : i32
        %dma_wait3A_256 = tpu.memref_slice %arg21[%dma_wait3A_254, %dma_wait3A_255] : memref<10240x64xf32, #tpu.memory_space<vmem_shared>> -> memref<10240x64xf32, #tpu.memory_space<vmem_shared>>
        tpu.wait_indirect_dma semaphore(%arg22 : memref<!tpu.dma_semaphore, #tpu.memory_space<semaphore_mem>>) src(%arg19 : memref<128x64xf32, #tpu.memory_space<vmem>>) dst(%dma_wait3A_256 : memref<10240x64xf32, #tpu.memory_space<vmem_shared>>)
      }
      %scan3A_23 = arith.constant 20 : i32
    }
    %scan3A_8 = arith.constant 8 : i32
    %barrier3A_9 = arith.constant 0 : index
    tpu.barrier barrier_id(%barrier3A_9)
    "tpu.region"() ({
      %run_scoped3A = tpu.sem_alloc : memref<!tpu.dma_semaphore, #tpu.memory_space<semaphore_mem>>
      %dma_start3A = arith.constant 0 : i32
      %dma_start3A_12 = tpu.memref_slice %arg10[%arg0, %mul3A_0, %dma_start3A] : memref<2x10240x64xf32, #tpu.memory_space<hbm>> -> memref<1x640x64xf32, #tpu.memory_space<hbm>>
      %dma_start3A_13 = tpu.memref_squeeze %dma_start3A_12 : memref<1x640x64xf32, #tpu.memory_space<hbm>> -> memref<640x64xf32, #tpu.memory_space<hbm>>
      %dma_start3A_14 = arith.constant 0 : i32
      %dma_start3A_15 = tpu.memref_slice %arg21[%mul3A_0, %dma_start3A_14] : memref<10240x64xf32, #tpu.memory_space<vmem_shared>> -> memref<640x64xf32, #tpu.memory_space<vmem_shared>>
      tpu.enqueue_dma source(%dma_start3A_15 : memref<640x64xf32, #tpu.memory_space<vmem_shared>>) target(%dma_start3A_13 : memref<640x64xf32, #tpu.memory_space<hbm>>) target_semaphore(%run_scoped3A : memref<!tpu.dma_semaphore, #tpu.memory_space<semaphore_mem>>)
      %dma_wait3A = arith.constant 0 : i32
      %dma_wait3A_16 = tpu.memref_slice %arg10[%arg0, %mul3A_0, %dma_wait3A] : memref<2x10240x64xf32, #tpu.memory_space<hbm>> -> memref<1x640x64xf32, #tpu.memory_space<hbm>>
      %dma_wait3A_17 = tpu.memref_squeeze %dma_wait3A_16 : memref<1x640x64xf32, #tpu.memory_space<hbm>> -> memref<640x64xf32, #tpu.memory_space<hbm>>
      %dma_wait3A_18 = arith.constant 0 : i32
      %dma_wait3A_19 = tpu.memref_slice %arg21[%mul3A_0, %dma_wait3A_18] : memref<10240x64xf32, #tpu.memory_space<vmem_shared>> -> memref<640x64xf32, #tpu.memory_space<vmem_shared>>
      tpu.wait_dma2 semaphore(%run_scoped3A : memref<!tpu.dma_semaphore, #tpu.memory_space<semaphore_mem>>) src(%dma_wait3A_19 : memref<640x64xf32, #tpu.memory_space<vmem_shared>>) dst(%dma_wait3A_17 : memref<640x64xf32, #tpu.memory_space<hbm>>)
      tpu.yield
    }) : () -> ()
    %eq3A = arith.constant 0 : i32
    %eq3A_10 = arith.cmpi eq, %arg0, %eq3A : i32
    %convert_element_type3A = arith.extui %eq3A_10 : i1 to i32
    %cond3A = arith.constant 0 : i32
    %cond3A_11 = arith.cmpi ne, %convert_element_type3A, %cond3A : i32
    scf.if %cond3A_11 {
      "tpu.region"() ({
        %run_scoped3A = tpu.sem_alloc : memref<!tpu.dma_semaphore, #tpu.memory_space<semaphore_mem>>
        %dma_start3A = arith.constant 0 : i32
        %dma_start3A_12 = tpu.memref_slice %arg11[%arg1, %dma_start3A] : memref<16x10240xf32, #tpu.memory_space<hbm>> -> memref<1x10240xf32, #tpu.memory_space<hbm>>
        %dma_start3A_13 = tpu.memref_squeeze %dma_start3A_12 : memref<1x10240xf32, #tpu.memory_space<hbm>> -> memref<10240xf32, #tpu.memory_space<hbm>>
        %dma_start3A_14 = arith.constant 0 : i32
        %dma_start3A_15 = tpu.memref_slice %arg11[%arg1, %dma_start3A_14] : memref<16x10240xf32, #tpu.memory_space<hbm>> -> memref<1x10240xf32, #tpu.memory_space<hbm>>
        %dma_start3A_16 = tpu.memref_squeeze %dma_start3A_15 : memref<1x10240xf32, #tpu.memory_space<hbm>> -> memref<10240xf32, #tpu.memory_space<hbm>>
        tpu.enqueue_dma source(%arg14 : memref<10240xf32, #tpu.memory_space<vmem>>) target(%dma_start3A_16 : memref<10240xf32, #tpu.memory_space<hbm>>) target_semaphore(%run_scoped3A : memref<!tpu.dma_semaphore, #tpu.memory_space<semaphore_mem>>)
        %dma_wait3A = arith.constant 0 : i32
        %dma_wait3A_17 = tpu.memref_slice %arg11[%arg1, %dma_wait3A] : memref<16x10240xf32, #tpu.memory_space<hbm>> -> memref<1x10240xf32, #tpu.memory_space<hbm>>
        %dma_wait3A_18 = tpu.memref_squeeze %dma_wait3A_17 : memref<1x10240xf32, #tpu.memory_space<hbm>> -> memref<10240xf32, #tpu.memory_space<hbm>>
        %dma_wait3A_19 = arith.constant 0 : i32
        %dma_wait3A_20 = tpu.memref_slice %arg11[%arg1, %dma_wait3A_19] : memref<16x10240xf32, #tpu.memory_space<hbm>> -> memref<1x10240xf32, #tpu.memory_space<hbm>>
        %dma_wait3A_21 = tpu.memref_squeeze %dma_wait3A_20 : memref<1x10240xf32, #tpu.memory_space<hbm>> -> memref<10240xf32, #tpu.memory_space<hbm>>
        tpu.wait_dma2 semaphore(%run_scoped3A : memref<!tpu.dma_semaphore, #tpu.memory_space<semaphore_mem>>) src(%arg14 : memref<10240xf32, #tpu.memory_space<vmem>>) dst(%dma_wait3A_21 : memref<10240xf32, #tpu.memory_space<hbm>>)
        tpu.yield
      }) : () -> ()
    } else {
    }
    return
  }
}

#map = affine_map<(d0, d1) -> (0)>
#map1 = affine_map<(d0, d1) -> (0, 0)>
#map2 = affine_map<(d0, d1) -> (0, 0, 0)>
module attributes {stable_mosaic.version = 14 : i64} {
  func.func @_sc_layer16(%arg0: i32, %arg1: i32, %arg2: memref<327680xi32, #tpu.memory_space<hbm>>, %arg3: memref<327680xi32, #tpu.memory_space<hbm>>, %arg4: memref<327680xf32, #tpu.memory_space<hbm>>, %arg5: memref<10240xf32, #tpu.memory_space<hbm>>, %arg6: memref<10240xf32, #tpu.memory_space<hbm>>, %arg7: memref<10240x16xf32, #tpu.memory_space<hbm>>, %arg8: memref<10240x16xf32, #tpu.memory_space<hbm>>, %arg9: memref<10240xf32, #tpu.memory_space<hbm>>, %arg10: memref<2x10240x16xf32, #tpu.memory_space<hbm>>, %arg11: memref<2x16x10240xf32, #tpu.memory_space<hbm>>, %arg12: memref<10240xf32, #tpu.memory_space<vmem>>, %arg13: memref<10240xf32, #tpu.memory_space<vmem>>, %arg14: memref<10240xf32, #tpu.memory_space<vmem>>, %arg15: memref<10240xi32, #tpu.memory_space<vmem>>, %arg16: memref<10240xi32, #tpu.memory_space<vmem>>, %arg17: memref<10240xf32, #tpu.memory_space<vmem>>, %arg18: memref<128xf32, #tpu.memory_space<vmem>>, %arg19: memref<128x16xf32, #tpu.memory_space<vmem>>, %arg20: memref<10240x16xf32, #tpu.memory_space<vmem_shared>>, %arg21: memref<10240x16xf32, #tpu.memory_space<vmem_shared>>, %arg22: memref<!tpu.dma_semaphore, #tpu.memory_space<semaphore_mem>>) attributes {dimension_semantics = [#tpu.dimension_semantics<core_parallel>, #tpu.dimension_semantics<subcore_parallel>], iteration_bounds = array<i64: 2, 16>, scalar_prefetch = 0 : i64, scratch_operands = 11 : i64, tpu.core_type = #tpu.core_type<sc_vector_subcore>, window_params = [{transform_indices = #map}, {transform_indices = #map}, {transform_indices = #map}, {transform_indices = #map}, {transform_indices = #map}, {transform_indices = #map1}, {transform_indices = #map1}, {transform_indices = #map}, {transform_indices = #map2}, {transform_indices = #map2}]} {
    %mul3A = arith.constant 16 : i32
    %mul3A_0 = arith.muli %arg0, %mul3A : i32
    %add3A = arith.addi %mul3A_0, %arg1 : i32
    %mul3A_1 = arith.constant 640 : i32
    %mul3A_2 = arith.muli %arg1, %mul3A_1 : i32
    %mul3A_3 = arith.constant 10240 : i32
    %mul3A_4 = arith.muli %add3A, %mul3A_3 : i32
    "tpu.region"() ({
      %run_scoped3A = tpu.sem_alloc : memref<!tpu.dma_semaphore, #tpu.memory_space<semaphore_mem>>
      tpu.enqueue_dma source(%arg5 : memref<10240xf32, #tpu.memory_space<hbm>>) target(%arg12 : memref<10240xf32, #tpu.memory_space<vmem>>) target_semaphore(%run_scoped3A : memref<!tpu.dma_semaphore, #tpu.memory_space<semaphore_mem>>)
      tpu.wait_dma2 semaphore(%run_scoped3A : memref<!tpu.dma_semaphore, #tpu.memory_space<semaphore_mem>>) src(%arg5 : memref<10240xf32, #tpu.memory_space<hbm>>) dst(%arg12 : memref<10240xf32, #tpu.memory_space<vmem>>)
      tpu.yield
    }) : () -> ()
    "tpu.region"() ({
      %run_scoped3A = tpu.sem_alloc : memref<!tpu.dma_semaphore, #tpu.memory_space<semaphore_mem>>
      tpu.enqueue_dma source(%arg6 : memref<10240xf32, #tpu.memory_space<hbm>>) target(%arg13 : memref<10240xf32, #tpu.memory_space<vmem>>) target_semaphore(%run_scoped3A : memref<!tpu.dma_semaphore, #tpu.memory_space<semaphore_mem>>)
      tpu.wait_dma2 semaphore(%run_scoped3A : memref<!tpu.dma_semaphore, #tpu.memory_space<semaphore_mem>>) src(%arg6 : memref<10240xf32, #tpu.memory_space<hbm>>) dst(%arg13 : memref<10240xf32, #tpu.memory_space<vmem>>)
      tpu.yield
    }) : () -> ()
    "tpu.region"() ({
      %run_scoped3A = tpu.sem_alloc : memref<!tpu.dma_semaphore, #tpu.memory_space<semaphore_mem>>
      tpu.enqueue_dma source(%arg9 : memref<10240xf32, #tpu.memory_space<hbm>>) target(%arg14 : memref<10240xf32, #tpu.memory_space<vmem>>) target_semaphore(%run_scoped3A : memref<!tpu.dma_semaphore, #tpu.memory_space<semaphore_mem>>)
      tpu.wait_dma2 semaphore(%run_scoped3A : memref<!tpu.dma_semaphore, #tpu.memory_space<semaphore_mem>>) src(%arg9 : memref<10240xf32, #tpu.memory_space<hbm>>) dst(%arg14 : memref<10240xf32, #tpu.memory_space<vmem>>)
      tpu.yield
    }) : () -> ()
    "tpu.region"() ({
      %run_scoped3A = tpu.sem_alloc : memref<!tpu.dma_semaphore, #tpu.memory_space<semaphore_mem>>
      %dma_start3A = tpu.memref_slice %arg2[%mul3A_4] : memref<327680xi32, #tpu.memory_space<hbm>> -> memref<10240xi32, #tpu.memory_space<hbm>>
      %dma_start3A_10 = tpu.memref_slice %arg2[%mul3A_4] : memref<327680xi32, #tpu.memory_space<hbm>> -> memref<10240xi32, #tpu.memory_space<hbm>>
      tpu.enqueue_dma source(%dma_start3A_10 : memref<10240xi32, #tpu.memory_space<hbm>>) target(%arg15 : memref<10240xi32, #tpu.memory_space<vmem>>) target_semaphore(%run_scoped3A : memref<!tpu.dma_semaphore, #tpu.memory_space<semaphore_mem>>)
      %dma_wait3A = tpu.memref_slice %arg2[%mul3A_4] : memref<327680xi32, #tpu.memory_space<hbm>> -> memref<10240xi32, #tpu.memory_space<hbm>>
      %dma_wait3A_11 = tpu.memref_slice %arg2[%mul3A_4] : memref<327680xi32, #tpu.memory_space<hbm>> -> memref<10240xi32, #tpu.memory_space<hbm>>
      tpu.wait_dma2 semaphore(%run_scoped3A : memref<!tpu.dma_semaphore, #tpu.memory_space<semaphore_mem>>) src(%dma_wait3A_11 : memref<10240xi32, #tpu.memory_space<hbm>>) dst(%arg15 : memref<10240xi32, #tpu.memory_space<vmem>>)
      tpu.yield
    }) : () -> ()
    "tpu.region"() ({
      %run_scoped3A = tpu.sem_alloc : memref<!tpu.dma_semaphore, #tpu.memory_space<semaphore_mem>>
      %dma_start3A = tpu.memref_slice %arg3[%mul3A_4] : memref<327680xi32, #tpu.memory_space<hbm>> -> memref<10240xi32, #tpu.memory_space<hbm>>
      %dma_start3A_10 = tpu.memref_slice %arg3[%mul3A_4] : memref<327680xi32, #tpu.memory_space<hbm>> -> memref<10240xi32, #tpu.memory_space<hbm>>
      tpu.enqueue_dma source(%dma_start3A_10 : memref<10240xi32, #tpu.memory_space<hbm>>) target(%arg16 : memref<10240xi32, #tpu.memory_space<vmem>>) target_semaphore(%run_scoped3A : memref<!tpu.dma_semaphore, #tpu.memory_space<semaphore_mem>>)
      %dma_wait3A = tpu.memref_slice %arg3[%mul3A_4] : memref<327680xi32, #tpu.memory_space<hbm>> -> memref<10240xi32, #tpu.memory_space<hbm>>
      %dma_wait3A_11 = tpu.memref_slice %arg3[%mul3A_4] : memref<327680xi32, #tpu.memory_space<hbm>> -> memref<10240xi32, #tpu.memory_space<hbm>>
      tpu.wait_dma2 semaphore(%run_scoped3A : memref<!tpu.dma_semaphore, #tpu.memory_space<semaphore_mem>>) src(%dma_wait3A_11 : memref<10240xi32, #tpu.memory_space<hbm>>) dst(%arg16 : memref<10240xi32, #tpu.memory_space<vmem>>)
      tpu.yield
    }) : () -> ()
    "tpu.region"() ({
      %run_scoped3A = tpu.sem_alloc : memref<!tpu.dma_semaphore, #tpu.memory_space<semaphore_mem>>
      %dma_start3A = tpu.memref_slice %arg4[%mul3A_4] : memref<327680xf32, #tpu.memory_space<hbm>> -> memref<10240xf32, #tpu.memory_space<hbm>>
      %dma_start3A_10 = tpu.memref_slice %arg4[%mul3A_4] : memref<327680xf32, #tpu.memory_space<hbm>> -> memref<10240xf32, #tpu.memory_space<hbm>>
      tpu.enqueue_dma source(%dma_start3A_10 : memref<10240xf32, #tpu.memory_space<hbm>>) target(%arg17 : memref<10240xf32, #tpu.memory_space<vmem>>) target_semaphore(%run_scoped3A : memref<!tpu.dma_semaphore, #tpu.memory_space<semaphore_mem>>)
      %dma_wait3A = tpu.memref_slice %arg4[%mul3A_4] : memref<327680xf32, #tpu.memory_space<hbm>> -> memref<10240xf32, #tpu.memory_space<hbm>>
      %dma_wait3A_11 = tpu.memref_slice %arg4[%mul3A_4] : memref<327680xf32, #tpu.memory_space<hbm>> -> memref<10240xf32, #tpu.memory_space<hbm>>
      tpu.wait_dma2 semaphore(%run_scoped3A : memref<!tpu.dma_semaphore, #tpu.memory_space<semaphore_mem>>) src(%dma_wait3A_11 : memref<10240xf32, #tpu.memory_space<hbm>>) dst(%arg17 : memref<10240xf32, #tpu.memory_space<vmem>>)
      tpu.yield
    }) : () -> ()
    "tpu.region"() ({
      %run_scoped3A = tpu.sem_alloc : memref<!tpu.dma_semaphore, #tpu.memory_space<semaphore_mem>>
      %dma_start3A = arith.constant 0 : i32
      %dma_start3A_10 = tpu.memref_slice %arg20[%mul3A_2, %dma_start3A] : memref<10240x16xf32, #tpu.memory_space<vmem_shared>> -> memref<640x16xf32, #tpu.memory_space<vmem_shared>>
      %dma_start3A_11 = arith.constant 0 : i32
      %dma_start3A_12 = tpu.memref_slice %arg7[%mul3A_2, %dma_start3A_11] : memref<10240x16xf32, #tpu.memory_space<hbm>> -> memref<640x16xf32, #tpu.memory_space<hbm>>
      tpu.enqueue_dma source(%dma_start3A_12 : memref<640x16xf32, #tpu.memory_space<hbm>>) target(%dma_start3A_10 : memref<640x16xf32, #tpu.memory_space<vmem_shared>>) target_semaphore(%run_scoped3A : memref<!tpu.dma_semaphore, #tpu.memory_space<semaphore_mem>>)
      %dma_wait3A = arith.constant 0 : i32
      %dma_wait3A_13 = tpu.memref_slice %arg20[%mul3A_2, %dma_wait3A] : memref<10240x16xf32, #tpu.memory_space<vmem_shared>> -> memref<640x16xf32, #tpu.memory_space<vmem_shared>>
      %dma_wait3A_14 = arith.constant 0 : i32
      %dma_wait3A_15 = tpu.memref_slice %arg7[%mul3A_2, %dma_wait3A_14] : memref<10240x16xf32, #tpu.memory_space<hbm>> -> memref<640x16xf32, #tpu.memory_space<hbm>>
      tpu.wait_dma2 semaphore(%run_scoped3A : memref<!tpu.dma_semaphore, #tpu.memory_space<semaphore_mem>>) src(%dma_wait3A_15 : memref<640x16xf32, #tpu.memory_space<hbm>>) dst(%dma_wait3A_13 : memref<640x16xf32, #tpu.memory_space<vmem_shared>>)
      tpu.yield
    }) : () -> ()
    "tpu.region"() ({
      %run_scoped3A = tpu.sem_alloc : memref<!tpu.dma_semaphore, #tpu.memory_space<semaphore_mem>>
      %dma_start3A = arith.constant 0 : i32
      %dma_start3A_10 = tpu.memref_slice %arg21[%mul3A_2, %dma_start3A] : memref<10240x16xf32, #tpu.memory_space<vmem_shared>> -> memref<640x16xf32, #tpu.memory_space<vmem_shared>>
      %dma_start3A_11 = arith.constant 0 : i32
      %dma_start3A_12 = tpu.memref_slice %arg8[%mul3A_2, %dma_start3A_11] : memref<10240x16xf32, #tpu.memory_space<hbm>> -> memref<640x16xf32, #tpu.memory_space<hbm>>
      tpu.enqueue_dma source(%dma_start3A_12 : memref<640x16xf32, #tpu.memory_space<hbm>>) target(%dma_start3A_10 : memref<640x16xf32, #tpu.memory_space<vmem_shared>>) target_semaphore(%run_scoped3A : memref<!tpu.dma_semaphore, #tpu.memory_space<semaphore_mem>>)
      %dma_wait3A = arith.constant 0 : i32
      %dma_wait3A_13 = tpu.memref_slice %arg21[%mul3A_2, %dma_wait3A] : memref<10240x16xf32, #tpu.memory_space<vmem_shared>> -> memref<640x16xf32, #tpu.memory_space<vmem_shared>>
      %dma_wait3A_14 = arith.constant 0 : i32
      %dma_wait3A_15 = tpu.memref_slice %arg8[%mul3A_2, %dma_wait3A_14] : memref<10240x16xf32, #tpu.memory_space<hbm>> -> memref<640x16xf32, #tpu.memory_space<hbm>>
      tpu.wait_dma2 semaphore(%run_scoped3A : memref<!tpu.dma_semaphore, #tpu.memory_space<semaphore_mem>>) src(%dma_wait3A_15 : memref<640x16xf32, #tpu.memory_space<hbm>>) dst(%dma_wait3A_13 : memref<640x16xf32, #tpu.memory_space<vmem_shared>>)
      tpu.yield
    }) : () -> ()
    %barrier3A = arith.constant 0 : index
    tpu.barrier barrier_id(%barrier3A)
    %scan3A = arith.constant 0 : i32
    %scan3A_5 = arith.constant 80 : i32
    %scan3A_6 = arith.addi %scan3A, %scan3A_5 : i32
    %scan3A_7 = arith.constant 1 : i32
    scf.for %scan3A_10 = %scan3A to %scan3A_6 step %scan3A_7  : i32 {
      %mul3A_11 = arith.constant 1 : i32
      %mul3A_12 = arith.muli %scan3A_10, %mul3A_11 : i32
      %add3A_13 = arith.constant 0 : i32
      %add3A_14 = arith.addi %add3A_13, %mul3A_12 : i32
      %mul3A_15 = arith.constant 128 : i32
      %mul3A_16 = arith.muli %add3A_14, %mul3A_15 : i32
      %dma_start3A = tpu.memref_slice %arg15[%mul3A_16] : memref<10240xi32, #tpu.memory_space<vmem>> -> memref<128xi32, #tpu.memory_space<vmem>>
      %dma_start3A_17 = arith.constant 0 : i32
      %dma_start3A_18 = arith.constant 0 : i32
      %dma_start3A_19 = tpu.memref_slice %arg20[%dma_start3A_17, %dma_start3A_18] : memref<10240x16xf32, #tpu.memory_space<vmem_shared>> -> memref<10240x16xf32, #tpu.memory_space<vmem_shared>>
      tpu.enqueue_indirect_dma source(%dma_start3A_19 : memref<10240x16xf32, #tpu.memory_space<vmem_shared>>) target(%arg19 : memref<128x16xf32, #tpu.memory_space<vmem>>) offsets(%dma_start3A : memref<128xi32, #tpu.memory_space<vmem>>) semaphore(%arg22 : memref<!tpu.dma_semaphore, #tpu.memory_space<semaphore_mem>>)
      %add3A_20 = arith.constant 0 : i32
      %add3A_21 = arith.addi %mul3A_16, %add3A_20 : i32
      %get3A = arith.index_cast %add3A_21 : i32 to index
      %get3A_22 = tpu.vector_load %arg15[%get3A] {strides = array<i32>} : memref<10240xi32, #tpu.memory_space<vmem>>, vector<16xi32>,
      %get3A_23 = arith.index_cast %add3A_21 : i32 to index
      %get3A_24 = tpu.vector_load %arg16[%get3A_23] {strides = array<i32>} : memref<10240xi32, #tpu.memory_space<vmem>>, vector<16xi32>,
      %gather3A = tpu.vector_load_idx %arg12[%get3A_22] : memref<10240xf32, #tpu.memory_space<vmem>>[vector<16xi32>], vector<16xf32>,
      %gather3A_25 = tpu.vector_load_idx %arg13[%get3A_24] : memref<10240xf32, #tpu.memory_space<vmem>>[vector<16xi32>], vector<16xf32>,
      %add3A_26 = arith.addf %gather3A, %gather3A_25 : vector<16xf32>
      %get3A_27 = arith.index_cast %add3A_21 : i32 to index
      %get3A_28 = tpu.vector_load %arg17[%get3A_27] {strides = array<i32>} : memref<10240xf32, #tpu.memory_space<vmem>>, vector<16xf32>,
      %add3A_29 = arith.addf %add3A_26, %get3A_28 : vector<16xf32>
      %ge3A = arith.constant 0.000000e+00 : f32
      %ge3A_30 = vector.broadcast %ge3A : f32 to vector<16xf32>
      %ge3A_31 = arith.cmpf oge, %add3A_29, %ge3A_30 : vector<16xf32>
      %mul3A_32 = arith.constant 2.000000e-01 : f32
      %mul3A_33 = vector.broadcast %mul3A_32 : f32 to vector<16xf32>
      %mul3A_34 = arith.mulf %mul3A_33, %add3A_29 : vector<16xf32>
      %select_n3A = arith.select %ge3A_31, %add3A_29, %mul3A_34 : vector<16xi1>, vector<16xf32>
      %exp3A = math.exp %select_n3A : vector<16xf32>
      %swap3A = arith.constant 0 : index
      %swap3A_35 = tpu.vector_load %arg18[%swap3A] {strides = array<i32>} : memref<128xf32, #tpu.memory_space<vmem>>, vector<16xf32>,
      tpu.vector_store %arg18[%swap3A], %exp3A {strides = array<i32>} : memref<128xf32, #tpu.memory_space<vmem>>, vector<16xf32>,
      tpu.vector_store_idx %arg14[%get3A_24], %exp3A {add = true} : memref<10240xf32, #tpu.memory_space<vmem>>[vector<16xi32>], vector<16xf32>,
      %add3A_36 = arith.constant 16 : i32
      %add3A_37 = arith.addi %mul3A_16, %add3A_36 : i32
      %get3A_38 = arith.index_cast %add3A_37 : i32 to index
      %get3A_39 = tpu.vector_load %arg15[%get3A_38] {strides = array<i32>} : memref<10240xi32, #tpu.memory_space<vmem>>, vector<16xi32>,
      %get3A_40 = arith.index_cast %add3A_37 : i32 to index
      %get3A_41 = tpu.vector_load %arg16[%get3A_40] {strides = array<i32>} : memref<10240xi32, #tpu.memory_space<vmem>>, vector<16xi32>,
      %gather3A_42 = tpu.vector_load_idx %arg12[%get3A_39] : memref<10240xf32, #tpu.memory_space<vmem>>[vector<16xi32>], vector<16xf32>,
      %gather3A_43 = tpu.vector_load_idx %arg13[%get3A_41] : memref<10240xf32, #tpu.memory_space<vmem>>[vector<16xi32>], vector<16xf32>,
      %add3A_44 = arith.addf %gather3A_42, %gather3A_43 : vector<16xf32>
      %get3A_45 = arith.index_cast %add3A_37 : i32 to index
      %get3A_46 = tpu.vector_load %arg17[%get3A_45] {strides = array<i32>} : memref<10240xf32, #tpu.memory_space<vmem>>, vector<16xf32>,
      %add3A_47 = arith.addf %add3A_44, %get3A_46 : vector<16xf32>
      %ge3A_48 = arith.constant 0.000000e+00 : f32
      %ge3A_49 = vector.broadcast %ge3A_48 : f32 to vector<16xf32>
      %ge3A_50 = arith.cmpf oge, %add3A_47, %ge3A_49 : vector<16xf32>
      %mul3A_51 = arith.constant 2.000000e-01 : f32
      %mul3A_52 = vector.broadcast %mul3A_51 : f32 to vector<16xf32>
      %mul3A_53 = arith.mulf %mul3A_52, %add3A_47 : vector<16xf32>
      %select_n3A_54 = arith.select %ge3A_50, %add3A_47, %mul3A_53 : vector<16xi1>, vector<16xf32>
      %exp3A_55 = math.exp %select_n3A_54 : vector<16xf32>
      %swap3A_56 = arith.constant 16 : index
      %swap3A_57 = tpu.vector_load %arg18[%swap3A_56] {strides = array<i32>} : memref<128xf32, #tpu.memory_space<vmem>>, vector<16xf32>,
      tpu.vector_store %arg18[%swap3A_56], %exp3A_55 {strides = array<i32>} : memref<128xf32, #tpu.memory_space<vmem>>, vector<16xf32>,
      tpu.vector_store_idx %arg14[%get3A_41], %exp3A_55 {add = true} : memref<10240xf32, #tpu.memory_space<vmem>>[vector<16xi32>], vector<16xf32>,
      %add3A_58 = arith.constant 32 : i32
      %add3A_59 = arith.addi %mul3A_16, %add3A_58 : i32
      %get3A_60 = arith.index_cast %add3A_59 : i32 to index
      %get3A_61 = tpu.vector_load %arg15[%get3A_60] {strides = array<i32>} : memref<10240xi32, #tpu.memory_space<vmem>>, vector<16xi32>,
      %get3A_62 = arith.index_cast %add3A_59 : i32 to index
      %get3A_63 = tpu.vector_load %arg16[%get3A_62] {strides = array<i32>} : memref<10240xi32, #tpu.memory_space<vmem>>, vector<16xi32>,
      %gather3A_64 = tpu.vector_load_idx %arg12[%get3A_61] : memref<10240xf32, #tpu.memory_space<vmem>>[vector<16xi32>], vector<16xf32>,
      %gather3A_65 = tpu.vector_load_idx %arg13[%get3A_63] : memref<10240xf32, #tpu.memory_space<vmem>>[vector<16xi32>], vector<16xf32>,
      %add3A_66 = arith.addf %gather3A_64, %gather3A_65 : vector<16xf32>
      %get3A_67 = arith.index_cast %add3A_59 : i32 to index
      %get3A_68 = tpu.vector_load %arg17[%get3A_67] {strides = array<i32>} : memref<10240xf32, #tpu.memory_space<vmem>>, vector<16xf32>,
      %add3A_69 = arith.addf %add3A_66, %get3A_68 : vector<16xf32>
      %ge3A_70 = arith.constant 0.000000e+00 : f32
      %ge3A_71 = vector.broadcast %ge3A_70 : f32 to vector<16xf32>
      %ge3A_72 = arith.cmpf oge, %add3A_69, %ge3A_71 : vector<16xf32>
      %mul3A_73 = arith.constant 2.000000e-01 : f32
      %mul3A_74 = vector.broadcast %mul3A_73 : f32 to vector<16xf32>
      %mul3A_75 = arith.mulf %mul3A_74, %add3A_69 : vector<16xf32>
      %select_n3A_76 = arith.select %ge3A_72, %add3A_69, %mul3A_75 : vector<16xi1>, vector<16xf32>
      %exp3A_77 = math.exp %select_n3A_76 : vector<16xf32>
      %swap3A_78 = arith.constant 32 : index
      %swap3A_79 = tpu.vector_load %arg18[%swap3A_78] {strides = array<i32>} : memref<128xf32, #tpu.memory_space<vmem>>, vector<16xf32>,
      tpu.vector_store %arg18[%swap3A_78], %exp3A_77 {strides = array<i32>} : memref<128xf32, #tpu.memory_space<vmem>>, vector<16xf32>,
      tpu.vector_store_idx %arg14[%get3A_63], %exp3A_77 {add = true} : memref<10240xf32, #tpu.memory_space<vmem>>[vector<16xi32>], vector<16xf32>,
      %add3A_80 = arith.constant 48 : i32
      %add3A_81 = arith.addi %mul3A_16, %add3A_80 : i32
      %get3A_82 = arith.index_cast %add3A_81 : i32 to index
      %get3A_83 = tpu.vector_load %arg15[%get3A_82] {strides = array<i32>} : memref<10240xi32, #tpu.memory_space<vmem>>, vector<16xi32>,
      %get3A_84 = arith.index_cast %add3A_81 : i32 to index
      %get3A_85 = tpu.vector_load %arg16[%get3A_84] {strides = array<i32>} : memref<10240xi32, #tpu.memory_space<vmem>>, vector<16xi32>,
      %gather3A_86 = tpu.vector_load_idx %arg12[%get3A_83] : memref<10240xf32, #tpu.memory_space<vmem>>[vector<16xi32>], vector<16xf32>,
      %gather3A_87 = tpu.vector_load_idx %arg13[%get3A_85] : memref<10240xf32, #tpu.memory_space<vmem>>[vector<16xi32>], vector<16xf32>,
      %add3A_88 = arith.addf %gather3A_86, %gather3A_87 : vector<16xf32>
      %get3A_89 = arith.index_cast %add3A_81 : i32 to index
      %get3A_90 = tpu.vector_load %arg17[%get3A_89] {strides = array<i32>} : memref<10240xf32, #tpu.memory_space<vmem>>, vector<16xf32>,
      %add3A_91 = arith.addf %add3A_88, %get3A_90 : vector<16xf32>
      %ge3A_92 = arith.constant 0.000000e+00 : f32
      %ge3A_93 = vector.broadcast %ge3A_92 : f32 to vector<16xf32>
      %ge3A_94 = arith.cmpf oge, %add3A_91, %ge3A_93 : vector<16xf32>
      %mul3A_95 = arith.constant 2.000000e-01 : f32
      %mul3A_96 = vector.broadcast %mul3A_95 : f32 to vector<16xf32>
      %mul3A_97 = arith.mulf %mul3A_96, %add3A_91 : vector<16xf32>
      %select_n3A_98 = arith.select %ge3A_94, %add3A_91, %mul3A_97 : vector<16xi1>, vector<16xf32>
      %exp3A_99 = math.exp %select_n3A_98 : vector<16xf32>
      %swap3A_100 = arith.constant 48 : index
      %swap3A_101 = tpu.vector_load %arg18[%swap3A_100] {strides = array<i32>} : memref<128xf32, #tpu.memory_space<vmem>>, vector<16xf32>,
      tpu.vector_store %arg18[%swap3A_100], %exp3A_99 {strides = array<i32>} : memref<128xf32, #tpu.memory_space<vmem>>, vector<16xf32>,
      tpu.vector_store_idx %arg14[%get3A_85], %exp3A_99 {add = true} : memref<10240xf32, #tpu.memory_space<vmem>>[vector<16xi32>], vector<16xf32>,
      %add3A_102 = arith.constant 64 : i32
      %add3A_103 = arith.addi %mul3A_16, %add3A_102 : i32
      %get3A_104 = arith.index_cast %add3A_103 : i32 to index
      %get3A_105 = tpu.vector_load %arg15[%get3A_104] {strides = array<i32>} : memref<10240xi32, #tpu.memory_space<vmem>>, vector<16xi32>,
      %get3A_106 = arith.index_cast %add3A_103 : i32 to index
      %get3A_107 = tpu.vector_load %arg16[%get3A_106] {strides = array<i32>} : memref<10240xi32, #tpu.memory_space<vmem>>, vector<16xi32>,
      %gather3A_108 = tpu.vector_load_idx %arg12[%get3A_105] : memref<10240xf32, #tpu.memory_space<vmem>>[vector<16xi32>], vector<16xf32>,
      %gather3A_109 = tpu.vector_load_idx %arg13[%get3A_107] : memref<10240xf32, #tpu.memory_space<vmem>>[vector<16xi32>], vector<16xf32>,
      %add3A_110 = arith.addf %gather3A_108, %gather3A_109 : vector<16xf32>
      %get3A_111 = arith.index_cast %add3A_103 : i32 to index
      %get3A_112 = tpu.vector_load %arg17[%get3A_111] {strides = array<i32>} : memref<10240xf32, #tpu.memory_space<vmem>>, vector<16xf32>,
      %add3A_113 = arith.addf %add3A_110, %get3A_112 : vector<16xf32>
      %ge3A_114 = arith.constant 0.000000e+00 : f32
      %ge3A_115 = vector.broadcast %ge3A_114 : f32 to vector<16xf32>
      %ge3A_116 = arith.cmpf oge, %add3A_113, %ge3A_115 : vector<16xf32>
      %mul3A_117 = arith.constant 2.000000e-01 : f32
      %mul3A_118 = vector.broadcast %mul3A_117 : f32 to vector<16xf32>
      %mul3A_119 = arith.mulf %mul3A_118, %add3A_113 : vector<16xf32>
      %select_n3A_120 = arith.select %ge3A_116, %add3A_113, %mul3A_119 : vector<16xi1>, vector<16xf32>
      %exp3A_121 = math.exp %select_n3A_120 : vector<16xf32>
      %swap3A_122 = arith.constant 64 : index
      %swap3A_123 = tpu.vector_load %arg18[%swap3A_122] {strides = array<i32>} : memref<128xf32, #tpu.memory_space<vmem>>, vector<16xf32>,
      tpu.vector_store %arg18[%swap3A_122], %exp3A_121 {strides = array<i32>} : memref<128xf32, #tpu.memory_space<vmem>>, vector<16xf32>,
      tpu.vector_store_idx %arg14[%get3A_107], %exp3A_121 {add = true} : memref<10240xf32, #tpu.memory_space<vmem>>[vector<16xi32>], vector<16xf32>,
      %add3A_124 = arith.constant 80 : i32
      %add3A_125 = arith.addi %mul3A_16, %add3A_124 : i32
      %get3A_126 = arith.index_cast %add3A_125 : i32 to index
      %get3A_127 = tpu.vector_load %arg15[%get3A_126] {strides = array<i32>} : memref<10240xi32, #tpu.memory_space<vmem>>, vector<16xi32>,
      %get3A_128 = arith.index_cast %add3A_125 : i32 to index
      %get3A_129 = tpu.vector_load %arg16[%get3A_128] {strides = array<i32>} : memref<10240xi32, #tpu.memory_space<vmem>>, vector<16xi32>,
      %gather3A_130 = tpu.vector_load_idx %arg12[%get3A_127] : memref<10240xf32, #tpu.memory_space<vmem>>[vector<16xi32>], vector<16xf32>,
      %gather3A_131 = tpu.vector_load_idx %arg13[%get3A_129] : memref<10240xf32, #tpu.memory_space<vmem>>[vector<16xi32>], vector<16xf32>,
      %add3A_132 = arith.addf %gather3A_130, %gather3A_131 : vector<16xf32>
      %get3A_133 = arith.index_cast %add3A_125 : i32 to index
      %get3A_134 = tpu.vector_load %arg17[%get3A_133] {strides = array<i32>} : memref<10240xf32, #tpu.memory_space<vmem>>, vector<16xf32>,
      %add3A_135 = arith.addf %add3A_132, %get3A_134 : vector<16xf32>
      %ge3A_136 = arith.constant 0.000000e+00 : f32
      %ge3A_137 = vector.broadcast %ge3A_136 : f32 to vector<16xf32>
      %ge3A_138 = arith.cmpf oge, %add3A_135, %ge3A_137 : vector<16xf32>
      %mul3A_139 = arith.constant 2.000000e-01 : f32
      %mul3A_140 = vector.broadcast %mul3A_139 : f32 to vector<16xf32>
      %mul3A_141 = arith.mulf %mul3A_140, %add3A_135 : vector<16xf32>
      %select_n3A_142 = arith.select %ge3A_138, %add3A_135, %mul3A_141 : vector<16xi1>, vector<16xf32>
      %exp3A_143 = math.exp %select_n3A_142 : vector<16xf32>
      %swap3A_144 = arith.constant 80 : index
      %swap3A_145 = tpu.vector_load %arg18[%swap3A_144] {strides = array<i32>} : memref<128xf32, #tpu.memory_space<vmem>>, vector<16xf32>,
      tpu.vector_store %arg18[%swap3A_144], %exp3A_143 {strides = array<i32>} : memref<128xf32, #tpu.memory_space<vmem>>, vector<16xf32>,
      tpu.vector_store_idx %arg14[%get3A_129], %exp3A_143 {add = true} : memref<10240xf32, #tpu.memory_space<vmem>>[vector<16xi32>], vector<16xf32>,
      %add3A_146 = arith.constant 96 : i32
      %add3A_147 = arith.addi %mul3A_16, %add3A_146 : i32
      %get3A_148 = arith.index_cast %add3A_147 : i32 to index
      %get3A_149 = tpu.vector_load %arg15[%get3A_148] {strides = array<i32>} : memref<10240xi32, #tpu.memory_space<vmem>>, vector<16xi32>,
      %get3A_150 = arith.index_cast %add3A_147 : i32 to index
      %get3A_151 = tpu.vector_load %arg16[%get3A_150] {strides = array<i32>} : memref<10240xi32, #tpu.memory_space<vmem>>, vector<16xi32>,
      %gather3A_152 = tpu.vector_load_idx %arg12[%get3A_149] : memref<10240xf32, #tpu.memory_space<vmem>>[vector<16xi32>], vector<16xf32>,
      %gather3A_153 = tpu.vector_load_idx %arg13[%get3A_151] : memref<10240xf32, #tpu.memory_space<vmem>>[vector<16xi32>], vector<16xf32>,
      %add3A_154 = arith.addf %gather3A_152, %gather3A_153 : vector<16xf32>
      %get3A_155 = arith.index_cast %add3A_147 : i32 to index
      %get3A_156 = tpu.vector_load %arg17[%get3A_155] {strides = array<i32>} : memref<10240xf32, #tpu.memory_space<vmem>>, vector<16xf32>,
      %add3A_157 = arith.addf %add3A_154, %get3A_156 : vector<16xf32>
      %ge3A_158 = arith.constant 0.000000e+00 : f32
      %ge3A_159 = vector.broadcast %ge3A_158 : f32 to vector<16xf32>
      %ge3A_160 = arith.cmpf oge, %add3A_157, %ge3A_159 : vector<16xf32>
      %mul3A_161 = arith.constant 2.000000e-01 : f32
      %mul3A_162 = vector.broadcast %mul3A_161 : f32 to vector<16xf32>
      %mul3A_163 = arith.mulf %mul3A_162, %add3A_157 : vector<16xf32>
      %select_n3A_164 = arith.select %ge3A_160, %add3A_157, %mul3A_163 : vector<16xi1>, vector<16xf32>
      %exp3A_165 = math.exp %select_n3A_164 : vector<16xf32>
      %swap3A_166 = arith.constant 96 : index
      %swap3A_167 = tpu.vector_load %arg18[%swap3A_166] {strides = array<i32>} : memref<128xf32, #tpu.memory_space<vmem>>, vector<16xf32>,
      tpu.vector_store %arg18[%swap3A_166], %exp3A_165 {strides = array<i32>} : memref<128xf32, #tpu.memory_space<vmem>>, vector<16xf32>,
      tpu.vector_store_idx %arg14[%get3A_151], %exp3A_165 {add = true} : memref<10240xf32, #tpu.memory_space<vmem>>[vector<16xi32>], vector<16xf32>,
      %add3A_168 = arith.constant 112 : i32
      %add3A_169 = arith.addi %mul3A_16, %add3A_168 : i32
      %get3A_170 = arith.index_cast %add3A_169 : i32 to index
      %get3A_171 = tpu.vector_load %arg15[%get3A_170] {strides = array<i32>} : memref<10240xi32, #tpu.memory_space<vmem>>, vector<16xi32>,
      %get3A_172 = arith.index_cast %add3A_169 : i32 to index
      %get3A_173 = tpu.vector_load %arg16[%get3A_172] {strides = array<i32>} : memref<10240xi32, #tpu.memory_space<vmem>>, vector<16xi32>,
      %gather3A_174 = tpu.vector_load_idx %arg12[%get3A_171] : memref<10240xf32, #tpu.memory_space<vmem>>[vector<16xi32>], vector<16xf32>,
      %gather3A_175 = tpu.vector_load_idx %arg13[%get3A_173] : memref<10240xf32, #tpu.memory_space<vmem>>[vector<16xi32>], vector<16xf32>,
      %add3A_176 = arith.addf %gather3A_174, %gather3A_175 : vector<16xf32>
      %get3A_177 = arith.index_cast %add3A_169 : i32 to index
      %get3A_178 = tpu.vector_load %arg17[%get3A_177] {strides = array<i32>} : memref<10240xf32, #tpu.memory_space<vmem>>, vector<16xf32>,
      %add3A_179 = arith.addf %add3A_176, %get3A_178 : vector<16xf32>
      %ge3A_180 = arith.constant 0.000000e+00 : f32
      %ge3A_181 = vector.broadcast %ge3A_180 : f32 to vector<16xf32>
      %ge3A_182 = arith.cmpf oge, %add3A_179, %ge3A_181 : vector<16xf32>
      %mul3A_183 = arith.constant 2.000000e-01 : f32
      %mul3A_184 = vector.broadcast %mul3A_183 : f32 to vector<16xf32>
      %mul3A_185 = arith.mulf %mul3A_184, %add3A_179 : vector<16xf32>
      %select_n3A_186 = arith.select %ge3A_182, %add3A_179, %mul3A_185 : vector<16xi1>, vector<16xf32>
      %exp3A_187 = math.exp %select_n3A_186 : vector<16xf32>
      %swap3A_188 = arith.constant 112 : index
      %swap3A_189 = tpu.vector_load %arg18[%swap3A_188] {strides = array<i32>} : memref<128xf32, #tpu.memory_space<vmem>>, vector<16xf32>,
      tpu.vector_store %arg18[%swap3A_188], %exp3A_187 {strides = array<i32>} : memref<128xf32, #tpu.memory_space<vmem>>, vector<16xf32>,
      tpu.vector_store_idx %arg14[%get3A_173], %exp3A_187 {add = true} : memref<10240xf32, #tpu.memory_space<vmem>>[vector<16xi32>], vector<16xf32>,
      %dma_wait3A = tpu.memref_slice %arg15[%mul3A_16] : memref<10240xi32, #tpu.memory_space<vmem>> -> memref<128xi32, #tpu.memory_space<vmem>>
      %dma_wait3A_190 = arith.constant 0 : i32
      %dma_wait3A_191 = arith.constant 0 : i32
      %dma_wait3A_192 = tpu.memref_slice %arg20[%dma_wait3A_190, %dma_wait3A_191] : memref<10240x16xf32, #tpu.memory_space<vmem_shared>> -> memref<10240x16xf32, #tpu.memory_space<vmem_shared>>
      tpu.wait_indirect_dma semaphore(%arg22 : memref<!tpu.dma_semaphore, #tpu.memory_space<semaphore_mem>>) src(%dma_wait3A_192 : memref<10240x16xf32, #tpu.memory_space<vmem_shared>>) dst(%arg19 : memref<128x16xf32, #tpu.memory_space<vmem>>)
      %parallel_loop3A = arith.constant 0 : i32
      %parallel_loop3A_193 = arith.constant 128 : i32
      %parallel_loop3A_194 = arith.constant 1 : i32
      scf.for %parallel_loop3A_203 = %parallel_loop3A to %parallel_loop3A_193 step %parallel_loop3A_194  : i32 {
        %parallel_loop3A_204 = vector.broadcast %parallel_loop3A_203 : i32 to vector<16xi32>
        %parallel_loop3A_205 = tpu.vector_load_idx %arg18[%parallel_loop3A_204] : memref<128xf32, #tpu.memory_space<vmem>>[vector<16xi32>], vector<16xf32>,
        %parallel_loop3A_206 = arith.index_cast %parallel_loop3A_203 : i32 to index
        %parallel_loop3A_207 = arith.constant 0 : index
        %parallel_loop3A_208 = tpu.vector_load %arg19[%parallel_loop3A_206, %parallel_loop3A_207] {strides = array<i32>} : memref<128x16xf32, #tpu.memory_space<vmem>>, vector<16xf32>,
        %parallel_loop3A_209 = arith.mulf %parallel_loop3A_208, %parallel_loop3A_205 : vector<16xf32>
        %parallel_loop3A_210 = arith.index_cast %parallel_loop3A_203 : i32 to index
        %parallel_loop3A_211 = arith.constant 0 : index
        %parallel_loop3A_212 = tpu.vector_load %arg19[%parallel_loop3A_210, %parallel_loop3A_211] {strides = array<i32>} : memref<128x16xf32, #tpu.memory_space<vmem>>, vector<16xf32>,
        tpu.vector_store %arg19[%parallel_loop3A_210, %parallel_loop3A_211], %parallel_loop3A_209 {strides = array<i32>} : memref<128x16xf32, #tpu.memory_space<vmem>>, vector<16xf32>,
      } {sc.loop_unroll_factor = 8 : i64, sc.parallel_access}
      %dma_start3A_195 = tpu.memref_slice %arg16[%mul3A_16] : memref<10240xi32, #tpu.memory_space<vmem>> -> memref<128xi32, #tpu.memory_space<vmem>>
      %dma_start3A_196 = arith.constant 0 : i32
      %dma_start3A_197 = arith.constant 0 : i32
      %dma_start3A_198 = tpu.memref_slice %arg21[%dma_start3A_196, %dma_start3A_197] : memref<10240x16xf32, #tpu.memory_space<vmem_shared>> -> memref<10240x16xf32, #tpu.memory_space<vmem_shared>>
      tpu.enqueue_indirect_dma source(%arg19 : memref<128x16xf32, #tpu.memory_space<vmem>>) target(%dma_start3A_198 : memref<10240x16xf32, #tpu.memory_space<vmem_shared>>) offsets(%dma_start3A_195 : memref<128xi32, #tpu.memory_space<vmem>>) semaphore(%arg22 : memref<!tpu.dma_semaphore, #tpu.memory_space<semaphore_mem>>) {add = true}
      %dma_wait3A_199 = tpu.memref_slice %arg16[%mul3A_16] : memref<10240xi32, #tpu.memory_space<vmem>> -> memref<128xi32, #tpu.memory_space<vmem>>
      %dma_wait3A_200 = arith.constant 0 : i32
      %dma_wait3A_201 = arith.constant 0 : i32
      %dma_wait3A_202 = tpu.memref_slice %arg21[%dma_wait3A_200, %dma_wait3A_201] : memref<10240x16xf32, #tpu.memory_space<vmem_shared>> -> memref<10240x16xf32, #tpu.memory_space<vmem_shared>>
      tpu.wait_indirect_dma semaphore(%arg22 : memref<!tpu.dma_semaphore, #tpu.memory_space<semaphore_mem>>) src(%arg19 : memref<128x16xf32, #tpu.memory_space<vmem>>) dst(%dma_wait3A_202 : memref<10240x16xf32, #tpu.memory_space<vmem_shared>>)
    }
    %scan3A_8 = arith.constant 80 : i32
    %barrier3A_9 = arith.constant 0 : index
    tpu.barrier barrier_id(%barrier3A_9)
    "tpu.region"() ({
      %run_scoped3A = tpu.sem_alloc : memref<!tpu.dma_semaphore, #tpu.memory_space<semaphore_mem>>
      %dma_start3A = arith.constant 0 : i32
      %dma_start3A_10 = tpu.memref_slice %arg10[%arg0, %mul3A_2, %dma_start3A] : memref<2x10240x16xf32, #tpu.memory_space<hbm>> -> memref<1x640x16xf32, #tpu.memory_space<hbm>>
      %dma_start3A_11 = tpu.memref_squeeze %dma_start3A_10 : memref<1x640x16xf32, #tpu.memory_space<hbm>> -> memref<640x16xf32, #tpu.memory_space<hbm>>
      %dma_start3A_12 = arith.constant 0 : i32
      %dma_start3A_13 = tpu.memref_slice %arg21[%mul3A_2, %dma_start3A_12] : memref<10240x16xf32, #tpu.memory_space<vmem_shared>> -> memref<640x16xf32, #tpu.memory_space<vmem_shared>>
      tpu.enqueue_dma source(%dma_start3A_13 : memref<640x16xf32, #tpu.memory_space<vmem_shared>>) target(%dma_start3A_11 : memref<640x16xf32, #tpu.memory_space<hbm>>) target_semaphore(%run_scoped3A : memref<!tpu.dma_semaphore, #tpu.memory_space<semaphore_mem>>)
      %dma_wait3A = arith.constant 0 : i32
      %dma_wait3A_14 = tpu.memref_slice %arg10[%arg0, %mul3A_2, %dma_wait3A] : memref<2x10240x16xf32, #tpu.memory_space<hbm>> -> memref<1x640x16xf32, #tpu.memory_space<hbm>>
      %dma_wait3A_15 = tpu.memref_squeeze %dma_wait3A_14 : memref<1x640x16xf32, #tpu.memory_space<hbm>> -> memref<640x16xf32, #tpu.memory_space<hbm>>
      %dma_wait3A_16 = arith.constant 0 : i32
      %dma_wait3A_17 = tpu.memref_slice %arg21[%mul3A_2, %dma_wait3A_16] : memref<10240x16xf32, #tpu.memory_space<vmem_shared>> -> memref<640x16xf32, #tpu.memory_space<vmem_shared>>
      tpu.wait_dma2 semaphore(%run_scoped3A : memref<!tpu.dma_semaphore, #tpu.memory_space<semaphore_mem>>) src(%dma_wait3A_17 : memref<640x16xf32, #tpu.memory_space<vmem_shared>>) dst(%dma_wait3A_15 : memref<640x16xf32, #tpu.memory_space<hbm>>)
      tpu.yield
    }) : () -> ()
    "tpu.region"() ({
      %run_scoped3A = tpu.sem_alloc : memref<!tpu.dma_semaphore, #tpu.memory_space<semaphore_mem>>
      %dma_start3A = arith.constant 0 : i32
      %dma_start3A_10 = tpu.memref_slice %arg11[%arg0, %arg1, %dma_start3A] : memref<2x16x10240xf32, #tpu.memory_space<hbm>> -> memref<1x1x10240xf32, #tpu.memory_space<hbm>>
      %dma_start3A_11 = tpu.memref_squeeze %dma_start3A_10 : memref<1x1x10240xf32, #tpu.memory_space<hbm>> -> memref<10240xf32, #tpu.memory_space<hbm>>
      %dma_start3A_12 = arith.constant 0 : i32
      %dma_start3A_13 = tpu.memref_slice %arg11[%arg0, %arg1, %dma_start3A_12] : memref<2x16x10240xf32, #tpu.memory_space<hbm>> -> memref<1x1x10240xf32, #tpu.memory_space<hbm>>
      %dma_start3A_14 = tpu.memref_squeeze %dma_start3A_13 : memref<1x1x10240xf32, #tpu.memory_space<hbm>> -> memref<10240xf32, #tpu.memory_space<hbm>>
      tpu.enqueue_dma source(%arg14 : memref<10240xf32, #tpu.memory_space<vmem>>) target(%dma_start3A_14 : memref<10240xf32, #tpu.memory_space<hbm>>) target_semaphore(%run_scoped3A : memref<!tpu.dma_semaphore, #tpu.memory_space<semaphore_mem>>)
      %dma_wait3A = arith.constant 0 : i32
      %dma_wait3A_15 = tpu.memref_slice %arg11[%arg0, %arg1, %dma_wait3A] : memref<2x16x10240xf32, #tpu.memory_space<hbm>> -> memref<1x1x10240xf32, #tpu.memory_space<hbm>>
      %dma_wait3A_16 = tpu.memref_squeeze %dma_wait3A_15 : memref<1x1x10240xf32, #tpu.memory_space<hbm>> -> memref<10240xf32, #tpu.memory_space<hbm>>
      %dma_wait3A_17 = arith.constant 0 : i32
      %dma_wait3A_18 = tpu.memref_slice %arg11[%arg0, %arg1, %dma_wait3A_17] : memref<2x16x10240xf32, #tpu.memory_space<hbm>> -> memref<1x1x10240xf32, #tpu.memory_space<hbm>>
      %dma_wait3A_19 = tpu.memref_squeeze %dma_wait3A_18 : memref<1x1x10240xf32, #tpu.memory_space<hbm>> -> memref<10240xf32, #tpu.memory_space<hbm>>
      tpu.wait_dma2 semaphore(%run_scoped3A : memref<!tpu.dma_semaphore, #tpu.memory_space<semaphore_mem>>) src(%arg14 : memref<10240xf32, #tpu.memory_space<vmem>>) dst(%dma_wait3A_19 : memref<10240xf32, #tpu.memory_space<hbm>>)
      tpu.yield
    }) : () -> ()
    return
  }
}

module attributes {stable_mosaic.version = 14 : i64} {
  func.func @_tc_eg_body(%arg0: i32, %arg1: memref<20480x16xf32, #tpu.memory_space<vmem>>, %arg2: memref<16x16xf32, #tpu.memory_space<vmem>>, %arg3: memref<16xf32, #tpu.memory_space<vmem>>, %arg4: memref<16x128xf32, #tpu.memory_space<vmem>>, %arg5: memref<128xf32, #tpu.memory_space<vmem>>, %arg6: memref<16x2xf32, #tpu.memory_space<vmem>>, %arg7: memref<2xf32, #tpu.memory_space<vmem>>, %arg8: memref<1x8x2560xf32, #tpu.memory_space<vmem>>, %arg9: memref<1x8x2560xf32, #tpu.memory_space<vmem>>, %arg10: memref<1x8x2560xf32, #tpu.memory_space<vmem>>) attributes {dimension_semantics = [#tpu.dimension_semantics<arbitrary>], iteration_bounds = array<i64: 16>, scalar_prefetch = 0 : i64, scratch_operands = 0 : i64, tpu.core_type = #tpu.core_type<tc>, window_params = [{transform_indices = @transform_0, window_bounds = array<i64: 20480, 16>}, {pipeline_mode = #tpu.pipeline_mode<synchronous>, transform_indices = @transform_1, window_bounds = array<i64: 16, 16>}, {pipeline_mode = #tpu.pipeline_mode<synchronous>, transform_indices = @transform_2, window_bounds = array<i64: 16>}, {pipeline_mode = #tpu.pipeline_mode<synchronous>, transform_indices = @transform_3, window_bounds = array<i64: 16, 128>}, {pipeline_mode = #tpu.pipeline_mode<synchronous>, transform_indices = @transform_4, window_bounds = array<i64: 128>}, {pipeline_mode = #tpu.pipeline_mode<synchronous>, transform_indices = @transform_5, window_bounds = array<i64: 16, 2>}, {pipeline_mode = #tpu.pipeline_mode<synchronous>, transform_indices = @transform_6, window_bounds = array<i64: 2>}, {transform_indices = @transform_7, window_bounds = array<i64: 1, 8, 2560>}, {transform_indices = @transform_8, window_bounds = array<i64: 1, 8, 2560>}, {transform_indices = @transform_9, window_bounds = array<i64: 1, 8, 2560>}]} {
    %get3A = arith.constant 0 : index
    %get3A_0 = arith.constant 0 : index
    %get3A_1 = vector.load %arg2[%get3A, %get3A_0] : memref<16x16xf32, #tpu.memory_space<vmem>>, vector<16x16xf32>
    %get3A_2 = arith.constant 0 : index
    %get3A_3 = vector.load %arg3[%get3A_2] : memref<16xf32, #tpu.memory_space<vmem>>, vector<16xf32>
    %dot_general3A = arith.constant dense<0.000000e+00> : vector<16xf32>
    %dot_general3A_4 = tpu.matmul %get3A_1, %get3A_3, %dot_general3A {dimension_numbers = #tpu.dot_dimension_numbers<[1], [0], [0], [], [0, 0], [], []>, transpose_lhs_hint = false} : vector<16x16xf32>, vector<16xf32>, vector<16xf32> -> vector<16xf32>
    %get3A_5 = arith.constant 0 : index
    %get3A_6 = arith.constant 0 : index
    %get3A_7 = vector.load %arg4[%get3A_5, %get3A_6] : memref<16x128xf32, #tpu.memory_space<vmem>>, vector<16x128xf32>
    %get3A_8 = arith.constant 0 : index
    %get3A_9 = vector.load %arg5[%get3A_8] : memref<128xf32, #tpu.memory_space<vmem>>, vector<128xf32>
    %dot_general3A_10 = arith.constant dense<0.000000e+00> : vector<16xf32>
    %dot_general3A_11 = tpu.matmul %get3A_7, %get3A_9, %dot_general3A_10 {dimension_numbers = #tpu.dot_dimension_numbers<[1], [0], [0], [], [0, 0], [], []>, transpose_lhs_hint = false} : vector<16x128xf32>, vector<128xf32>, vector<16xf32> -> vector<16xf32>
    %get3A_12 = arith.constant 0 : index
    %get3A_13 = arith.constant 0 : index
    %get3A_14 = vector.load %arg6[%get3A_12, %get3A_13] : memref<16x2xf32, #tpu.memory_space<vmem>>, vector<16x2xf32>
    %get3A_15 = arith.constant 0 : index
    %get3A_16 = vector.load %arg7[%get3A_15] : memref<2xf32, #tpu.memory_space<vmem>>, vector<2xf32>
    %dot_general3A_17 = arith.constant dense<0.000000e+00> : vector<16xf32>
    %dot_general3A_18 = tpu.matmul %get3A_14, %get3A_16, %dot_general3A_17 {dimension_numbers = #tpu.dot_dimension_numbers<[1], [0], [0], [], [0, 0], [], []>, transpose_lhs_hint = false} : vector<16x2xf32>, vector<2xf32>, vector<16xf32> -> vector<16xf32>
    %get3A_19 = arith.constant 0 : index
    %get3A_20 = arith.constant 0 : index
    %get3A_21 = vector.load %arg1[%get3A_19, %get3A_20] : memref<20480x16xf32, #tpu.memory_space<vmem>>, vector<20480x16xf32>
    %dot_general3A_22 = arith.constant dense<0.000000e+00> : vector<20480xf32>
    %dot_general3A_23 = tpu.matmul %get3A_21, %dot_general3A_4, %dot_general3A_22 {dimension_numbers = #tpu.dot_dimension_numbers<[1], [0], [0], [], [0, 0], [], []>, transpose_lhs_hint = false} : vector<20480x16xf32>, vector<16xf32>, vector<20480xf32> -> vector<20480xf32>
    %reshape3A = vector.shape_cast %dot_general3A_23 : vector<20480xf32> to vector<1x8x2560xf32>
    %swap3A = arith.constant 0 : index
    %swap3A_24 = arith.constant 0 : index
    %swap3A_25 = arith.constant 0 : index
    %swap3A_26 = vector.load %arg8[%swap3A, %swap3A_24, %swap3A_25] : memref<1x8x2560xf32, #tpu.memory_space<vmem>>, vector<1x8x2560xf32>
    tpu.vector_store %arg8[%swap3A, %swap3A_24, %swap3A_25], %reshape3A {strides = array<i32>} : memref<1x8x2560xf32, #tpu.memory_space<vmem>>, vector<1x8x2560xf32>,
    %dot_general3A_27 = arith.constant dense<0.000000e+00> : vector<20480xf32>
    %dot_general3A_28 = tpu.matmul %get3A_21, %dot_general3A_11, %dot_general3A_27 {dimension_numbers = #tpu.dot_dimension_numbers<[1], [0], [0], [], [0, 0], [], []>, transpose_lhs_hint = false} : vector<20480x16xf32>, vector<16xf32>, vector<20480xf32> -> vector<20480xf32>
    %reshape3A_29 = vector.shape_cast %dot_general3A_28 : vector<20480xf32> to vector<1x8x2560xf32>
    %swap3A_30 = arith.constant 0 : index
    %swap3A_31 = arith.constant 0 : index
    %swap3A_32 = arith.constant 0 : index
    %swap3A_33 = vector.load %arg9[%swap3A_30, %swap3A_31, %swap3A_32] : memref<1x8x2560xf32, #tpu.memory_space<vmem>>, vector<1x8x2560xf32>
    tpu.vector_store %arg9[%swap3A_30, %swap3A_31, %swap3A_32], %reshape3A_29 {strides = array<i32>} : memref<1x8x2560xf32, #tpu.memory_space<vmem>>, vector<1x8x2560xf32>,
    %dot_general3A_34 = arith.constant dense<0.000000e+00> : vector<20480xf32>
    %dot_general3A_35 = tpu.matmul %get3A_21, %dot_general3A_18, %dot_general3A_34 {dimension_numbers = #tpu.dot_dimension_numbers<[1], [0], [0], [], [0, 0], [], []>, transpose_lhs_hint = false} : vector<20480x16xf32>, vector<16xf32>, vector<20480xf32> -> vector<20480xf32>
    %reshape3A_36 = vector.shape_cast %dot_general3A_35 : vector<20480xf32> to vector<1x8x2560xf32>
    %swap3A_37 = arith.constant 0 : index
    %swap3A_38 = arith.constant 0 : index
    %swap3A_39 = arith.constant 0 : index
    %swap3A_40 = vector.load %arg10[%swap3A_37, %swap3A_38, %swap3A_39] : memref<1x8x2560xf32, #tpu.memory_space<vmem>>, vector<1x8x2560xf32>
    tpu.vector_store %arg10[%swap3A_37, %swap3A_38, %swap3A_39], %reshape3A_36 {strides = array<i32>} : memref<1x8x2560xf32, #tpu.memory_space<vmem>>, vector<1x8x2560xf32>,
    return
  }
  func.func @transform_0(%arg0: i32) -> (i32, i32) {
    %c0_i32 = arith.constant 0 : i32
    %c0_i32_0 = arith.constant 0 : i32
    return %arg0, %c0_i32 : i32, i32
  }
  func.func @transform_1(%arg0: i32) -> (i32, i32) {
    %c0_i32 = arith.constant 0 : i32
    %c0_i32_0 = arith.constant 0 : i32
    %c0_i32_1 = arith.constant 0 : i32
    return %c0_i32, %c0_i32_0 : i32, i32
  }
  func.func @transform_2(%arg0: i32) -> i32 {
    %c0_i32 = arith.constant 0 : i32
    %c0_i32_0 = arith.constant 0 : i32
    return %c0_i32 : i32
  }
  func.func @transform_3(%arg0: i32) -> (i32, i32) {
    %c0_i32 = arith.constant 0 : i32
    %c0_i32_0 = arith.constant 0 : i32
    %c0_i32_1 = arith.constant 0 : i32
    return %c0_i32, %c0_i32_0 : i32, i32
  }
  func.func @transform_4(%arg0: i32) -> i32 {
    %c0_i32 = arith.constant 0 : i32
    %c0_i32_0 = arith.constant 0 : i32
    return %c0_i32 : i32
  }
  func.func @transform_5(%arg0: i32) -> (i32, i32) {
    %c0_i32 = arith.constant 0 : i32
    %c0_i32_0 = arith.constant 0 : i32
    %c0_i32_1 = arith.constant 0 : i32
    return %c0_i32, %c0_i32_0 : i32, i32
  }
  func.func @transform_6(%arg0: i32) -> i32 {
    %c0_i32 = arith.constant 0 : i32
    %c0_i32_0 = arith.constant 0 : i32
    return %c0_i32 : i32
  }
  func.func @transform_7(%arg0: i32) -> (i32, i32, i32) {
    %c0_i32 = arith.constant 0 : i32
    %c0_i32_0 = arith.constant 0 : i32
    %c0_i32_1 = arith.constant 0 : i32
    return %arg0, %c0_i32, %c0_i32_0 : i32, i32, i32
  }
  func.func @transform_8(%arg0: i32) -> (i32, i32, i32) {
    %c0_i32 = arith.constant 0 : i32
    %c0_i32_0 = arith.constant 0 : i32
    %c0_i32_1 = arith.constant 0 : i32
    return %arg0, %c0_i32, %c0_i32_0 : i32, i32, i32
  }
  func.func @transform_9(%arg0: i32) -> (i32, i32, i32) {
    %c0_i32 = arith.constant 0 : i32
    %c0_i32_0 = arith.constant 0 : i32
    %c0_i32_1 = arith.constant 0 : i32
    return %arg0, %c0_i32, %c0_i32_0 : i32, i32, i32
  }
}

module attributes {stable_mosaic.version = 14 : i64} {
  func.func @_tc_pre_body(%arg0: memref<10000x128xf32, #tpu.memory_space<vmem>>, %arg1: memref<128x16xf32, #tpu.memory_space<vmem>>, %arg2: memref<16xf32, #tpu.memory_space<vmem>>, %arg3: memref<16xf32, #tpu.memory_space<vmem>>, %arg4: memref<10240x16xf32, #tpu.memory_space<vmem>>, %arg5: memref<10240xf32, #tpu.memory_space<vmem>>, %arg6: memref<10240xf32, #tpu.memory_space<vmem>>) attributes {dimension_semantics = [], scalar_prefetch = 0 : i64, scratch_operands = 0 : i64, tpu.core_type = #tpu.core_type<tc>} {
    %get3A = arith.constant 0 : index
    %get3A_0 = arith.constant 0 : index
    %get3A_1 = vector.load %arg0[%get3A, %get3A_0] : memref<10000x128xf32, #tpu.memory_space<vmem>>, vector<10000x128xf32>
    %get3A_2 = arith.constant 0 : index
    %get3A_3 = arith.constant 0 : index
    %get3A_4 = vector.load %arg1[%get3A_2, %get3A_3] : memref<128x16xf32, #tpu.memory_space<vmem>>, vector<128x16xf32>
    %dot_general3A = arith.constant dense<0.000000e+00> : vector<10000x16xf32>
    %dot_general3A_5 = tpu.matmul %get3A_1, %get3A_4, %dot_general3A {dimension_numbers = #tpu.dot_dimension_numbers<[1], [0], [0], [1], [0, 0, 1, 1], [], []>, transpose_lhs_hint = false} : vector<10000x128xf32>, vector<128x16xf32>, vector<10000x16xf32> -> vector<10000x16xf32>
    %broadcast_in_dim3A = arith.constant 0.000000e+00 : f32
    %broadcast_in_dim3A_6 = vector.broadcast %broadcast_in_dim3A : f32 to vector<240x16xf32>
    %concatenate3A = tpu.concatenate %dot_general3A_5, %broadcast_in_dim3A_6 in 0 : vector<10000x16xf32>, vector<240x16xf32> -> vector<10240x16xf32>
    %swap3A = arith.constant 0 : index
    %swap3A_7 = arith.constant 0 : index
    %swap3A_8 = vector.load %arg4[%swap3A, %swap3A_7] : memref<10240x16xf32, #tpu.memory_space<vmem>>, vector<10240x16xf32>
    tpu.vector_store %arg4[%swap3A, %swap3A_7], %concatenate3A {strides = array<i32>} : memref<10240x16xf32, #tpu.memory_space<vmem>>, vector<10240x16xf32>,
    %get3A_9 = arith.constant 0 : index
    %get3A_10 = vector.load %arg2[%get3A_9] : memref<16xf32, #tpu.memory_space<vmem>>, vector<16xf32>
    %dot_general3A_11 = arith.constant dense<0.000000e+00> : vector<10240xf32>
    %dot_general3A_12 = tpu.matmul %concatenate3A, %get3A_10, %dot_general3A_11 {dimension_numbers = #tpu.dot_dimension_numbers<[1], [0], [0], [], [0, 0], [], []>, transpose_lhs_hint = false} : vector<10240x16xf32>, vector<16xf32>, vector<10240xf32> -> vector<10240xf32>
    %swap3A_13 = arith.constant 0 : index
    %swap3A_14 = vector.load %arg5[%swap3A_13] : memref<10240xf32, #tpu.memory_space<vmem>>, vector<10240xf32>
    tpu.vector_store %arg5[%swap3A_13], %dot_general3A_12 {strides = array<i32>} : memref<10240xf32, #tpu.memory_space<vmem>>, vector<10240xf32>,
    %get3A_15 = arith.constant 0 : index
    %get3A_16 = vector.load %arg3[%get3A_15] : memref<16xf32, #tpu.memory_space<vmem>>, vector<16xf32>
    %dot_general3A_17 = arith.constant dense<0.000000e+00> : vector<10240xf32>
    %dot_general3A_18 = tpu.matmul %concatenate3A, %get3A_16, %dot_general3A_17 {dimension_numbers = #tpu.dot_dimension_numbers<[1], [0], [0], [], [0, 0], [], []>, transpose_lhs_hint = false} : vector<10240x16xf32>, vector<16xf32>, vector<10240xf32> -> vector<10240xf32>
    %swap3A_19 = arith.constant 0 : index
    %swap3A_20 = vector.load %arg6[%swap3A_19] : memref<10240xf32, #tpu.memory_space<vmem>>, vector<10240xf32>
    tpu.vector_store %arg6[%swap3A_19], %dot_general3A_18 {strides = array<i32>} : memref<10240xf32, #tpu.memory_space<vmem>>, vector<10240xf32>,
    return
  }
}

module attributes {stable_mosaic.version = 14 : i64} {
  func.func @_tc_post1_body(%arg0: memref<2x10240x16xf32, #tpu.memory_space<vmem>>, %arg1: memref<32x10240xf32, #tpu.memory_space<vmem>>, %arg2: memref<16xf32, #tpu.memory_space<vmem>>, %arg3: memref<16x128xf32, #tpu.memory_space<vmem>>, %arg4: memref<128xf32, #tpu.memory_space<vmem>>, %arg5: memref<128xf32, #tpu.memory_space<vmem>>, %arg6: memref<10240x128xf32, #tpu.memory_space<vmem>>, %arg7: memref<10240xf32, #tpu.memory_space<vmem>>, %arg8: memref<10240xf32, #tpu.memory_space<vmem>>) attributes {dimension_semantics = [], scalar_prefetch = 0 : i64, scratch_operands = 0 : i64, tpu.core_type = #tpu.core_type<tc>} {
    %get3A = arith.constant 0 : index
    %get3A_0 = arith.constant 0 : index
    %get3A_1 = vector.load %arg1[%get3A, %get3A_0] : memref<32x10240xf32, #tpu.memory_space<vmem>>, vector<32x10240xf32>
    %reduce_sum3A = arith.constant dense<0.000000e+00> : vector<10240xf32>
    %reduce_sum3A_2 = vector.multi_reduction <add>, %get3A_1, %reduce_sum3A [0] : vector<32x10240xf32> to vector<10240xf32>
    %add3A = arith.constant 1.000000e-16 : f32
    %add3A_3 = vector.broadcast %add3A : f32 to vector<10240xf32>
    %add3A_4 = arith.addf %reduce_sum3A_2, %add3A_3 : vector<10240xf32>
    %div3A = arith.constant 1.000000e+00 : f32
    %div3A_5 = vector.broadcast %div3A : f32 to vector<10240xf32>
    %div3A_6 = arith.divf %div3A_5, %add3A_4 : vector<10240xf32>
    %get3A_7 = arith.constant 0 : index
    %get3A_8 = arith.constant 0 : index
    %get3A_9 = arith.constant 0 : index
    %get3A_10 = vector.load %arg0[%get3A_7, %get3A_8, %get3A_9] : memref<2x10240x16xf32, #tpu.memory_space<vmem>>, vector<1x10240x16xf32>
    %get3A_11 = vector.shape_cast %get3A_10 : vector<1x10240x16xf32> to vector<10240x16xf32>
    %get3A_12 = arith.constant 1 : index
    %get3A_13 = arith.constant 0 : index
    %get3A_14 = arith.constant 0 : index
    %get3A_15 = vector.load %arg0[%get3A_12, %get3A_13, %get3A_14] : memref<2x10240x16xf32, #tpu.memory_space<vmem>>, vector<1x10240x16xf32>
    %get3A_16 = vector.shape_cast %get3A_15 : vector<1x10240x16xf32> to vector<10240x16xf32>
    %add3A_17 = arith.addf %get3A_11, %get3A_16 : vector<10240x16xf32>
    %broadcast_in_dim3A = vector.shape_cast %div3A_6 : vector<10240xf32> to vector<10240x1xf32>
    %mul3A = vector.broadcast %broadcast_in_dim3A : vector<10240x1xf32> to vector<10240x16xf32>
    %mul3A_18 = arith.mulf %add3A_17, %mul3A : vector<10240x16xf32>
    %get3A_19 = arith.constant 0 : index
    %get3A_20 = vector.load %arg2[%get3A_19] : memref<16xf32, #tpu.memory_space<vmem>>, vector<16xf32>
    %broadcast_in_dim3A_21 = vector.shape_cast %get3A_20 : vector<16xf32> to vector<1x16xf32>
    %add3A_22 = vector.broadcast %broadcast_in_dim3A_21 : vector<1x16xf32> to vector<10240x16xf32>
    %add3A_23 = arith.addf %mul3A_18, %add3A_22 : vector<10240x16xf32>
    %max3A = arith.constant 0.000000e+00 : f32
    %max3A_24 = vector.broadcast %max3A : f32 to vector<10240x16xf32>
    %max3A_25 = arith.maximumf %add3A_23, %max3A_24 : vector<10240x16xf32>
    %get3A_26 = arith.constant 0 : index
    %get3A_27 = arith.constant 0 : index
    %get3A_28 = vector.load %arg3[%get3A_26, %get3A_27] : memref<16x128xf32, #tpu.memory_space<vmem>>, vector<16x128xf32>
    %dot_general3A = arith.constant dense<0.000000e+00> : vector<10240x128xf32>
    %dot_general3A_29 = tpu.matmul %max3A_25, %get3A_28, %dot_general3A {dimension_numbers = #tpu.dot_dimension_numbers<[1], [0], [0], [1], [0, 0, 1, 1], [], []>, transpose_lhs_hint = false} : vector<10240x16xf32>, vector<16x128xf32>, vector<10240x128xf32> -> vector<10240x128xf32>
    %swap3A = arith.constant 0 : index
    %swap3A_30 = arith.constant 0 : index
    %swap3A_31 = vector.load %arg6[%swap3A, %swap3A_30] : memref<10240x128xf32, #tpu.memory_space<vmem>>, vector<10240x128xf32>
    tpu.vector_store %arg6[%swap3A, %swap3A_30], %dot_general3A_29 {strides = array<i32>} : memref<10240x128xf32, #tpu.memory_space<vmem>>, vector<10240x128xf32>,
    %get3A_32 = arith.constant 0 : index
    %get3A_33 = vector.load %arg4[%get3A_32] : memref<128xf32, #tpu.memory_space<vmem>>, vector<128xf32>
    %dot_general3A_34 = arith.constant dense<0.000000e+00> : vector<10240xf32>
    %dot_general3A_35 = tpu.matmul %dot_general3A_29, %get3A_33, %dot_general3A_34 {dimension_numbers = #tpu.dot_dimension_numbers<[1], [0], [0], [], [0, 0], [], []>, transpose_lhs_hint = false} : vector<10240x128xf32>, vector<128xf32>, vector<10240xf32> -> vector<10240xf32>
    %swap3A_36 = arith.constant 0 : index
    %swap3A_37 = vector.load %arg7[%swap3A_36] : memref<10240xf32, #tpu.memory_space<vmem>>, vector<10240xf32>
    tpu.vector_store %arg7[%swap3A_36], %dot_general3A_35 {strides = array<i32>} : memref<10240xf32, #tpu.memory_space<vmem>>, vector<10240xf32>,
    %get3A_38 = arith.constant 0 : index
    %get3A_39 = vector.load %arg5[%get3A_38] : memref<128xf32, #tpu.memory_space<vmem>>, vector<128xf32>
    %dot_general3A_40 = arith.constant dense<0.000000e+00> : vector<10240xf32>
    %dot_general3A_41 = tpu.matmul %dot_general3A_29, %get3A_39, %dot_general3A_40 {dimension_numbers = #tpu.dot_dimension_numbers<[1], [0], [0], [], [0, 0], [], []>, transpose_lhs_hint = false} : vector<10240x128xf32>, vector<128xf32>, vector<10240xf32> -> vector<10240xf32>
    %swap3A_42 = arith.constant 0 : index
    %swap3A_43 = vector.load %arg8[%swap3A_42] : memref<10240xf32, #tpu.memory_space<vmem>>, vector<10240xf32>
    tpu.vector_store %arg8[%swap3A_42], %dot_general3A_41 {strides = array<i32>} : memref<10240xf32, #tpu.memory_space<vmem>>, vector<10240xf32>,
    return
  }
}

module attributes {stable_mosaic.version = 14 : i64} {
  func.func @_tc_post2_body(%arg0: memref<2x10240x64xf32, #tpu.memory_space<vmem>>, %arg1: memref<16x10240xf32, #tpu.memory_space<vmem>>, %arg2: memref<128xf32, #tpu.memory_space<vmem>>, %arg3: memref<128x2xf32, #tpu.memory_space<vmem>>, %arg4: memref<2xf32, #tpu.memory_space<vmem>>, %arg5: memref<2xf32, #tpu.memory_space<vmem>>, %arg6: memref<10240x16xf32, #tpu.memory_space<vmem>>, %arg7: memref<10240xf32, #tpu.memory_space<vmem>>, %arg8: memref<10240xf32, #tpu.memory_space<vmem>>) attributes {dimension_semantics = [], scalar_prefetch = 0 : i64, scratch_operands = 0 : i64, tpu.core_type = #tpu.core_type<tc>} {
    %get3A = arith.constant 0 : index
    %get3A_0 = arith.constant 0 : index
    %get3A_1 = vector.load %arg1[%get3A, %get3A_0] : memref<16x10240xf32, #tpu.memory_space<vmem>>, vector<16x10240xf32>
    %reduce_sum3A = arith.constant dense<0.000000e+00> : vector<10240xf32>
    %reduce_sum3A_2 = vector.multi_reduction <add>, %get3A_1, %reduce_sum3A [0] : vector<16x10240xf32> to vector<10240xf32>
    %add3A = arith.constant 1.000000e-16 : f32
    %add3A_3 = vector.broadcast %add3A : f32 to vector<10240xf32>
    %add3A_4 = arith.addf %reduce_sum3A_2, %add3A_3 : vector<10240xf32>
    %div3A = arith.constant 1.000000e+00 : f32
    %div3A_5 = vector.broadcast %div3A : f32 to vector<10240xf32>
    %div3A_6 = arith.divf %div3A_5, %add3A_4 : vector<10240xf32>
    %get3A_7 = arith.constant 0 : index
    %get3A_8 = arith.constant 0 : index
    %get3A_9 = arith.constant 0 : index
    %get3A_10 = vector.load %arg0[%get3A_7, %get3A_8, %get3A_9] : memref<2x10240x64xf32, #tpu.memory_space<vmem>>, vector<1x10240x64xf32>
    %get3A_11 = vector.shape_cast %get3A_10 : vector<1x10240x64xf32> to vector<10240x64xf32>
    %get3A_12 = arith.constant 1 : index
    %get3A_13 = arith.constant 0 : index
    %get3A_14 = arith.constant 0 : index
    %get3A_15 = vector.load %arg0[%get3A_12, %get3A_13, %get3A_14] : memref<2x10240x64xf32, #tpu.memory_space<vmem>>, vector<1x10240x64xf32>
    %get3A_16 = vector.shape_cast %get3A_15 : vector<1x10240x64xf32> to vector<10240x64xf32>
    %concatenate3A = tpu.concatenate %get3A_11, %get3A_16 in 1 : vector<10240x64xf32>, vector<10240x64xf32> -> vector<10240x128xf32>
    %broadcast_in_dim3A = vector.shape_cast %div3A_6 : vector<10240xf32> to vector<10240x1xf32>
    %mul3A = vector.broadcast %broadcast_in_dim3A : vector<10240x1xf32> to vector<10240x128xf32>
    %mul3A_17 = arith.mulf %concatenate3A, %mul3A : vector<10240x128xf32>
    %get3A_18 = arith.constant 0 : index
    %get3A_19 = vector.load %arg2[%get3A_18] : memref<128xf32, #tpu.memory_space<vmem>>, vector<128xf32>
    %broadcast_in_dim3A_20 = vector.shape_cast %get3A_19 : vector<128xf32> to vector<1x128xf32>
    %add3A_21 = vector.broadcast %broadcast_in_dim3A_20 : vector<1x128xf32> to vector<10240x128xf32>
    %add3A_22 = arith.addf %mul3A_17, %add3A_21 : vector<10240x128xf32>
    %get3A_23 = arith.constant 0 : index
    %get3A_24 = arith.constant 0 : index
    %get3A_25 = vector.load %arg3[%get3A_23, %get3A_24] : memref<128x2xf32, #tpu.memory_space<vmem>>, vector<128x2xf32>
    %broadcast_in_dim3A_26 = arith.constant 0.000000e+00 : f32
    %broadcast_in_dim3A_27 = vector.broadcast %broadcast_in_dim3A_26 : f32 to vector<128x14xf32>
    %concatenate3A_28 = tpu.concatenate %get3A_25, %broadcast_in_dim3A_27 in 1 : vector<128x2xf32>, vector<128x14xf32> -> vector<128x16xf32>
    %get3A_29 = arith.constant 0 : index
    %get3A_30 = vector.load %arg4[%get3A_29] : memref<2xf32, #tpu.memory_space<vmem>>, vector<2xf32>
    %broadcast_in_dim3A_31 = arith.constant 0.000000e+00 : f32
    %broadcast_in_dim3A_32 = vector.broadcast %broadcast_in_dim3A_31 : f32 to vector<14xf32>
    %concatenate3A_33 = tpu.concatenate %get3A_30, %broadcast_in_dim3A_32 in 0 : vector<2xf32>, vector<14xf32> -> vector<16xf32>
    %get3A_34 = arith.constant 0 : index
    %get3A_35 = vector.load %arg5[%get3A_34] : memref<2xf32, #tpu.memory_space<vmem>>, vector<2xf32>
    %broadcast_in_dim3A_36 = arith.constant 0.000000e+00 : f32
    %broadcast_in_dim3A_37 = vector.broadcast %broadcast_in_dim3A_36 : f32 to vector<14xf32>
    %concatenate3A_38 = tpu.concatenate %get3A_35, %broadcast_in_dim3A_37 in 0 : vector<2xf32>, vector<14xf32> -> vector<16xf32>
    %dot_general3A = arith.constant dense<0.000000e+00> : vector<10240x16xf32>
    %dot_general3A_39 = tpu.matmul %add3A_22, %concatenate3A_28, %dot_general3A {dimension_numbers = #tpu.dot_dimension_numbers<[1], [0], [0], [1], [0, 0, 1, 1], [], []>, transpose_lhs_hint = false} : vector<10240x128xf32>, vector<128x16xf32>, vector<10240x16xf32> -> vector<10240x16xf32>
    %swap3A = arith.constant 0 : index
    %swap3A_40 = arith.constant 0 : index
    %swap3A_41 = vector.load %arg6[%swap3A, %swap3A_40] : memref<10240x16xf32, #tpu.memory_space<vmem>>, vector<10240x16xf32>
    tpu.vector_store %arg6[%swap3A, %swap3A_40], %dot_general3A_39 {strides = array<i32>} : memref<10240x16xf32, #tpu.memory_space<vmem>>, vector<10240x16xf32>,
    %dot_general3A_42 = arith.constant dense<0.000000e+00> : vector<10240xf32>
    %dot_general3A_43 = tpu.matmul %dot_general3A_39, %concatenate3A_33, %dot_general3A_42 {dimension_numbers = #tpu.dot_dimension_numbers<[1], [0], [0], [], [0, 0], [], []>, transpose_lhs_hint = false} : vector<10240x16xf32>, vector<16xf32>, vector<10240xf32> -> vector<10240xf32>
    %swap3A_44 = arith.constant 0 : index
    %swap3A_45 = vector.load %arg7[%swap3A_44] : memref<10240xf32, #tpu.memory_space<vmem>>, vector<10240xf32>
    tpu.vector_store %arg7[%swap3A_44], %dot_general3A_43 {strides = array<i32>} : memref<10240xf32, #tpu.memory_space<vmem>>, vector<10240xf32>,
    %dot_general3A_46 = arith.constant dense<0.000000e+00> : vector<10240xf32>
    %dot_general3A_47 = tpu.matmul %dot_general3A_39, %concatenate3A_38, %dot_general3A_46 {dimension_numbers = #tpu.dot_dimension_numbers<[1], [0], [0], [], [0, 0], [], []>, transpose_lhs_hint = false} : vector<10240x16xf32>, vector<16xf32>, vector<10240xf32> -> vector<10240xf32>
    %swap3A_48 = arith.constant 0 : index
    %swap3A_49 = vector.load %arg8[%swap3A_48] : memref<10240xf32, #tpu.memory_space<vmem>>, vector<10240xf32>
    tpu.vector_store %arg8[%swap3A_48], %dot_general3A_47 {strides = array<i32>} : memref<10240xf32, #tpu.memory_space<vmem>>, vector<10240xf32>,
    return
  }
}

module attributes {stable_mosaic.version = 14 : i64} {
  func.func @_tc_post3_body(%arg0: memref<2x10240x16xf32, #tpu.memory_space<vmem>>, %arg1: memref<32x10240xf32, #tpu.memory_space<vmem>>, %arg2: memref<2xf32, #tpu.memory_space<vmem>>, %arg3: memref<2x21xf32, #tpu.memory_space<vmem>>, %arg4: memref<21xf32, #tpu.memory_space<vmem>>, %arg5: memref<10000x21xf32, #tpu.memory_space<vmem>>) attributes {dimension_semantics = [], scalar_prefetch = 0 : i64, scratch_operands = 0 : i64, tpu.core_type = #tpu.core_type<tc>} {
    %get3A = arith.constant 0 : index
    %get3A_0 = arith.constant 0 : index
    %get3A_1 = vector.load %arg1[%get3A, %get3A_0] : memref<32x10240xf32, #tpu.memory_space<vmem>>, vector<32x10240xf32>
    %reduce_sum3A = arith.constant dense<0.000000e+00> : vector<10240xf32>
    %reduce_sum3A_2 = vector.multi_reduction <add>, %get3A_1, %reduce_sum3A [0] : vector<32x10240xf32> to vector<10240xf32>
    %add3A = arith.constant 1.000000e-16 : f32
    %add3A_3 = vector.broadcast %add3A : f32 to vector<10240xf32>
    %add3A_4 = arith.addf %reduce_sum3A_2, %add3A_3 : vector<10240xf32>
    %div3A = arith.constant 1.000000e+00 : f32
    %div3A_5 = vector.broadcast %div3A : f32 to vector<10240xf32>
    %div3A_6 = arith.divf %div3A_5, %add3A_4 : vector<10240xf32>
    %get3A_7 = arith.constant 0 : index
    %get3A_8 = arith.constant 0 : index
    %get3A_9 = arith.constant 0 : index
    %get3A_10 = vector.load %arg0[%get3A_7, %get3A_8, %get3A_9] : memref<2x10240x16xf32, #tpu.memory_space<vmem>>, vector<1x10240x16xf32>
    %get3A_11 = vector.shape_cast %get3A_10 : vector<1x10240x16xf32> to vector<10240x16xf32>
    %get3A_12 = arith.constant 1 : index
    %get3A_13 = arith.constant 0 : index
    %get3A_14 = arith.constant 0 : index
    %get3A_15 = vector.load %arg0[%get3A_12, %get3A_13, %get3A_14] : memref<2x10240x16xf32, #tpu.memory_space<vmem>>, vector<1x10240x16xf32>
    %get3A_16 = vector.shape_cast %get3A_15 : vector<1x10240x16xf32> to vector<10240x16xf32>
    %add3A_17 = arith.addf %get3A_11, %get3A_16 : vector<10240x16xf32>
    %slice3A = vector.extract_strided_slice %add3A_17 {offsets = [0, 0], sizes = [10240, 2], strides = [1, 1]} : vector<10240x16xf32> to vector<10240x2xf32>
    %broadcast_in_dim3A = vector.shape_cast %div3A_6 : vector<10240xf32> to vector<10240x1xf32>
    %mul3A = vector.broadcast %broadcast_in_dim3A : vector<10240x1xf32> to vector<10240x2xf32>
    %mul3A_18 = arith.mulf %slice3A, %mul3A : vector<10240x2xf32>
    %get3A_19 = arith.constant 0 : index
    %get3A_20 = vector.load %arg2[%get3A_19] : memref<2xf32, #tpu.memory_space<vmem>>, vector<2xf32>
    %broadcast_in_dim3A_21 = vector.shape_cast %get3A_20 : vector<2xf32> to vector<1x2xf32>
    %add3A_22 = vector.broadcast %broadcast_in_dim3A_21 : vector<1x2xf32> to vector<10240x2xf32>
    %add3A_23 = arith.addf %mul3A_18, %add3A_22 : vector<10240x2xf32>
    %get3A_24 = arith.constant 0 : index
    %get3A_25 = arith.constant 0 : index
    %get3A_26 = vector.load %arg3[%get3A_24, %get3A_25] : memref<2x21xf32, #tpu.memory_space<vmem>>, vector<2x21xf32>
    %dot_general3A = arith.constant dense<0.000000e+00> : vector<10240x21xf32>
    %dot_general3A_27 = tpu.matmul %add3A_23, %get3A_26, %dot_general3A {dimension_numbers = #tpu.dot_dimension_numbers<[1], [0], [0], [1], [0, 0, 1, 1], [], []>, transpose_lhs_hint = false} : vector<10240x2xf32>, vector<2x21xf32>, vector<10240x21xf32> -> vector<10240x21xf32>
    %get3A_28 = arith.constant 0 : index
    %get3A_29 = vector.load %arg4[%get3A_28] : memref<21xf32, #tpu.memory_space<vmem>>, vector<21xf32>
    %broadcast_in_dim3A_30 = vector.shape_cast %get3A_29 : vector<21xf32> to vector<1x21xf32>
    %add3A_31 = vector.broadcast %broadcast_in_dim3A_30 : vector<1x21xf32> to vector<10240x21xf32>
    %add3A_32 = arith.addf %dot_general3A_27, %add3A_31 : vector<10240x21xf32>
    %iota3A = tpu.iota {dimensions = array<i32: 0>} : vector<10240x1xi32>
    %lt3A = arith.constant 10000 : i32
    %lt3A_33 = vector.broadcast %lt3A : i32 to vector<10240x1xi32>
    %lt3A_34 = arith.cmpi slt, %iota3A, %lt3A_33 : vector<10240x1xi32>
    %jit3A = arith.constant 0xFF800000 : f32
    %broadcast_in_dim3A_35 = vector.shape_cast %lt3A_34 : vector<10240x1xi1> to vector<10240x1xi1>
    %broadcast_in_dim3A_36 = vector.broadcast %broadcast_in_dim3A_35 : vector<10240x1xi1> to vector<10240x21xi1>
    %broadcast_in_dim3A_37 = vector.broadcast %jit3A : f32 to vector<10240x21xf32>
    %select_n3A = arith.select %broadcast_in_dim3A_36, %add3A_32, %broadcast_in_dim3A_37 : vector<10240x21xi1>, vector<10240x21xf32>
    %reduce_max3A = arith.constant dense<0xFF800000> : vector<21xf32>
    %reduce_max3A_38 = vector.multi_reduction <maximumf>, %select_n3A, %reduce_max3A [0] : vector<10240x21xf32> to vector<21xf32>
    %broadcast_in_dim3A_39 = vector.shape_cast %reduce_max3A_38 : vector<21xf32> to vector<1x21xf32>
    %sub3A = vector.broadcast %broadcast_in_dim3A_39 : vector<1x21xf32> to vector<10240x21xf32>
    %sub3A_40 = arith.subf %add3A_32, %sub3A : vector<10240x21xf32>
    %exp3A = math.exp %sub3A_40 : vector<10240x21xf32>
    %jit3A_41 = arith.constant 0.000000e+00 : f32
    %broadcast_in_dim3A_42 = vector.shape_cast %lt3A_34 : vector<10240x1xi1> to vector<10240x1xi1>
    %broadcast_in_dim3A_43 = vector.broadcast %broadcast_in_dim3A_42 : vector<10240x1xi1> to vector<10240x21xi1>
    %broadcast_in_dim3A_44 = vector.broadcast %jit3A_41 : f32 to vector<10240x21xf32>
    %select_n3A_45 = arith.select %broadcast_in_dim3A_43, %exp3A, %broadcast_in_dim3A_44 : vector<10240x21xi1>, vector<10240x21xf32>
    %reduce_sum3A_46 = arith.constant dense<0.000000e+00> : vector<21xf32>
    %reduce_sum3A_47 = vector.multi_reduction <add>, %select_n3A_45, %reduce_sum3A_46 [0] : vector<10240x21xf32> to vector<21xf32>
    %broadcast_in_dim3A_48 = vector.shape_cast %reduce_sum3A_47 : vector<21xf32> to vector<1x21xf32>
    %log3A = math.log %broadcast_in_dim3A_48 : vector<1x21xf32>
    %add3A_49 = arith.addf %log3A, %broadcast_in_dim3A_39 : vector<1x21xf32>
    %sub3A_50 = vector.broadcast %add3A_49 : vector<1x21xf32> to vector<10240x21xf32>
    %sub3A_51 = arith.subf %add3A_32, %sub3A_50 : vector<10240x21xf32>
    %slice3A_52 = vector.extract_strided_slice %sub3A_51 {offsets = [0, 0], sizes = [10000, 21], strides = [1, 1]} : vector<10240x21xf32> to vector<10000x21xf32>
    %swap3A = arith.constant 0 : index
    %swap3A_53 = arith.constant 0 : index
    %swap3A_54 = vector.load %arg5[%swap3A, %swap3A_53] : memref<10000x21xf32, #tpu.memory_space<vmem>>, vector<10000x21xf32>
    tpu.vector_store %arg5[%swap3A, %swap3A_53], %slice3A_52 {strides = array<i32>} : memref<10000x21xf32, #tpu.memory_space<vmem>>, vector<10000x21xf32>,
    return
  }
}

</mosaic_0001>

<sc_bundles>
// kernel: kernel.10.cloned.1.call-start
scs
__scs_entry_jumppad:
0x0: {  	(pc) =	sbr.rel $0x88, $3  }
0x1: {  	(tag) =	ssettag $0x0;
	lr =	simm.s32 $0x1  }
0x2: {  	[smem:$0x3F8A] =	sst lr;
	_ =	strace $0xD0000000  }
0x3: {  	_ = 	snop  }
0x4: {  	_ = 	snop  }
0x5: {  	_ = 	snop  }
0x6: {  	_ = 	snop  }
0x7: {  	_ = 	snop  }
__scs_overlays_trampoline_lowered:
0x8: {  	[smem:$0x3F99] =	sst s0  }
0x9: {  	[smem:$0x3F9A] =	sst s1  }
0xa: {  	[smem:$0x3F9B] =	sst s2  }
0xb: {  	[smem:$0x3F9C] =	sst s3  }
0xc: {  	[smem:$0x3F9D] =	sst s4  }
0xd: {  	[smem:$0x3F9E] =	sst s5  }
0xe: {  	[smem:$0x3F9F] =	sst s6  }
0xf: {  	[smem:$0x3FA0] =	sst s7  }
0x10: {  	[smem:$0x3FA1] =	sst s8  }
0x11: {  	[smem:$0x3FA2] =	sst s9;
	s0 =	simm.s32 @!p0 $0x0  }
0x12: {  	s1 =	sld [smem:$0x3F88];
	s0 =	simm.s32 @p0 $0x1  }
0x13: {  	[smem:$0x3FA3] =	sst s0;
	s0 =	simm.s32 @!p1 $0x0  }
0x14: {  	s2 =	sld [smem:$0x3F87];
	s0 =	simm.s32 @p1 $0x1  }
0x15: {  	[smem:$0x3FA4] =	sst s0;
	s0 =	simm.s32 @!p2 $0x0  }
0x16: {  	s3 =	sld [smem:$0x3FDB];
	s0 =	simm.s32 @p2 $0x1  }
0x17: {  	s4 =	simm.s32 $0x1BF5;
	[smem:$0x3FA6] =	sst s0  }
0x18: {  	s0 =	sld [smem:$0x3F89];
	_ =	swait.ge [sflag:s4], $0x0  }
0x19: {  	s7 =	sld [smem:$0x3F8A]  }
0x1a: {  	s8 =	sadd.s32 $0xFFFFE003, lr  }
0x1b: {  	s9 =	sadd.s32 $0xFFFFFEF7, lr;
	s5 =	simm.s32 $0xFFFFFFFF;
	p2 =	slt.u32 s8, $0xFFFFF086  }
0x1c: {  	p1 =	slt.u32 s9, $0xF7A;
	s5 =	simm.s32 @!p2 $0x0  }
0x1d: {  	s5 =	simm.s32 @p1 $0x1;
	p0 =	seq.s32 s7, s2  }
0x1e: {  	s7 =	smul.u32 @!p0 $0xF7A, s2;
	p2 =	seq.s32 @!p0 s5, $0x0  }
0x1f: {  	s9 =	smul.u32 $0xF7A, s1;
	s8 =	simm.s32 @!p0 $0x1BF5;
	p2 =	por !p2, p0  }
0x20: {  	[sflag:s8] =	ssyncset.s32 @!p0 $0xFFFFF086;
	s6 =	sadd.s32 @!p0 s3, s7;
	s7 =	simm.s32 @!p0 $0x108  }
0x21: {  	s3 =	sadd.s32 s3, s9;
	s6 =	sadd.s32 @!p0 $0x88, s6;
	s7 =	simm.s32 @p2 $0x1082  }
0x22: {  	[simem:s7], [sflag:s8] =	dma.local @!p0 [hbm:s6], $0xF7A  }
0x23: {  	s9 =	sor.u32 $0xD0000000, s2;
	s6 =	simm.s32 $0x108;
	_ =	swait.ge @!p0 [sflag:s8], $0x0  }
0x24: {  	s3 =	sadd.s32 $0x88, s3;
	s6 =	simm.s32 @!p1 $0x1082;
	[sflag:s4] =	ssyncset.s32 $0xFFFFF086  }
0x25: {  	[simem:s6], [sflag:s4] =	dma.local [hbm:s3], $0xF7A  }
0x26: {  	[smem:$0x3F8A] =	sst s1;
	(tag) =	ssettag s2;
	_ =	strace s9  }
0x27: {  	s1 =	sld [smem:$0x3F9A]  }
0x28: {  	s2 =	sld [smem:$0x3F9B]  }
0x29: {  	s4 =	sld [smem:$0x3F9D]  }
0x2a: {  	p0 =	seq.s32 s5, $0x0;
	s5 =	sld [smem:$0x3F9E]  }
0x2b: {  	s6 =	sld [smem:$0x3F9F]  }
0x2c: {  	s7 =	sld [smem:$0x3FA0]  }
0x2d: {  	s3 =	simm.s32 $0x108;
	s8 =	sld [smem:$0x3FA1]  }
0x2e: {  	s3 =	simm.s32 @!p0 $0x1082;
	s9 =	sld [smem:$0x3FA2]  }
0x2f: {  	lr =	sadd.s32 s0, s3;
	s0 =	sld [smem:$0x3F99]  }
0x30: {  	s3 =	sld [smem:$0x3F9C]  }
0x31: {  	[smem:$0x3FA5] =	sst s10  }
0x32: {  	s10 =	sld [smem:$0x3FA3];
	_ =	sdelay $0x3  }
0x33: {  	p0 =	seq.s32 s10, $0x1;
	s10 =	sld [smem:$0x3FA5];
	_ =	sdelay $0x3  }
0x34: {  	[smem:$0x3FA5] =	sst s10  }
0x35: {  	s10 =	sld [smem:$0x3FA4];
	_ =	sdelay $0x3  }
0x36: {  	p1 =	seq.s32 s10, $0x1;
	s10 =	sld [smem:$0x3FA5];
	_ =	sdelay $0x3  }
0x37: {  	[smem:$0x3FA5] =	sst s10  }
0x38: {  	s10 =	sld [smem:$0x3FA6]  }
0x39: {  	_ = 	snop;
	(pc) =	sbr.ind lr, $3  }
0x3a: {  	_ = 	snop  }
0x3b: {  	_ = 	snop  }
0x3c: {  	p2 =	seq.s32 s10, $0x1;
	s10 =	sld [smem:$0x3FA5]  }
0x3d: {  	_ =	shalt  }
0x3e: {  	_ =	shalt  }
0x3f: {  	_ =	shalt  }
0x40: {  	_ =	shalt  }
0x41: {  	_ =	shalt  }
0x42: {  	_ =	shalt  }
0x43: {  	_ =	shalt  }
0x44: {  	_ =	shalt  }
0x45: {  	_ =	shalt  }
0x46: {  	_ =	shalt  }
0x47: {  	_ =	shalt  }
0x48: {  	_ =	shalt  }
0x49: {  	_ =	shalt  }
0x4a: {  	_ =	shalt  }
0x4b: {  	_ =	shalt  }
0x4c: {  	_ =	shalt  }
0x4d: {  	_ =	shalt  }
0x4e: {  	_ =	shalt  }
0x4f: {  	_ =	shalt  }
0x50: {  	_ =	shalt  }
0x51: {  	_ =	shalt  }
0x52: {  	_ =	shalt  }
0x53: {  	_ =	shalt  }
0x54: {  	_ =	shalt  }
0x55: {  	_ =	shalt  }
0x56: {  	_ =	shalt  }
0x57: {  	_ =	shalt  }
0x58: {  	_ =	shalt  }
0x59: {  	_ =	shalt  }
0x5a: {  	_ =	shalt  }
0x5b: {  	_ =	shalt  }
0x5c: {  	_ =	shalt  }
0x5d: {  	_ =	shalt  }
0x5e: {  	_ =	shalt  }
0x5f: {  	_ =	shalt  }
0x60: {  	_ =	shalt  }
0x61: {  	_ =	shalt  }
0x62: {  	_ =	shalt  }
0x63: {  	_ =	shalt  }
0x64: {  	_ =	shalt  }
0x65: {  	_ =	shalt  }
0x66: {  	_ =	shalt  }
0x67: {  	_ =	shalt  }
0x68: {  	_ =	shalt  }
0x69: {  	_ =	shalt  }
0x6a: {  	_ =	shalt  }
0x6b: {  	_ =	shalt  }
0x6c: {  	_ =	shalt  }
0x6d: {  	_ =	shalt  }
0x6e: {  	_ =	shalt  }
0x6f: {  	_ =	shalt  }
0x70: {  	_ =	shalt  }
0x71: {  	_ =	shalt  }
0x72: {  	_ =	shalt  }
0x73: {  	_ =	shalt  }
0x74: {  	_ =	shalt  }
0x75: {  	_ =	shalt  }
0x76: {  	_ =	shalt  }
0x77: {  	_ =	shalt  }
0x78: {  	_ =	shalt  }
0x79: {  	_ =	shalt  }
0x7a: {  	_ =	shalt  }
0x7b: {  	_ =	shalt  }
0x7c: {  	_ =	shalt  }
0x7d: {  	_ =	shalt  }
0x7e: {  	_ =	shalt  }
0x7f: {  	_ =	shalt  }
0x80: {  	_ =	shalt  }
0x81: {  	_ =	shalt  }
0x82: {  	_ =	shalt  }
0x83: {  	_ =	shalt  }
0x84: {  	_ =	shalt  }
0x85: {  	_ =	shalt  }
0x86: {  	_ =	shalt  }
0x87: {  	_ =	shalt  }
.Lfunc_end0:
.L_simem_size_0:
called_computation_lowered:
.L_overlay_start_0:
0x88: {  	s2 =	sld [smem:$0x3FD9]  }
0x89: {  	s3 =	sld [smem:$0x3FFE];
	_ =	sdelay $0x1  }
0x8a: {  	s1 =	srdreg.scid  }
0x8b: {  	s0 =	sand.u32 $0x1, s1  }
0x8c: {  	s17 =	sshll.u32 s0, $0xA;
	s2 =	sadd.s32 s3, s2  }
0x8d: {  	s2 =	sadd.s32 s2, s17  }
0x8e: {  	[smem:$0x3FB1] =	sst s2  }
0x8f: {  	_ = 	snop  }
0x90: {  	s2 =	sld [smem:$0x3FD0];
	(tm) =	ssettm $0x1  }
0x91: {  	s18 =	sld [smem:$0x3FFB];
	_ =	sdelay $0x3  }
0x92: {  	_ =	strace s18  }
0x93: {  	s3 =	sld [smem:$0x3FFC];
	_ =	sdelay $0x3  }
0x94: {  	_ =	strace s3  }
0x95: {  	s3 =	sld [smem:$0x3FFD];
	_ =	sdelay $0x3  }
0x96: {  	_ =	strace s3  }
0x97: {  	_ =	strace $0x8FFFFFFF  }
0x98: {  	s19 =	sld [smem:$0x3FDB];
	_ =	sdelay $0x1  }
0x99: {  	s4 =	simm.s32 $_scs_section_size  }
0x9a: {  	s5 =	simm.s32 $_size__tile_overlayer_lowered;
	s6 =	simm.s32 $_tile_overlayer_lowered  }
0x9b: {  	s22 =	simm.s32 $0x1BFF;
	s21 =	sshll.u32 s6, $0x1;
	s3 =	sadd.s32 s4, s19  }
0x9c: {  	s7 =	simm.s32 $0x0;
	s20 =	sshll.u32 s5, $0x1;
	s5 =	sadd.s32 s21, s3  }
0x9d: {  	[timem:s7], [sflag:s22] =	dma.local [hbm:s5], s20  }
0x9e: {  	_ =	swait.ge [sflag:s22], s20  }
0x9f: {  	s4 =	ssub.s32 $0x0, s20;
	[sflag:s22] =	ssyncset.done $0x0  }
0xa0: {  	[sflag:s22] =	ssyncadd.s32 s4;
	_ =	sdelay $0x1  }
0xa1: {  	s23 =	simm.s32 $0x1B8B  }
0xa2: {  	_ =	swait.ge [sflag:s23], $0x1  }
0xa3: {  	[sflag:s23] =	ssyncset.done $0x0  }
0xa4: {  	s25 =	simm.s32 $0x1B8E;
	s24 =	sld [smem:$0x3FFE];
	[sflag:s23] =	ssyncadd.s32 $0xFFFFFFFF  }
0xa5: {  	s26 =	simm.s32 $execute0_lowered;
	[smem:$0x3FD2] =	sst s25  }
0xa6: {  	s5 =	sshll.u32 s26, $0x1;
	_ =	strace $0x80000046;
	[dreg:$0x1] =	wrdreg $0xFFFFFFFF  }
0xa7: {  	s28 =	simm.s32 $_size_execute0_lowered;
	s3 =	sadd.s32 s3, s5;
	[dreg:$0x0] =	wrdreg $0x0  }
0xa8: {  	s5 =	sshll.u32 s28, $0x1;
	[dreg:$0x2] =	wrdreg s3  }
0xa9: {  	[dreg:$0x3] =	wrdreg s5  }
0xaa: {  	[dreg:$0x4] =	wrdreg $0xC0  }
0xab: {  	_ =	task [dreg:s7], $0x5FFFF  }
0xac: {  	[dreg:$0x1] =	wrdreg $0xFFFFFFFF  }
0xad: {  	[dreg:$0x0] =	wrdreg $0x60  }
0xae: {  	[dreg:$0x2] =	wrdreg s24  }
0xaf: {  	[dreg:$0x3] =	wrdreg s2  }
0xb0: {  	[dreg:$0x4] =	wrdreg $0xF8800  }
0xb1: {  	[dreg:$0x5] =	wrdreg $0x120800  }
0xb2: {  	[dreg:$0x6] =	wrdreg $0x9  }
0xb3: {  	_ =	task.clear_ibuf [dreg:s7], $0x7FFFF;
	_ =	strace $0x90000046  }
0xb4: {  	s29 =	simm.s32 $0x9;
	_ =	strace $0x80000048  }
0xb5: {  	_ =	swait.ge [sflag:s29], $0x1  }
0xb6: {  	[sflag:s29] =	ssyncadd.s32 $0xFFFFFFFF  }
0xb7: {  	_ =	strace $0x90000048  }
0xb8: {  	_ =	sfence  }
0xb9: {  	s30 =	sld [smem:$0x0];
	_ =	sdelay $0x2  }
0xba: {  	s31 =	sshll.u32 s1, $0xD;
	s1 =	sshrl.u32 s1, $0x2  }
0xbb: {  	s3 =	sand.u32 $0x4000, s31;
	s1 =	sadd.s32 s1, s30  }
0xbc: {  	s0 =	sor.u32 s3, s0;
	s1 =	sshll.u32 s1, $0x11  }
0xbd: {  	s0 =	sor.u32 s1, s0  }
0xbe: {  	s0 =	sadd.s32 $0x8F2B, s0  }
0xbf: {  	[sflag:s0] =	ssyncadd.remote.s32 $0x1  }
0xc0: {  	_ =	sfence.sel $0xFFFF  }
0xc1: {  	[dreg:$0x0] =	wrdreg $0xFFFFFFFF;
	(pc) =	sbr.abs _section_cstart, $3  }
0xc2: {  	[dreg:$0x1] =	wrdreg $0xFFFFFFFF  }
0xc3: {  	_ =	task.clear_ibuf [dreg:s7], $0x2FFFF;
	_ =	strace $0x9FFFFFFF  }
0xc4: {  	(tm) =	ssettm $0x7FFFFFFF  }
0xc5: {  	_ =	shalt  }
tec
execute0_lowered:
.L_overlay_start_1:
0x0: {  	(tag) =	ssettag $0x1  }
0x1: {  	s0 =	rddreg [dreg:$0x0]  }
0x2: {  	s1 =	srdreg.scid;
	s11 =	rddreg [dreg:$0x1]  }
0x3: {  	s2 =	rddreg [dreg:$0x2];
	s6 =	stileid.u32  }
0x4: {  	s3 =	rddreg [dreg:$0x3];
	s17 =	simm.s32 $0x2;
	s18 =	simm.s32 $0x2800  }
0x5: {  	s19 =	simm.s32 $0x5000;
	s24 =	simm.s32 $0x80;
	s25 =	simm.s32 $0xF080  }
0x6: {  	s26 =	simm.s32 $0x1;
	s28 =	simm.s32 $0xF000;
	s29 =	simm.s32 $0x0  }
0x7: {  	s1 =	sand.u32 $0x1, s1;
	s12 =	smul.u32 $0x2800, s6;
	s31 =	sadd.s32 $0x23C00, s0  }
0x8: {  	s4 =	sshll.u32 s1, $0x4;
	s7 =	smul.u32 $0x28000, s1;
	s1 =	ssub.s32 $0x2, s1  }
0x9: {  	s5 =	sor.u32 s6, s4;
	s4 =	simm.s32 $0x0;
	s6 =	sadd.s32 $0x24200, s0  }
0xa: {  	s13 =	sshrl.u32 s12, $0x3;
	s9 =	sshrl.u32 s1, $0x1;
	s20 =	sadd.s32 s12, s2  }
0xb: {  	s5 =	smul.u32 $0x500, s5;
	[smem:$0x7FF] =	sst s4;
	s14 =	sadd.s32 s13, s0  }
0xc: {  	s8 =	sadd.s32 s12, s7;
	s7 =	sadd.s32 $0x24800, s0;
	s1 =	ssub.s32 s1, s9  }
0xd: {  	s11 =	sadd.s32 s11, s13;
	s12 =	sadd.s32 s12, s3;
	s23 =	sshrl.u32 s20, $0x3  }
0xe: {  	_ =	strace $0x80000047;
	[dreg:$0x5] =	wrdreg s31;
	s8 =	sshrl.u32 s8, $0x3  }
0xf: {  	s13 =	sadd.s32 $0x24E00, s14;
	s16 =	smax.u32 s1, $0x1;
	s10 =	sadd.s32 s5, s0  }
0x10: {  	v0 =	vimm.s32 $0x0;
	vm0 =	vcmask $0x300;
	s0 =	sadd.s32 s8, s0;
	s8 =	sadd.s32 $0xFC00, s10;
	s9 =	sadd.s32 $0x5C00, s10  }
0x11: {  	v0 =	vsel vm0, $0x3, v0;
	s10 =	sadd.s32 $0x19C00, s10;
	s14 =	sadd.s32 $0x29E00, s0;
	s15 =	sadd.s32 $0x33E00, s0  }
.LBB2_1:
0x12: {  	s0 =	rddreg [dreg:$0x5]  }
0x13: {  	[tilespmem:s4], [sflag:$0x2] =	stream.linear.gather [hbm4b:s0+s4], $0x2800, $0x38;
	[tilespmem:$0x14880] =	vst v63  }
0x14: {  	_ =	swait.ge [sflag:s17], $0x2800  }
0x15: {  	[sflag:s17] =	ssyncset.done $0x0  }
0x16: {  	[sflag:s17] =	ssyncadd.s32 $0xFFFFD800  }
0x17: {  	[tilespmem:s18], [sflag:$0x2] =	stream.linear.gather [hbm4b:s6+s4], $0x2800, $0x38;
	[tilespmem:$0x14880] =	vst v63  }
0x18: {  	_ =	swait.ge [sflag:s17], $0x2800  }
0x19: {  	[sflag:s17] =	ssyncset.done $0x0  }
0x1a: {  	[sflag:s17] =	ssyncadd.s32 $0xFFFFD800  }
0x1b: {  	[tilespmem:s19], [sflag:$0x2] =	stream.linear.gather [hbm4b:s7+s4], $0x2800, $0x38;
	[tilespmem:$0x14880] =	vst v63  }
0x1c: {  	_ =	swait.ge [sflag:s17], $0x2800  }
0x1d: {  	[sflag:s17] =	ssyncset.done $0x0  }
0x1e: {  	s5 =	simm.s32 $0x7800;
	[sflag:s17] =	ssyncadd.s32 $0xFFFFD800  }
0x1f: {  	[tilespmem:s5], [sflag:$0x2] =	stream.linear.gather [hbm4b:s8+s4], $0x2800, $0x38;
	[tilespmem:$0x14880] =	vst v63  }
0x20: {  	_ =	swait.ge [sflag:s17], $0x2800  }
0x21: {  	[sflag:s17] =	ssyncset.done $0x0  }
0x22: {  	s20 =	simm.s32 $0xA000;
	[sflag:s17] =	ssyncadd.s32 $0xFFFFD800  }
0x23: {  	[tilespmem:s20], [sflag:$0x2] =	stream.linear.gather [hbm4b:s9+s4], $0x2800, $0x38;
	[tilespmem:$0x14880] =	vst v63  }
0x24: {  	_ =	swait.ge [sflag:s17], $0x2800  }
0x25: {  	[sflag:s17] =	ssyncset.done $0x0  }
0x26: {  	s21 =	simm.s32 $0xC800;
	[sflag:s17] =	ssyncadd.s32 $0xFFFFD800  }
0x27: {  	[tilespmem:s21], [sflag:$0x2] =	stream.linear.gather [hbm4b:s10+s4], $0x2800, $0x38;
	[tilespmem:$0x14880] =	vst v63  }
0x28: {  	s22 =	stileid.u32;
	_ =	swait.ge [sflag:s17], $0x2800  }
0x29: {  	s0 =	sshll.u32 s22, $0x6;
	[sflag:s17] =	ssyncset.done $0x0  }
0x2a: {  	s30 =	sor.u32 $0x1C02, s0;
	[sflag:s17] =	ssyncadd.s32 $0xFFFFD800  }
0x2b: {  	[spmem:s23], [sflag:s30] =	dma.local [hbm:s11], $0x500  }
0x2c: {  	_ =	swait.ge [sflag:s17], $0x500  }
0x2d: {  	[sflag:s17] =	ssyncset.done $0x0  }
0x2e: {  	s31 =	sshrl.u32 s12, $0x3;
	[sflag:s17] =	ssyncadd.s32 $0xFFFFFB00  }
0x2f: {  	[spmem:s31], [sflag:s30] =	dma.local [hbm:s13], $0x500  }
0x30: {  	_ =	swait.ge [sflag:s17], $0x500  }
0x31: {  	[sflag:s17] =	ssyncset.done $0x0  }
0x32: {  	[sflag:s17] =	ssyncadd.s32 $0xFFFFFB00  }
0x33: {  	s1 =	simm.s32 $0x0;
	[bflag:$0x0] =	sbarrier.arrive $0xFFFF  }
.LBB2_2:
0x34: {  	s20 =	sshll.u32 s1, $0x7  }
0x35: {  	s0 =	sadd.s32 $0x7800, s20  }
0x36: {  	[tilespmem:s25], [sflag:$0x1] =	stream.indirect.gather [spmem:s2], $0x10, s0, s24, $0xb8;
	[tilespmem:$0x14880] =	vst v63  }
0x37: {  	v1 =	vld [tilespmem:s20+$0x7800]  }
0x38: {  	v2 =	vld [tilespmem:s20+$0xA000];
	_ =	sdelay $0x5  }
0x39: {  	s21 =	simm.s32 $0x0  }
0x3a: {  	v1 =	vld.idx.msk [tilespmem:v1+s21+$0x0], $0xffff  }
0x3b: {  	v3 =	vld.idx.msk [tilespmem:v2+s18+$0x0], $0xffff;
	_ =	sdelay $0x1  }
0x3c: {  	v4 =	vld [tilespmem:s20+$0xC800];
	_ =	sdelay $0x2  }
0x3d: {  	v1 =	vadd.f32 v3, v1;
	_ =	sdelay $0x1  }
0x3e: {  	v1 =	vadd.f32 v4, v1;
	_ =	sdelay $0x1  }
0x3f: {  	v3 =	vmul.f32 $2.000000030e-01, v1  }
0x40: {  	vm0 =	vge.f32 v1, $0.0e+00  }
0x41: {  	v1 =	vsel vm0, v1, v3  }
0x42: {  	v1 =	vmul.f32 $1.442695020e+00, v1;
	_ =	sdelay $0x1  }
0x43: {  	(erf) = vpow2.f32 v1;
	_ =	sdelay $0x8  }
0x44: {  	v1 =	vpop (erf)  }
0x45: {  	[tilespmem:$0xF000] =	vst v1  }
0x46: {  	[tilespmem:v2+s19+$0x0] =	vst.idx.add.f32.msk $0xffff, v1  }
0x47: {  	v1 =	vld [tilespmem:s20+$0x7810]  }
0x48: {  	v2 =	vld [tilespmem:s20+$0xA010];
	_ =	sdelay $0x6  }
0x49: {  	v1 =	vld.idx.msk [tilespmem:v1+s21+$0x0], $0xffff  }
0x4a: {  	v3 =	vld.idx.msk [tilespmem:v2+s18+$0x0], $0xffff;
	_ =	sdelay $0x1  }
0x4b: {  	v4 =	vld [tilespmem:s20+$0xC810];
	_ =	sdelay $0x2  }
0x4c: {  	v1 =	vadd.f32 v3, v1;
	_ =	sdelay $0x1  }
0x4d: {  	v1 =	vadd.f32 v4, v1;
	_ =	sdelay $0x1  }
0x4e: {  	v3 =	vmul.f32 $2.000000030e-01, v1  }
0x4f: {  	vm9 =	vge.f32 v1, $0.0e+00  }
0x50: {  	v1 =	vsel vm9, v1, v3  }
0x51: {  	v1 =	vmul.f32 $1.442695020e+00, v1;
	_ =	sdelay $0x1  }
0x52: {  	(erf) = vpow2.f32 v1;
	_ =	sdelay $0x8  }
0x53: {  	v1 =	vpop (erf)  }
0x54: {  	[tilespmem:$0xF010] =	vst v1  }
0x55: {  	[tilespmem:v2+s19+$0x0] =	vst.idx.add.f32.msk $0xffff, v1  }
0x56: {  	v1 =	vld [tilespmem:s20+$0x7820]  }
0x57: {  	v2 =	vld [tilespmem:s20+$0xA020];
	_ =	sdelay $0x6  }
0x58: {  	v1 =	vld.idx.msk [tilespmem:v1+s21+$0x0], $0xffff  }
0x59: {  	v3 =	vld.idx.msk [tilespmem:v2+s18+$0x0], $0xffff;
	_ =	sdelay $0x1  }
0x5a: {  	v4 =	vld [tilespmem:s20+$0xC820];
	_ =	sdelay $0x2  }
0x5b: {  	v1 =	vadd.f32 v3, v1;
	_ =	sdelay $0x1  }
0x5c: {  	v1 =	vadd.f32 v4, v1;
	_ =	sdelay $0x1  }
0x5d: {  	v3 =	vmul.f32 $2.000000030e-01, v1  }
0x5e: {  	vm10 =	vge.f32 v1, $0.0e+00  }
0x5f: {  	v1 =	vsel vm10, v1, v3  }
0x60: {  	v1 =	vmul.f32 $1.442695020e+00, v1;
	_ =	sdelay $0x1  }
0x61: {  	(erf) = vpow2.f32 v1;
	_ =	sdelay $0x8  }
0x62: {  	v1 =	vpop (erf)  }
0x63: {  	[tilespmem:$0xF020] =	vst v1  }
0x64: {  	[tilespmem:v2+s19+$0x0] =	vst.idx.add.f32.msk $0xffff, v1  }
0x65: {  	v1 =	vld [tilespmem:s20+$0x7830]  }
0x66: {  	v2 =	vld [tilespmem:s20+$0xA030];
	_ =	sdelay $0x6  }
0x67: {  	v1 =	vld.idx.msk [tilespmem:v1+s21+$0x0], $0xffff  }
0x68: {  	v3 =	vld.idx.msk [tilespmem:v2+s18+$0x0], $0xffff;
	_ =	sdelay $0x1  }
0x69: {  	v4 =	vld [tilespmem:s20+$0xC830];
	_ =	sdelay $0x2  }
0x6a: {  	v1 =	vadd.f32 v3, v1;
	_ =	sdelay $0x1  }
0x6b: {  	v1 =	vadd.f32 v4, v1;
	_ =	sdelay $0x1  }
0x6c: {  	v3 =	vmul.f32 $2.000000030e-01, v1  }
0x6d: {  	vm11 =	vge.f32 v1, $0.0e+00  }
0x6e: {  	v1 =	vsel vm11, v1, v3  }
0x6f: {  	v1 =	vmul.f32 $1.442695020e+00, v1;
	_ =	sdelay $0x1  }
0x70: {  	(erf) = vpow2.f32 v1;
	_ =	sdelay $0x8  }
0x71: {  	v1 =	vpop (erf)  }
0x72: {  	[tilespmem:$0xF030] =	vst v1  }
0x73: {  	[tilespmem:v2+s19+$0x0] =	vst.idx.add.f32.msk $0xffff, v1  }
0x74: {  	v1 =	vld [tilespmem:s20+$0x7840]  }
0x75: {  	v2 =	vld [tilespmem:s20+$0xA040];
	_ =	sdelay $0x6  }
0x76: {  	v1 =	vld.idx.msk [tilespmem:v1+s21+$0x0], $0xffff  }
0x77: {  	v3 =	vld.idx.msk [tilespmem:v2+s18+$0x0], $0xffff;
	_ =	sdelay $0x1  }
0x78: {  	v4 =	vld [tilespmem:s20+$0xC840];
	_ =	sdelay $0x2  }
0x79: {  	v1 =	vadd.f32 v3, v1;
	_ =	sdelay $0x1  }
0x7a: {  	v1 =	vadd.f32 v4, v1;
	_ =	sdelay $0x1  }
0x7b: {  	v3 =	vmul.f32 $2.000000030e-01, v1  }
0x7c: {  	vm12 =	vge.f32 v1, $0.0e+00  }
0x7d: {  	v1 =	vsel vm12, v1, v3  }
0x7e: {  	v1 =	vmul.f32 $1.442695020e+00, v1;
	_ =	sdelay $0x1  }
0x7f: {  	(erf) = vpow2.f32 v1;
	_ =	sdelay $0x8  }
0x80: {  	v1 =	vpop (erf)  }
0x81: {  	[tilespmem:$0xF040] =	vst v1  }
0x82: {  	[tilespmem:v2+s19+$0x0] =	vst.idx.add.f32.msk $0xffff, v1  }
0x83: {  	v1 =	vld [tilespmem:s20+$0x7850]  }
0x84: {  	v2 =	vld [tilespmem:s20+$0xA050];
	_ =	sdelay $0x6  }
0x85: {  	v1 =	vld.idx.msk [tilespmem:v1+s21+$0x0], $0xffff  }
0x86: {  	v3 =	vld.idx.msk [tilespmem:v2+s18+$0x0], $0xffff;
	_ =	sdelay $0x1  }
0x87: {  	v4 =	vld [tilespmem:s20+$0xC850];
	_ =	sdelay $0x2  }
0x88: {  	v1 =	vadd.f32 v3, v1;
	_ =	sdelay $0x1  }
0x89: {  	v1 =	vadd.f32 v4, v1;
	_ =	sdelay $0x1  }
0x8a: {  	v3 =	vmul.f32 $2.000000030e-01, v1  }
0x8b: {  	vm13 =	vge.f32 v1, $0.0e+00  }
0x8c: {  	v1 =	vsel vm13, v1, v3  }
0x8d: {  	v1 =	vmul.f32 $1.442695020e+00, v1;
	_ =	sdelay $0x1  }
0x8e: {  	(erf) = vpow2.f32 v1;
	_ =	sdelay $0x8  }
0x8f: {  	v1 =	vpop (erf)  }
0x90: {  	[tilespmem:$0xF050] =	vst v1  }
0x91: {  	[tilespmem:v2+s19+$0x0] =	vst.idx.add.f32.msk $0xffff, v1  }
0x92: {  	v1 =	vld [tilespmem:s20+$0x7860]  }
0x93: {  	v2 =	vld [tilespmem:s20+$0xA060];
	_ =	sdelay $0x6  }
0x94: {  	v1 =	vld.idx.msk [tilespmem:v1+s21+$0x0], $0xffff  }
0x95: {  	v3 =	vld.idx.msk [tilespmem:v2+s18+$0x0], $0xffff;
	_ =	sdelay $0x1  }
0x96: {  	v4 =	vld [tilespmem:s20+$0xC860];
	_ =	sdelay $0x2  }
0x97: {  	v1 =	vadd.f32 v3, v1;
	_ =	sdelay $0x1  }
0x98: {  	v1 =	vadd.f32 v4, v1;
	_ =	sdelay $0x1  }
0x99: {  	v3 =	vmul.f32 $2.000000030e-01, v1  }
0x9a: {  	vm14 =	vge.f32 v1, $0.0e+00  }
0x9b: {  	v1 =	vsel vm14, v1, v3  }
0x9c: {  	v1 =	vmul.f32 $1.442695020e+00, v1;
	_ =	sdelay $0x1  }
0x9d: {  	(erf) = vpow2.f32 v1;
	_ =	sdelay $0x8  }
0x9e: {  	v1 =	vpop (erf)  }
0x9f: {  	[tilespmem:$0xF060] =	vst v1  }
0xa0: {  	[tilespmem:v2+s19+$0x0] =	vst.idx.add.f32.msk $0xffff, v1  }
0xa1: {  	v1 =	vld [tilespmem:s20+$0x7870]  }
0xa2: {  	v2 =	vld [tilespmem:s20+$0xA070];
	_ =	sdelay $0x6  }
0xa3: {  	v1 =	vld.idx.msk [tilespmem:v1+s21+$0x0], $0xffff  }
0xa4: {  	v3 =	vld.idx.msk [tilespmem:v2+s18+$0x0], $0xffff;
	_ =	sdelay $0x1  }
0xa5: {  	v4 =	vld [tilespmem:s20+$0xC870];
	_ =	sdelay $0x2  }
0xa6: {  	v1 =	vadd.f32 v3, v1;
	_ =	sdelay $0x1  }
0xa7: {  	v1 =	vadd.f32 v4, v1;
	_ =	sdelay $0x1  }
0xa8: {  	v3 =	vmul.f32 $2.000000030e-01, v1  }
0xa9: {  	vm15 =	vge.f32 v1, $0.0e+00  }
0xaa: {  	v1 =	vsel vm15, v1, v3  }
0xab: {  	v1 =	vmul.f32 $1.442695020e+00, v1;
	_ =	sdelay $0x1  }
0xac: {  	s5 =	simm.s32 $0x3;
	(erf) = vpow2.f32 v1  }
0xad: {  	v5 =	vmov s5  }
0xae: {  	v5 =	vshrl.u32 v5, $0x3  }
0xaf: {  	s22 =	simm.s32 $0x1;
	s5 =	simm.s32 $0x6;
	v5 =	vshll.u32 v5, v0  }
0xb0: {  	v8 =	vmov s5;
	v5 =	vadd.s32 $0x3, v5;
	v3 =	vmov s22;
	s22 =	simm.s32 $0x4  }
0xb1: {  	v8 =	vshrl.u32 v8, $0x3;
	v5 =	vbroadcast v5, $0x0;
	v6 =	vmov s22;
	s22 =	simm.s32 $0x5  }
0xb2: {  	v3 =	vshrl.u32 v3, $0x3;
	v7 =	vmov s22;
	v1 =	vmov s21;
	s21 =	simm.s32 $0x2  }
0xb3: {  	v6 =	vshrl.u32 v6, $0x3;
	v1 =	vshrl.u32 v1, $0x3;
	v4 =	vmov s21  }
0xb4: {  	v3 =	vshll.u32 v3, v0;
	v1 =	vshll.u32 v1, v0;
	v4 =	vshrl.u32 v4, $0x3  }
0xb5: {  	v3 =	vadd.s32 $0x1, v3;
	v1 =	vbroadcast v1, $0x0;
	v4 =	vshll.u32 v4, v0;
	v9 =	vpop (erf)  }
0xb6: {  	v7 =	vshrl.u32 v7, $0x3;
	v3 =	vbroadcast v3, $0x0;
	v4 =	vadd.s32 $0x2, v4;
	[tilespmem:$0xF070] =	vst v9  }
0xb7: {  	v6 =	vshll.u32 v6, v0;
	v7 =	vshll.u32 v7, v0;
	s21 =	simm.s32 $0x7;
	v4 =	vbroadcast v4, $0x0;
	[tilespmem:v2+s19+$0x0] =	vst.idx.add.f32.msk $0xffff, v9  }
0xb8: {  	v6 =	vadd.s32 $0x4, v6;
	v2 =	vshll.u32 v8, v0;
	v8 =	vmov s21;
	_ =	swait.ge [sflag:s26], $0x800  }
0xb9: {  	v7 =	vadd.s32 $0x5, v7;
	v6 =	vbroadcast v6, $0x0;
	v8 =	vshrl.u32 v8, $0x3;
	[sflag:s26] =	ssyncset.done $0x0  }
0xba: {  	v7 =	vbroadcast v7, $0x0;
	v2 =	vadd.s32 $0x6, v2;
	v8 =	vshll.u32 v8, v0;
	[sflag:s26] =	ssyncadd.s32 $0xFFFFF800  }
0xbb: {  	s5 =	simm.s32 $0x9;
	v9 =	vbroadcast v2, $0x0;
	v2 =	vadd.s32 $0x7, v8;
	v1 =	vld.idx.msk [tilespmem:v1+s28+$0x0], $0xffff  }
0xbc: {  	v11 =	vmov s5;
	s5 =	simm.s32 $0xC;
	v3 =	vld.idx.msk [tilespmem:v3+s28+$0x0], $0xffff;
	v8 =	vbroadcast v2, $0x0  }
0xbd: {  	v13 =	vmov s5;
	v2 =	vld.idx.msk [tilespmem:v4+s28+$0x0], $0xffff  }
0xbe: {  	v11 =	vshrl.u32 v11, $0x3;
	v13 =	vshrl.u32 v13, $0x3;
	v4 =	vld.idx.msk [tilespmem:v5+s28+$0x0], $0xffff  }
0xbf: {  	v11 =	vshll.u32 v11, v0;
	v18 =	vshll.u32 v13, v0;
	s22 =	simm.s32 $0x8;
	s21 =	simm.s32 $0xA;
	v6 =	vld.idx.msk [tilespmem:v6+s28+$0x0], $0xffff  }
0xc0: {  	v11 =	vadd.s32 $0x1, v11;
	v10 =	vmov s22;
	s22 =	simm.s32 $0xB;
	v5 =	vmov s21;
	v7 =	vld.idx.msk [tilespmem:v7+s28+$0x0], $0xffff  }
0xc1: {  	v10 =	vshrl.u32 v10, $0x3;
	v12 =	vmov s22;
	s22 =	simm.s32 $0xE;
	s21 =	simm.s32 $0xD;
	v16 =	vshrl.u32 v5, $0x3;
	v5 =	vld.idx.msk [tilespmem:v9+s28+$0x0], $0xffff  }
0xc2: {  	v10 =	vshll.u32 v10, v0;
	v15 =	vmov s22;
	v14 =	vmov s21;
	s21 =	simm.s32 $0xF0C0;
	v9 =	vld.idx.msk [tilespmem:v8+s28+$0x0], $0xffff  }
0xc3: {  	v12 =	vshrl.u32 v12, $0x3;
	v15 =	vshrl.u32 v15, $0x3;
	v8 =	vbroadcast v10, $0x0;
	v10 =	vld [tilespmem:s21+$0x30]  }
0xc4: {  	v18 =	vadd.s32 $0x4, v18;
	v17 =	vshll.u32 v12, v0;
	v15 =	vshll.u32 v15, v0;
	v12 =	vld [tilespmem:s21+$0xFFFFFFC0]  }
0xc5: {  	v20 =	vadd.s32 $0x3, v17;
	v14 =	vshrl.u32 v14, $0x3;
	v16 =	vshll.u32 v16, v0;
	v13 =	vld [tilespmem:s21+$0xFFFFFFD0]  }
0xc6: {  	v19 =	vshll.u32 v14, v0;
	v16 =	vadd.s32 $0x2, v16;
	v14 =	vbroadcast v11, $0x0;
	v11 =	vld [tilespmem:s21+$0xFFFFFFE0]  }
0xc7: {  	s0 =	simm.s32 $0xF;
	s20 =	sadd.s32 $0xA000, s20;
	s22 =	simm.s32 $0x10;
	v17 =	vadd.s32 $0x6, v15;
	v15 =	vld [tilespmem:s21+$0xFFFFFFF0];
	v16 =	vbroadcast v16, $0x0;
	v19 =	vadd.s32 $0x5, v19  }
.LBB2_3:
0xc8: {  	p0 =	slt.u32 s22, $0x78;
	v20 =	vbroadcast v20, $0x0;
	v21 =	vmov s0;
	v22 =	vld [tilespmem:s21+$0x0];
	v9 =	vmul.f32 v10, v9  }
0xc9: {  	v10 =	vbroadcast v18, $0x0;
	v18 =	vshrl.u32 v21, $0x3;
	v12 =	vmul.f32 v12, v1;
	v21 =	vld [tilespmem:s21+$0x10]  }
0xca: {  	v19 =	vbroadcast v19, $0x0;
	v18 =	vshll.u32 v18, v0;
	v13 =	vmul.f32 v13, v3;
	v23 =	vld [tilespmem:s21+$0x20];
	[tilespmem:s21+$0x30] =	vst v9  }
0xcb: {  	v1 =	vld.idx.msk [tilespmem:v8+s28+$0x0], $0xffff;
	v8 =	vbroadcast v17, $0x0;
	v9 =	vadd.s32 $0x7, v18;
	[tilespmem:s21+$0xFFFFFFC0] =	vst v12;
	v11 =	vmul.f32 v11, v2  }
0xcc: {  	v2 =	vmov s22;
	v3 =	vld.idx.msk [tilespmem:v14+s28+$0x0], $0xffff;
	v9 =	vbroadcast v9, $0x0;
	[tilespmem:s21+$0xFFFFFFD0] =	vst v13;
	v12 =	vmul.f32 v15, v4  }
0xcd: {  	s0 =	sadd.s32 $0x1, s22;
	s5 =	sadd.s32 $0x2, s22;
	v13 =	vshrl.u32 v2, $0x3;
	v2 =	vld.idx.msk [tilespmem:v16+s28+$0x0], $0xffff;
	[tilespmem:s21+$0xFFFFFFE0] =	vst v11;
	v11 =	vmul.f32 v22, v6  }
0xce: {  	v14 =	vmov s0;
	v15 =	vmov s5;
	s0 =	sadd.s32 $0x3, s22;
	s5 =	sadd.s32 $0x4, s22;
	v4 =	vld.idx.msk [tilespmem:v20+s28+$0x0], $0xffff;
	[tilespmem:s21+$0xFFFFFFF0] =	vst v12;
	v12 =	vmul.f32 v21, v7  }
0xcf: {  	v16 =	vmov s0;
	v17 =	vmov s5;
	s0 =	sadd.s32 $0x5, s22;
	s5 =	sadd.s32 $0x6, s22;
	v6 =	vld.idx.msk [tilespmem:v10+s28+$0x0], $0xffff;
	[tilespmem:s21+$0x0] =	vst v11;
	v10 =	vmul.f32 v23, v5  }
0xd0: {  	v18 =	vmov s5;
	v11 =	vshll.u32 v13, v0;
	v13 =	vmov s0;
	v7 =	vld.idx.msk [tilespmem:v19+s28+$0x0], $0xffff;
	[tilespmem:s21+$0x10] =	vst v12  }
0xd1: {  	v12 =	vshrl.u32 v14, $0x3;
	v14 =	vshrl.u32 v15, $0x3;
	v15 =	vshrl.u32 v16, $0x3;
	v5 =	vld.idx.msk [tilespmem:v8+s28+$0x0], $0xffff;
	[tilespmem:s21+$0x20] =	vst v10  }
0xd2: {  	v16 =	vshrl.u32 v17, $0x3;
	v13 =	vshrl.u32 v13, $0x3;
	v17 =	vshrl.u32 v18, $0x3;
	s21 =	sadd.s32 $0x80, s21;
	v9 =	vld.idx.msk [tilespmem:v9+s28+$0x0], $0xffff  }
.Ltmp0:
0xd3: {  	v8 =	vbroadcast v11, $0x0;
	v11 =	vshll.u32 v12, v0;
	v14 =	vshll.u32 v14, v0;
	v10 =	vld [tilespmem:s21+$0x30];
	(pc) =	sbr.rel @p0 .LBB2_3-.Ltmp0, $4  }
0xd4: {  	v15 =	vshll.u32 v15, v0;
	v16 =	vshll.u32 v16, v0;
	v19 =	vshll.u32 v13, v0;
	v12 =	vld [tilespmem:s21+$0xFFFFFFC0]  }
0xd5: {  	v17 =	vshll.u32 v17, v0;
	v11 =	vadd.s32 $0x1, v11;
	v21 =	vadd.s32 $0x2, v14;
	v13 =	vld [tilespmem:s21+$0xFFFFFFD0]  }
0xd6: {  	v20 =	vadd.s32 $0x3, v15;
	v18 =	vadd.s32 $0x4, v16;
	v14 =	vbroadcast v11, $0x0;
	v11 =	vld [tilespmem:s21+$0xFFFFFFE0]  }
0xd7: {  	s0 =	sadd.s32 $0x7, s22;
	s22 =	sadd.s32 $0x8, s22;
	v19 =	vadd.s32 $0x5, v19;
	v17 =	vadd.s32 $0x6, v17;
	v16 =	vbroadcast v21, $0x0;
	v15 =	vld [tilespmem:s21+$0xFFFFFFF0]  }
0xd8: {  	_ = 	snop  }
0xd9: {  	v22 =	vld [tilespmem:s21+$0x0]  }
0xda: {  	v23 =	vld [tilespmem:s21+$0x10]  }
0xdb: {  	v24 =	vld [tilespmem:s21+$0x20]  }
0xdc: {  	v8 =	vld.idx.msk [tilespmem:v8+s28+$0x0], $0xffff  }
0xdd: {  	v21 =	vmov s0;
	v14 =	vld.idx.msk [tilespmem:v14+s28+$0x0], $0xffff  }
0xde: {  	s22 =	sadd.s32 $0x80, s21;
	v21 =	vshrl.u32 v21, $0x3;
	v16 =	vld.idx.msk [tilespmem:v16+s28+$0x0], $0xffff  }
0xdf: {  	v58 =	vld [tilespmem:s22+$0xFFFFFFC0];
	v21 =	vshll.u32 v21, v0  }
0xe0: {  	v18 =	vbroadcast v18, $0x0;
	v59 =	vld [tilespmem:s22+$0xFFFFFFD0];
	v21 =	vadd.s32 $0x7, v21  }
0xe1: {  	v1 =	vmul.f32 v12, v1;
	v60 =	vld [tilespmem:s22+$0xFFFFFFE0];
	v21 =	vbroadcast v21, $0x0  }
0xe2: {  	v61 =	vld [tilespmem:s22+$0xFFFFFFF0];
	v3 =	vmul.f32 v13, v3  }
0xe3: {  	v20 =	vbroadcast v20, $0x0;
	v62 =	vld [tilespmem:s22+$0x10];
	[tilespmem:s21+$0xFFFFFFC0] =	vst v1;
	v1 =	vmul.f32 v11, v2  }
0xe4: {  	v17 =	vbroadcast v17, $0x0;
	v63 =	vld [tilespmem:s22+$0x20];
	[tilespmem:s21+$0xFFFFFFD0] =	vst v3;
	v3 =	vmul.f32 v15, v4  }
0xe5: {  	v19 =	vbroadcast v19, $0x0;
	v2 =	vld [tilespmem:s22+$0x30];
	[tilespmem:s21+$0xFFFFFFE0] =	vst v1;
	v1 =	vmul.f32 v22, v6  }
0xe6: {  	v18 =	vld.idx.msk [tilespmem:v18+s28+$0x0], $0xffff;
	[tilespmem:s21+$0xFFFFFFF0] =	vst v3;
	v3 =	vmul.f32 v23, v7  }
0xe7: {  	[tilespmem:s21+$0x0] =	vst v1;
	v1 =	vmul.f32 v24, v5;
	v57 =	vld.idx.msk [tilespmem:v21+s28+$0x0], $0xffff  }
0xe8: {  	v9 =	vmul.f32 v10, v9;
	[tilespmem:s21+$0x10] =	vst v3;
	v3 =	vld [tilespmem:s22+$0x0]  }
0xe9: {  	v20 =	vld.idx.msk [tilespmem:v20+s28+$0x0], $0xffff;
	[tilespmem:s21+$0x20] =	vst v1;
	v1 =	vmul.f32 v58, v8  }
0xea: {  	[tilespmem:s21+$0x30] =	vst v9;
	v56 =	vld.idx.msk [tilespmem:v17+s28+$0x0], $0xffff;
	v6 =	vmul.f32 v59, v14  }
0xeb: {  	v55 =	vld.idx.msk [tilespmem:v19+s28+$0x0], $0xffff;
	[tilespmem:s22+$0xFFFFFFC0] =	vst v1;
	v1 =	vmul.f32 v60, v16  }
0xec: {  	[tilespmem:s22+$0xFFFFFFD0] =	vst v6;
	v2 =	vmul.f32 v2, v57  }
0xed: {  	[tilespmem:s22+$0xFFFFFFE0] =	vst v1;
	v1 =	vmul.f32 v3, v18  }
0xee: {  	[tilespmem:s22+$0x30] =	vst v2;
	v2 =	vmul.f32 v61, v20  }
0xef: {  	[tilespmem:s22+$0x0] =	vst v1;
	v1 =	vmul.f32 v63, v56  }
0xf0: {  	s1 =	sadd.s32 $0x1, s1;
	[tilespmem:s22+$0xFFFFFFF0] =	vst v2;
	v2 =	vmul.f32 v62, v55  }
0xf1: {  	p0 =	sne.s32 s1, $0x50;
	[tilespmem:s22+$0x20] =	vst v1  }
.Ltmp1:
0xf2: {  	[tilespmem:s22+$0x10] =	vst v2;
	(pc) =	sbr.rel @p0 .LBB2_2-.Ltmp1, $4  }
0xf3: {  	[spmem:s3] =	stream.indirect.scatter.add.f32 [tilespmem:s25], [sflag:$0x1], $0x10, s20, s24, $0xb8;
	[tilespmem:$0x14880] =	vst v63  }
0xf4: {  	_ =	swait.ge [sflag:s26], $0x800  }
0xf5: {  	[sflag:s26] =	ssyncset.done $0x0  }
0xf6: {  	[sflag:s26] =	ssyncadd.s32 $0xFFFFF800  }
0xf7: {  	[bflag:$0x0] =	sbarrier.arrive $0xFFFF  }
0xf8: {  	[hbm:s14], [sflag:s30] =	dma.local [spmem:s31], $0x500  }
0xf9: {  	s29 =	sadd.s32 $0x1, s29;
	_ =	swait.ge [sflag:s17], $0x500  }
0xfa: {  	p0 =	sne.s32 s29, s16;
	[sflag:s17] =	ssyncset.done $0x0  }
.Ltmp2:
0xfb: {  	[sflag:s17] =	ssyncadd.s32 $0xFFFFFB00;
	(pc) =	sbr.rel @p0 .LBB2_1-.Ltmp2, $4  }
0xfc: {  	[hbm4b:s15+s4] =	stream.linear.scatter [tilespmem:s19], [sflag:$0x2], $0x2800, $0x38;
	[tilespmem:$0x14880] =	vst v63  }
0xfd: {  	_ =	swait.ge [sflag:s17], $0x2800  }
0xfe: {  	[sflag:s17] =	ssyncset.done $0x0  }
0xff: {  	[sflag:s17] =	ssyncadd.s32 $0xFFFFD800  }
0x100: {  	_ =	sfence.sel $0x180000  }
0x101: {  	[bflag:$0x0] =	sbarrier.arrive $0xFFFF  }
0x102: {  	_ =	strace $0x90000047  }
0x103: {  	s0 =	stileid.u32;
	[bflag:$0x2] =	sbarrier.arrive $0xFFFF  }
0x104: {  	p0 =	sne.s32 s0, $0x0;
	s0 =	rddreg [dreg:$0x4]  }
0x105: {  	s0 =	sadd.s32 @!p0 $0x100000, s0  }
0x106: {  	[sflag:s0] =	ssyncadd.tile.s32 @!p0 $0x1;
	_ =	shalt  }
.Lfunc_end2:
_tile_overlayer_lowered:
.L_overlay_start_2:
0x107: {  	(tag) =	ssettag $0x2  }
0x108: {  	s0 =	rddreg [dreg:$0x0];
	s2 =	stileid.u32  }
0x109: {  	s1 =	rddreg [dreg:$0x1];
	p0 =	sne.s32 s2, $0x0  }
0x10a: {  	s3 =	rddreg [dreg:$0x2];
	[bflag:$0x3] =	sbarrier.arrive $0xFFFF;
	s2 =	simm.s32 @!p0 $0x1C02  }
0x10b: {  	[timem:s3], [sflag:s2] =	dma.local @!p0 [hbm:s0], s1  }
0x10c: {  	s0 =	simm.s32 @!p0 $0x2  }
0x10d: {  	_ =	swait.ge @!p0 [sflag:s0], s1  }
0x10e: {  	s1 =	ssub.s32 @!p0 $0x0, s1;
	[sflag:s0] =	ssyncset.done @!p0 $0x0  }
0x10f: {  	[sflag:s0] =	ssyncadd.s32 @!p0 s1  }
0x110: {  	[bflag:$0x3] =	sbarrier.arrive $0xFFFF  }
0x111: {  	_ =	shalt  }

// kernel: kernel.13.cloned.1.call-start
scs
__scs_entry_jumppad:
0x0: {  	(pc) =	sbr.rel $0x88, $3  }
0x1: {  	(tag) =	ssettag $0x0;
	lr =	simm.s32 $0x1  }
0x2: {  	[smem:$0x3F8A] =	sst lr;
	_ =	strace $0xD0000000  }
0x3: {  	_ = 	snop  }
0x4: {  	_ = 	snop  }
0x5: {  	_ = 	snop  }
0x6: {  	_ = 	snop  }
0x7: {  	_ = 	snop  }
__scs_overlays_trampoline_lowered:
0x8: {  	[smem:$0x3F99] =	sst s0  }
0x9: {  	[smem:$0x3F9A] =	sst s1  }
0xa: {  	[smem:$0x3F9B] =	sst s2  }
0xb: {  	[smem:$0x3F9C] =	sst s3  }
0xc: {  	[smem:$0x3F9D] =	sst s4  }
0xd: {  	[smem:$0x3F9E] =	sst s5  }
0xe: {  	[smem:$0x3F9F] =	sst s6  }
0xf: {  	[smem:$0x3FA0] =	sst s7  }
0x10: {  	[smem:$0x3FA1] =	sst s8  }
0x11: {  	[smem:$0x3FA2] =	sst s9;
	s0 =	simm.s32 @!p0 $0x0  }
0x12: {  	s1 =	sld [smem:$0x3F88];
	s0 =	simm.s32 @p0 $0x1  }
0x13: {  	[smem:$0x3FA3] =	sst s0;
	s0 =	simm.s32 @!p1 $0x0  }
0x14: {  	s2 =	sld [smem:$0x3F87];
	s0 =	simm.s32 @p1 $0x1  }
0x15: {  	[smem:$0x3FA4] =	sst s0;
	s0 =	simm.s32 @!p2 $0x0  }
0x16: {  	s3 =	sld [smem:$0x3FDB];
	s0 =	simm.s32 @p2 $0x1  }
0x17: {  	s4 =	simm.s32 $0x1BF5;
	[smem:$0x3FA6] =	sst s0  }
0x18: {  	s0 =	sld [smem:$0x3F89];
	_ =	swait.ge [sflag:s4], $0x0  }
0x19: {  	s7 =	sld [smem:$0x3F8A]  }
0x1a: {  	s8 =	sadd.s32 $0xFFFFE003, lr  }
0x1b: {  	s9 =	sadd.s32 $0xFFFFFEF7, lr;
	s5 =	simm.s32 $0xFFFFFFFF;
	p2 =	slt.u32 s8, $0xFFFFF086  }
0x1c: {  	p1 =	slt.u32 s9, $0xF7A;
	s5 =	simm.s32 @!p2 $0x0  }
0x1d: {  	s5 =	simm.s32 @p1 $0x1;
	p0 =	seq.s32 s7, s2  }
0x1e: {  	s7 =	smul.u32 @!p0 $0xF7A, s2;
	p2 =	seq.s32 @!p0 s5, $0x0  }
0x1f: {  	s9 =	smul.u32 $0xF7A, s1;
	s8 =	simm.s32 @!p0 $0x1BF5;
	p2 =	por !p2, p0  }
0x20: {  	[sflag:s8] =	ssyncset.s32 @!p0 $0xFFFFF086;
	s6 =	sadd.s32 @!p0 s3, s7;
	s7 =	simm.s32 @!p0 $0x108  }
0x21: {  	s3 =	sadd.s32 s3, s9;
	s6 =	sadd.s32 @!p0 $0x88, s6;
	s7 =	simm.s32 @p2 $0x1082  }
0x22: {  	[simem:s7], [sflag:s8] =	dma.local @!p0 [hbm:s6], $0xF7A  }
0x23: {  	s9 =	sor.u32 $0xD0000000, s2;
	s6 =	simm.s32 $0x108;
	_ =	swait.ge @!p0 [sflag:s8], $0x0  }
0x24: {  	s3 =	sadd.s32 $0x88, s3;
	s6 =	simm.s32 @!p1 $0x1082;
	[sflag:s4] =	ssyncset.s32 $0xFFFFF086  }
0x25: {  	[simem:s6], [sflag:s4] =	dma.local [hbm:s3], $0xF7A  }
0x26: {  	[smem:$0x3F8A] =	sst s1;
	(tag) =	ssettag s2;
	_ =	strace s9  }
0x27: {  	s1 =	sld [smem:$0x3F9A]  }
0x28: {  	s2 =	sld [smem:$0x3F9B]  }
0x29: {  	s4 =	sld [smem:$0x3F9D]  }
0x2a: {  	p0 =	seq.s32 s5, $0x0;
	s5 =	sld [smem:$0x3F9E]  }
0x2b: {  	s6 =	sld [smem:$0x3F9F]  }
0x2c: {  	s7 =	sld [smem:$0x3FA0]  }
0x2d: {  	s3 =	simm.s32 $0x108;
	s8 =	sld [smem:$0x3FA1]  }
0x2e: {  	s3 =	simm.s32 @!p0 $0x1082;
	s9 =	sld [smem:$0x3FA2]  }
0x2f: {  	lr =	sadd.s32 s0, s3;
	s0 =	sld [smem:$0x3F99]  }
0x30: {  	s3 =	sld [smem:$0x3F9C]  }
0x31: {  	[smem:$0x3FA5] =	sst s10  }
0x32: {  	s10 =	sld [smem:$0x3FA3];
	_ =	sdelay $0x3  }
0x33: {  	p0 =	seq.s32 s10, $0x1;
	s10 =	sld [smem:$0x3FA5];
	_ =	sdelay $0x3  }
0x34: {  	[smem:$0x3FA5] =	sst s10  }
0x35: {  	s10 =	sld [smem:$0x3FA4];
	_ =	sdelay $0x3  }
0x36: {  	p1 =	seq.s32 s10, $0x1;
	s10 =	sld [smem:$0x3FA5];
	_ =	sdelay $0x3  }
0x37: {  	[smem:$0x3FA5] =	sst s10  }
0x38: {  	s10 =	sld [smem:$0x3FA6]  }
0x39: {  	_ = 	snop;
	(pc) =	sbr.ind lr, $3  }
0x3a: {  	_ = 	snop  }
0x3b: {  	_ = 	snop  }
0x3c: {  	p2 =	seq.s32 s10, $0x1;
	s10 =	sld [smem:$0x3FA5]  }
0x3d: {  	_ =	shalt  }
0x3e: {  	_ =	shalt  }
0x3f: {  	_ =	shalt  }
0x40: {  	_ =	shalt  }
0x41: {  	_ =	shalt  }
0x42: {  	_ =	shalt  }
0x43: {  	_ =	shalt  }
0x44: {  	_ =	shalt  }
0x45: {  	_ =	shalt  }
0x46: {  	_ =	shalt  }
0x47: {  	_ =	shalt  }
0x48: {  	_ =	shalt  }
0x49: {  	_ =	shalt  }
0x4a: {  	_ =	shalt  }
0x4b: {  	_ =	shalt  }
0x4c: {  	_ =	shalt  }
0x4d: {  	_ =	shalt  }
0x4e: {  	_ =	shalt  }
0x4f: {  	_ =	shalt  }
0x50: {  	_ =	shalt  }
0x51: {  	_ =	shalt  }
0x52: {  	_ =	shalt  }
0x53: {  	_ =	shalt  }
0x54: {  	_ =	shalt  }
0x55: {  	_ =	shalt  }
0x56: {  	_ =	shalt  }
0x57: {  	_ =	shalt  }
0x58: {  	_ =	shalt  }
0x59: {  	_ =	shalt  }
0x5a: {  	_ =	shalt  }
0x5b: {  	_ =	shalt  }
0x5c: {  	_ =	shalt  }
0x5d: {  	_ =	shalt  }
0x5e: {  	_ =	shalt  }
0x5f: {  	_ =	shalt  }
0x60: {  	_ =	shalt  }
0x61: {  	_ =	shalt  }
0x62: {  	_ =	shalt  }
0x63: {  	_ =	shalt  }
0x64: {  	_ =	shalt  }
0x65: {  	_ =	shalt  }
0x66: {  	_ =	shalt  }
0x67: {  	_ =	shalt  }
0x68: {  	_ =	shalt  }
0x69: {  	_ =	shalt  }
0x6a: {  	_ =	shalt  }
0x6b: {  	_ =	shalt  }
0x6c: {  	_ =	shalt  }
0x6d: {  	_ =	shalt  }
0x6e: {  	_ =	shalt  }
0x6f: {  	_ =	shalt  }
0x70: {  	_ =	shalt  }
0x71: {  	_ =	shalt  }
0x72: {  	_ =	shalt  }
0x73: {  	_ =	shalt  }
0x74: {  	_ =	shalt  }
0x75: {  	_ =	shalt  }
0x76: {  	_ =	shalt  }
0x77: {  	_ =	shalt  }
0x78: {  	_ =	shalt  }
0x79: {  	_ =	shalt  }
0x7a: {  	_ =	shalt  }
0x7b: {  	_ =	shalt  }
0x7c: {  	_ =	shalt  }
0x7d: {  	_ =	shalt  }
0x7e: {  	_ =	shalt  }
0x7f: {  	_ =	shalt  }
0x80: {  	_ =	shalt  }
0x81: {  	_ =	shalt  }
0x82: {  	_ =	shalt  }
0x83: {  	_ =	shalt  }
0x84: {  	_ =	shalt  }
0x85: {  	_ =	shalt  }
0x86: {  	_ =	shalt  }
0x87: {  	_ =	shalt  }
.Lfunc_end0:
.L_simem_size_0:
called_computation.1_lowered:
.L_overlay_start_0:
0x88: {  	s2 =	sld [smem:$0x3FD9]  }
0x89: {  	s3 =	sld [smem:$0x3FFE];
	_ =	sdelay $0x1  }
0x8a: {  	s1 =	srdreg.scid  }
0x8b: {  	s0 =	sand.u32 $0x1, s1  }
0x8c: {  	s17 =	sshll.u32 s0, $0xA;
	s2 =	sadd.s32 s3, s2  }
0x8d: {  	s2 =	sadd.s32 s2, s17  }
0x8e: {  	[smem:$0x3FB1] =	sst s2  }
0x8f: {  	_ = 	snop  }
0x90: {  	s2 =	sld [smem:$0x3FD0];
	(tm) =	ssettm $0x1  }
0x91: {  	s18 =	sld [smem:$0x3FFB];
	_ =	sdelay $0x3  }
0x92: {  	_ =	strace s18  }
0x93: {  	s3 =	sld [smem:$0x3FFC];
	_ =	sdelay $0x3  }
0x94: {  	_ =	strace s3  }
0x95: {  	s3 =	sld [smem:$0x3FFD];
	_ =	sdelay $0x3  }
0x96: {  	_ =	strace s3  }
0x97: {  	_ =	strace $0x8FFFFFFF  }
0x98: {  	s19 =	sld [smem:$0x3FDB];
	_ =	sdelay $0x1  }
0x99: {  	s4 =	simm.s32 $_scs_section_size  }
0x9a: {  	s5 =	simm.s32 $_size__tile_overlayer_lowered;
	s6 =	simm.s32 $_tile_overlayer_lowered  }
0x9b: {  	s22 =	simm.s32 $0x1BFF;
	s21 =	sshll.u32 s6, $0x1;
	s3 =	sadd.s32 s4, s19  }
0x9c: {  	s7 =	simm.s32 $0x0;
	s20 =	sshll.u32 s5, $0x1;
	s5 =	sadd.s32 s21, s3  }
0x9d: {  	[timem:s7], [sflag:s22] =	dma.local [hbm:s5], s20  }
0x9e: {  	_ =	swait.ge [sflag:s22], s20  }
0x9f: {  	s4 =	ssub.s32 $0x0, s20;
	[sflag:s22] =	ssyncset.done $0x0  }
0xa0: {  	[sflag:s22] =	ssyncadd.s32 s4;
	_ =	sdelay $0x1  }
0xa1: {  	s23 =	simm.s32 $0x1B8B  }
0xa2: {  	_ =	swait.ge [sflag:s23], $0x1  }
0xa3: {  	[sflag:s23] =	ssyncset.done $0x0  }
0xa4: {  	s25 =	simm.s32 $0x1B8E;
	s24 =	sld [smem:$0x3FFE];
	[sflag:s23] =	ssyncadd.s32 $0xFFFFFFFF  }
0xa5: {  	s26 =	simm.s32 $execute0_lowered;
	[smem:$0x3FD2] =	sst s25  }
0xa6: {  	s5 =	sshll.u32 s26, $0x1;
	_ =	strace $0x80000049;
	[dreg:$0x1] =	wrdreg $0xFFFFFFFF  }
0xa7: {  	s28 =	simm.s32 $_size_execute0_lowered;
	s3 =	sadd.s32 s3, s5;
	[dreg:$0x0] =	wrdreg $0x0  }
0xa8: {  	s5 =	sshll.u32 s28, $0x1;
	[dreg:$0x2] =	wrdreg s3  }
0xa9: {  	[dreg:$0x3] =	wrdreg s5  }
0xaa: {  	[dreg:$0x4] =	wrdreg $0xC0  }
0xab: {  	_ =	task [dreg:s7], $0x5FFFF  }
0xac: {  	[dreg:$0x1] =	wrdreg $0xFFFFFFFF  }
0xad: {  	[dreg:$0x0] =	wrdreg $0x60  }
0xae: {  	[dreg:$0x2] =	wrdreg s24  }
0xaf: {  	[dreg:$0x3] =	wrdreg s2  }
0xb0: {  	[dreg:$0x4] =	wrdreg $0xB6800  }
0xb1: {  	[dreg:$0x5] =	wrdreg $0x156800  }
0xb2: {  	[dreg:$0x6] =	wrdreg $0x9  }
0xb3: {  	_ =	task.clear_ibuf [dreg:s7], $0x7FFFF;
	_ =	strace $0x90000049  }
0xb4: {  	s29 =	simm.s32 $0x9;
	_ =	strace $0x8000004B  }
0xb5: {  	_ =	swait.ge [sflag:s29], $0x1  }
0xb6: {  	[sflag:s29] =	ssyncadd.s32 $0xFFFFFFFF  }
0xb7: {  	_ =	strace $0x9000004B  }
0xb8: {  	_ =	sfence  }
0xb9: {  	s30 =	sld [smem:$0x0];
	_ =	sdelay $0x2  }
0xba: {  	s31 =	sshll.u32 s1, $0xD;
	s1 =	sshrl.u32 s1, $0x2  }
0xbb: {  	s3 =	sand.u32 $0x4000, s31;
	s1 =	sadd.s32 s1, s30  }
0xbc: {  	s0 =	sor.u32 s3, s0;
	s1 =	sshll.u32 s1, $0x11  }
0xbd: {  	s0 =	sor.u32 s1, s0  }
0xbe: {  	s0 =	sadd.s32 $0x8F2B, s0  }
0xbf: {  	[sflag:s0] =	ssyncadd.remote.s32 $0x1  }
0xc0: {  	_ =	sfence.sel $0xFFFF  }
0xc1: {  	[dreg:$0x0] =	wrdreg $0xFFFFFFFF;
	(pc) =	sbr.abs _section_cstart, $3  }
0xc2: {  	[dreg:$0x1] =	wrdreg $0xFFFFFFFF  }
0xc3: {  	_ =	task.clear_ibuf [dreg:s7], $0x2FFFF;
	_ =	strace $0x9FFFFFFF  }
0xc4: {  	(tm) =	ssettm $0x7FFFFFFF  }
0xc5: {  	_ =	shalt  }
tec
execute0_lowered:
.L_overlay_start_1:
0x0: {  	(tag) =	ssettag $0x1  }
0x1: {  	s0 =	rddreg [dreg:$0x0]  }
0x2: {  	s4 =	rddreg [dreg:$0x1]  }
0x3: {  	s1 =	rddreg [dreg:$0x2]  }
0x4: {  	s2 =	rddreg [dreg:$0x3];
	s3 =	simm.s32 $0x0  }
0x5: {  	s7 =	srdreg.scid;
	s20 =	stileid.u32;
	s17 =	simm.s32 $0x2  }
0x6: {  	s28 =	simm.s32 $0x8200;
	s29 =	simm.s32 $0x8C00;
	s30 =	simm.s32 $0x80  }
0x7: {  	s31 =	simm.s32 $0x9680;
	[smem:$0x7FF] =	sst s3;
	s5 =	sadd.s32 $0xFC00, s0  }
0x8: {  	s6 =	sadd.s32 $0x5C00, s0;
	s8 =	sand.u32 $0x1, s7;
	s9 =	smul.u32 $0x14000, s20  }
0x9: {  	s7 =	sadd.s32 $0x3DE00, s0;
	s12 =	smul.u32 $0xA000, s20;
	s11 =	sadd.s32 $0x19C00, s0  }
0xa: {  	s19 =	sadd.s32 $0x1A200, s0;
	s22 =	sadd.s32 $0x24800, s0;
	s15 =	smul.u32 $0x500, s20  }
0xb: {  	s26 =	sshll.u32 s20, $0x6;
	_ =	strace $0x8000004A;
	[dreg:$0x5] =	wrdreg s11  }
0xc: {  	s10 =	sshll.u32 s8, $0x6;
	s18 =	smul.u32 $0xA0000, s8;
	[dreg:$0x6] =	wrdreg s19  }
0xd: {  	[dreg:$0x7] =	wrdreg s22;
	s14 =	ssub.s32 $0x2, s8;
	s11 =	smul.u32 $0x5000, s20  }
0xe: {  	s20 =	sor.u32 $0x1C02, s26;
	s22 =	simm.s32 $0x1;
	p0 =	sne.s32 s8, $0x0  }
0xf: {  	s26 =	simm.s32 $0x7800;
	s9 =	sor.u32 s10, s9;
	s21 =	sshrl.u32 s12, $0x3  }
0x10: {  	s23 =	sshrl.u32 s14, $0x1;
	s19 =	sadd.s32 s12, s1;
	s24 =	sadd.s32 s12, s2  }
0x11: {  	s15 =	sadd.s32 s4, s15;
	s4 =	simm.s32 $0x0;
	s9 =	sshrl.u32 s9, $0x3  }
0x12: {  	s13 =	sadd.s32 s21, s0;
	s10 =	sadd.s32 s12, s18;
	s18 =	simm.s32 $0x2800  }
0x13: {  	s21 =	sshrl.u32 s19, $0x3;
	s9 =	sadd.s32 s9, s0;
	s10 =	sshrl.u32 s10, $0x3  }
0x14: {  	s25 =	sadd.s32 $0x29E00, s13;
	s0 =	sadd.s32 s10, s0;
	s10 =	ssub.s32 s14, s23  }
0x15: {  	s9 =	sadd.s32 $0x47E00, s9;
	[dreg:$0x9] =	wrdreg s25;
	s25 =	sshrl.u32 s24, $0x3  }
0x16: {  	s23 =	simm.s32 $0x0;
	[dreg:$0x8] =	wrdreg s9;
	s0 =	sadd.s32 $0x6FE00, s0  }
0x17: {  	s16 =	smax.u32 s10, $0x1;
	[dreg:$0xa] =	wrdreg s0;
	s0 =	simm.s32 $0x9600  }
.LBB2_1:
0x18: {  	s8 =	rddreg [dreg:$0x5]  }
0x19: {  	[tilespmem:s3], [sflag:$0x2] =	stream.linear.gather [hbm4b:s8+s3], $0x2800, $0x38;
	[tilespmem:$0x1F680] =	vst v63  }
0x1a: {  	_ =	swait.ge [sflag:s17], $0x2800  }
0x1b: {  	[sflag:s17] =	ssyncset.done $0x0  }
0x1c: {  	s12 =	rddreg [dreg:$0x6];
	[sflag:s17] =	ssyncadd.s32 $0xFFFFD800  }
0x1d: {  	[tilespmem:s18], [sflag:$0x2] =	stream.linear.gather [hbm4b:s12+s3], $0x2800, $0x38;
	[tilespmem:$0x1F680] =	vst v63  }
0x1e: {  	_ =	swait.ge [sflag:s17], $0x2800  }
0x1f: {  	[sflag:s17] =	ssyncset.done $0x0  }
0x20: {  	s9 =	simm.s32 $0x5000;
	s13 =	rddreg [dreg:$0x7];
	[sflag:s17] =	ssyncadd.s32 $0xFFFFD800  }
0x21: {  	[tilespmem:s9], [sflag:$0x2] =	stream.linear.gather [hbm4b:s13+s3], $0x2800, $0x38;
	[tilespmem:$0x1F680] =	vst v63  }
0x22: {  	_ =	swait.ge [sflag:s17], $0x2800  }
0x23: {  	s19 =	simm.s32 $0x8;
	[sflag:s17] =	ssyncset.done $0x0  }
0x24: {  	s10 =	simm.s32 $0x10;
	s14 =	rddreg [dreg:$0x8];
	[sflag:s17] =	ssyncadd.s32 $0xFFFFD800  }
0x25: {  	[spmem:s21@s19], [sflag:s20] =	dma.strided [hbm:s14@s10], $0x1400, s22, $0x8   }
0x26: {  	_ =	swait.ge [sflag:s17], $0x1400  }
0x27: {  	[sflag:s17] =	ssyncset.done $0x0  }
0x28: {  	s24 =	rddreg [dreg:$0x9];
	[sflag:s17] =	ssyncadd.s32 $0xFFFFEC00  }
0x29: {  	[spmem:s25], [sflag:s20] =	dma.local [hbm:s24], $0x1400  }
0x2a: {  	_ =	swait.ge [sflag:s17], $0x1400  }
0x2b: {  	[sflag:s17] =	ssyncset.done $0x0  }
0x2c: {  	[sflag:s17] =	ssyncadd.s32 $0xFFFFEC00  }
0x2d: {  	s19 =	simm.s32 $0x0;
	[bflag:$0x0] =	sbarrier.arrive $0xFFFF  }
.LBB2_2:
0x2e: {  	s8 =	smul.u32 $0xA00, s19;
	_ =	sdelay $0x1  }
0x2f: {  	s8 =	sadd.s32 s11, s8  }
0x30: {  	s8 =	sshrl.u32 s8, $0x3  }
0x31: {  	s9 =	sadd.s32 s5, s8  }
0x32: {  	[tilespmem:s26], [sflag:$0x2] =	stream.linear.gather [hbm4b:s9+s23], $0xA00, $0x38;
	[tilespmem:$0x1F680] =	vst v63  }
0x33: {  	_ =	swait.ge [sflag:s17], $0xA00  }
0x34: {  	[sflag:s17] =	ssyncset.done $0x0  }
0x35: {  	s24 =	sadd.s32 s6, s8;
	[sflag:s17] =	ssyncadd.s32 $0xFFFFF600  }
0x36: {  	[tilespmem:s28], [sflag:$0x2] =	stream.linear.gather [hbm4b:s24+s23], $0xA00, $0x38;
	[tilespmem:$0x1F680] =	vst v63  }
0x37: {  	_ =	swait.ge [sflag:s17], $0xA00  }
0x38: {  	[sflag:s17] =	ssyncset.done $0x0  }
0x39: {  	s8 =	sadd.s32 s7, s8;
	[sflag:s17] =	ssyncadd.s32 $0xFFFFF600  }
0x3a: {  	[tilespmem:s29], [sflag:$0x2] =	stream.linear.gather [hbm4b:s8+s23], $0xA00, $0x38;
	[tilespmem:$0x1F680] =	vst v63  }
0x3b: {  	_ =	swait.ge [sflag:s17], $0xA00  }
0x3c: {  	[sflag:s17] =	ssyncset.done $0x0  }
0x3d: {  	s24 =	simm.s32 $0x0;
	[sflag:s17] =	ssyncadd.s32 $0xFFFFF600  }
.LBB2_3:
0x3e: {  	s8 =	sshll.u32 s24, $0x7  }
0x3f: {  	s9 =	sadd.s32 $0x7800, s8  }
0x40: {  	[tilespmem:s31], [sflag:$0x1] =	stream.indirect.gather [spmem:s1], $0x40, s9, s30, $0xb8;
	[tilespmem:$0x1F680] =	vst v63  }
0x41: {  	v0 =	vld [tilespmem:s8+$0x7800]  }
0x42: {  	v1 =	vld [tilespmem:s8+$0x8200];
	_ =	sdelay $0x6  }
0x43: {  	v0 =	vld.idx.msk [tilespmem:v0+s3+$0x0], $0xffff  }
0x44: {  	v2 =	vld.idx.msk [tilespmem:v1+s18+$0x0], $0xffff;
	_ =	sdelay $0x1  }
0x45: {  	v3 =	vld [tilespmem:s8+$0x8C00];
	_ =	sdelay $0x2  }
0x46: {  	v0 =	vadd.f32 v2, v0;
	_ =	sdelay $0x1  }
0x47: {  	v0 =	vadd.f32 v3, v0;
	_ =	sdelay $0x1  }
0x48: {  	v2 =	vmul.f32 $2.000000030e-01, v0  }
0x49: {  	vm0 =	vge.f32 v0, $0.0e+00  }
0x4a: {  	v0 =	vsel vm0, v0, v2  }
0x4b: {  	v0 =	vmul.f32 $1.442695020e+00, v0;
	_ =	sdelay $0x1  }
0x4c: {  	(erf) = vpow2.f32 v0;
	_ =	sdelay $0x8  }
0x4d: {  	v0 =	vpop (erf)  }
0x4e: {  	s9 =	simm.s32 @!p0 $0x5000;
	[tilespmem:$0x9600] =	vst v0  }
0x4f: {  	[tilespmem:v1+s9+$0x0] =	vst.idx.add.f32.msk @!p0 $0xffff, v0  }
0x50: {  	v0 =	vld [tilespmem:s8+$0x7810]  }
0x51: {  	v1 =	vld [tilespmem:s8+$0x8210];
	_ =	sdelay $0x6  }
0x52: {  	v0 =	vld.idx.msk [tilespmem:v0+s3+$0x0], $0xffff  }
0x53: {  	v2 =	vld.idx.msk [tilespmem:v1+s18+$0x0], $0xffff;
	_ =	sdelay $0x1  }
0x54: {  	v3 =	vld [tilespmem:s8+$0x8C10];
	_ =	sdelay $0x2  }
0x55: {  	v0 =	vadd.f32 v2, v0;
	_ =	sdelay $0x1  }
0x56: {  	v0 =	vadd.f32 v3, v0;
	_ =	sdelay $0x1  }
0x57: {  	v2 =	vmul.f32 $2.000000030e-01, v0  }
0x58: {  	vm9 =	vge.f32 v0, $0.0e+00  }
0x59: {  	v0 =	vsel vm9, v0, v2  }
0x5a: {  	v0 =	vmul.f32 $1.442695020e+00, v0;
	_ =	sdelay $0x1  }
0x5b: {  	(erf) = vpow2.f32 v0;
	_ =	sdelay $0x8  }
0x5c: {  	v0 =	vpop (erf)  }
0x5d: {  	[tilespmem:$0x9610] =	vst v0  }
0x5e: {  	[tilespmem:v1+s9+$0x0] =	vst.idx.add.f32.msk @!p0 $0xffff, v0  }
0x5f: {  	v0 =	vld [tilespmem:s8+$0x7820]  }
0x60: {  	v1 =	vld [tilespmem:s8+$0x8220];
	_ =	sdelay $0x6  }
0x61: {  	v0 =	vld.idx.msk [tilespmem:v0+s3+$0x0], $0xffff  }
0x62: {  	v2 =	vld.idx.msk [tilespmem:v1+s18+$0x0], $0xffff;
	_ =	sdelay $0x1  }
0x63: {  	v3 =	vld [tilespmem:s8+$0x8C20];
	_ =	sdelay $0x2  }
0x64: {  	v0 =	vadd.f32 v2, v0;
	_ =	sdelay $0x1  }
0x65: {  	v0 =	vadd.f32 v3, v0;
	_ =	sdelay $0x1  }
0x66: {  	v2 =	vmul.f32 $2.000000030e-01, v0  }
0x67: {  	vm10 =	vge.f32 v0, $0.0e+00  }
0x68: {  	v0 =	vsel vm10, v0, v2  }
0x69: {  	v0 =	vmul.f32 $1.442695020e+00, v0;
	_ =	sdelay $0x1  }
0x6a: {  	(erf) = vpow2.f32 v0;
	_ =	sdelay $0x8  }
0x6b: {  	v0 =	vpop (erf)  }
0x6c: {  	[tilespmem:$0x9620] =	vst v0  }
0x6d: {  	[tilespmem:v1+s9+$0x0] =	vst.idx.add.f32.msk @!p0 $0xffff, v0  }
0x6e: {  	v0 =	vld [tilespmem:s8+$0x7830]  }
0x6f: {  	v1 =	vld [tilespmem:s8+$0x8230];
	_ =	sdelay $0x6  }
0x70: {  	v0 =	vld.idx.msk [tilespmem:v0+s3+$0x0], $0xffff  }
0x71: {  	v2 =	vld.idx.msk [tilespmem:v1+s18+$0x0], $0xffff;
	_ =	sdelay $0x1  }
0x72: {  	v3 =	vld [tilespmem:s8+$0x8C30];
	_ =	sdelay $0x2  }
0x73: {  	v0 =	vadd.f32 v2, v0;
	_ =	sdelay $0x1  }
0x74: {  	v0 =	vadd.f32 v3, v0;
	_ =	sdelay $0x1  }
0x75: {  	v2 =	vmul.f32 $2.000000030e-01, v0  }
0x76: {  	vm11 =	vge.f32 v0, $0.0e+00  }
0x77: {  	v0 =	vsel vm11, v0, v2  }
0x78: {  	v0 =	vmul.f32 $1.442695020e+00, v0;
	_ =	sdelay $0x1  }
0x79: {  	(erf) = vpow2.f32 v0;
	_ =	sdelay $0x8  }
0x7a: {  	v0 =	vpop (erf)  }
0x7b: {  	[tilespmem:$0x9630] =	vst v0  }
0x7c: {  	[tilespmem:v1+s9+$0x0] =	vst.idx.add.f32.msk @!p0 $0xffff, v0  }
0x7d: {  	v0 =	vld [tilespmem:s8+$0x7840]  }
0x7e: {  	v1 =	vld [tilespmem:s8+$0x8240];
	_ =	sdelay $0x6  }
0x7f: {  	v0 =	vld.idx.msk [tilespmem:v0+s3+$0x0], $0xffff  }
0x80: {  	v2 =	vld.idx.msk [tilespmem:v1+s18+$0x0], $0xffff;
	_ =	sdelay $0x1  }
0x81: {  	v3 =	vld [tilespmem:s8+$0x8C40];
	_ =	sdelay $0x2  }
0x82: {  	v0 =	vadd.f32 v2, v0;
	_ =	sdelay $0x1  }
0x83: {  	v0 =	vadd.f32 v3, v0;
	_ =	sdelay $0x1  }
0x84: {  	v2 =	vmul.f32 $2.000000030e-01, v0  }
0x85: {  	vm12 =	vge.f32 v0, $0.0e+00  }
0x86: {  	v0 =	vsel vm12, v0, v2  }
0x87: {  	v0 =	vmul.f32 $1.442695020e+00, v0;
	_ =	sdelay $0x1  }
0x88: {  	(erf) = vpow2.f32 v0;
	_ =	sdelay $0x8  }
0x89: {  	v0 =	vpop (erf)  }
0x8a: {  	[tilespmem:$0x9640] =	vst v0  }
0x8b: {  	[tilespmem:v1+s9+$0x0] =	vst.idx.add.f32.msk @!p0 $0xffff, v0  }
0x8c: {  	v0 =	vld [tilespmem:s8+$0x7850]  }
0x8d: {  	v1 =	vld [tilespmem:s8+$0x8250];
	_ =	sdelay $0x6  }
0x8e: {  	v0 =	vld.idx.msk [tilespmem:v0+s3+$0x0], $0xffff  }
0x8f: {  	v2 =	vld.idx.msk [tilespmem:v1+s18+$0x0], $0xffff;
	_ =	sdelay $0x1  }
0x90: {  	v3 =	vld [tilespmem:s8+$0x8C50];
	_ =	sdelay $0x2  }
0x91: {  	v0 =	vadd.f32 v2, v0;
	_ =	sdelay $0x1  }
0x92: {  	v0 =	vadd.f32 v3, v0;
	_ =	sdelay $0x1  }
0x93: {  	v2 =	vmul.f32 $2.000000030e-01, v0  }
0x94: {  	vm13 =	vge.f32 v0, $0.0e+00  }
0x95: {  	v0 =	vsel vm13, v0, v2  }
0x96: {  	v0 =	vmul.f32 $1.442695020e+00, v0;
	_ =	sdelay $0x1  }
0x97: {  	(erf) = vpow2.f32 v0;
	_ =	sdelay $0x8  }
0x98: {  	v0 =	vpop (erf)  }
0x99: {  	[tilespmem:$0x9650] =	vst v0  }
0x9a: {  	[tilespmem:v1+s9+$0x0] =	vst.idx.add.f32.msk @!p0 $0xffff, v0  }
0x9b: {  	v0 =	vld [tilespmem:s8+$0x7860]  }
0x9c: {  	v1 =	vld [tilespmem:s8+$0x8260];
	_ =	sdelay $0x6  }
0x9d: {  	v0 =	vld.idx.msk [tilespmem:v0+s3+$0x0], $0xffff  }
0x9e: {  	v2 =	vld.idx.msk [tilespmem:v1+s18+$0x0], $0xffff;
	_ =	sdelay $0x1  }
0x9f: {  	v3 =	vld [tilespmem:s8+$0x8C60];
	_ =	sdelay $0x2  }
0xa0: {  	v0 =	vadd.f32 v2, v0;
	_ =	sdelay $0x1  }
0xa1: {  	v0 =	vadd.f32 v3, v0;
	_ =	sdelay $0x1  }
0xa2: {  	v2 =	vmul.f32 $2.000000030e-01, v0  }
0xa3: {  	vm14 =	vge.f32 v0, $0.0e+00  }
0xa4: {  	v0 =	vsel vm14, v0, v2  }
0xa5: {  	v0 =	vmul.f32 $1.442695020e+00, v0;
	_ =	sdelay $0x1  }
0xa6: {  	(erf) = vpow2.f32 v0;
	_ =	sdelay $0x8  }
0xa7: {  	v0 =	vpop (erf)  }
0xa8: {  	[tilespmem:$0x9660] =	vst v0  }
0xa9: {  	[tilespmem:v1+s9+$0x0] =	vst.idx.add.f32.msk @!p0 $0xffff, v0  }
0xaa: {  	v0 =	vld [tilespmem:s8+$0x7870]  }
0xab: {  	v1 =	vld [tilespmem:s8+$0x8270];
	_ =	sdelay $0x6  }
0xac: {  	v0 =	vld.idx.msk [tilespmem:v0+s3+$0x0], $0xffff  }
0xad: {  	v2 =	vld.idx.msk [tilespmem:v1+s18+$0x0], $0xffff;
	_ =	sdelay $0x1  }
0xae: {  	v3 =	vld [tilespmem:s8+$0x8C70];
	_ =	sdelay $0x2  }
0xaf: {  	v0 =	vadd.f32 v2, v0;
	_ =	sdelay $0x1  }
0xb0: {  	v0 =	vadd.f32 v3, v0;
	_ =	sdelay $0x1  }
0xb1: {  	v2 =	vmul.f32 $2.000000030e-01, v0  }
0xb2: {  	vm15 =	vge.f32 v0, $0.0e+00  }
0xb3: {  	v0 =	vsel vm15, v0, v2  }
0xb4: {  	v0 =	vmul.f32 $1.442695020e+00, v0;
	_ =	sdelay $0x1  }
0xb5: {  	(erf) = vpow2.f32 v0;
	_ =	sdelay $0x7  }
0xb6: {  	v0 =	vmov s23  }
0xb7: {  	s10 =	simm.s32 $0x3;
	s12 =	simm.s32 $0x1;
	v0 =	vand.u32 $0xFFFFFFFC, v0;
	v2 =	vpop (erf)  }
0xb8: {  	s14 =	simm.s32 $0x2;
	v4 =	vmov s12;
	v3 =	vmov s10;
	v5 =	vbroadcast v0, $0x0;
	[tilespmem:$0x9670] =	vst v2  }
0xb9: {  	v0 =	vand.u32 $0xFFFFFFFD, v4;
	v4 =	vmov s14;
	[tilespmem:v1+s9+$0x0] =	vst.idx.add.f32.msk @!p0 $0xffff, v2  }
0xba: {  	v1 =	vbroadcast v0, $0x0;
	v0 =	vand.u32 $0xFFFFFFFE, v4;
	_ =	swait.ge [sflag:s22], $0x2000  }
0xbb: {  	v4 =	vbroadcast v0, $0x0;
	[sflag:s22] =	ssyncset.done $0x0  }
0xbc: {  	[sflag:s22] =	ssyncadd.s32 $0xFFFFE000  }
0xbd: {  	v0 =	vld.idx.msk [tilespmem:v3+s0+$0x0], $0xffff  }
0xbe: {  	s9 =	simm.s32 $0x9700;
	v7 =	vld.idx.msk [tilespmem:v5+s0+$0x0], $0xffff  }
0xbf: {  	v5 =	vld [tilespmem:s9+$0xFFFFFF90]  }
0xc0: {  	v2 =	vld.idx.msk [tilespmem:v1+s0+$0x0], $0xffff  }
0xc1: {  	v1 =	vld.idx.msk [tilespmem:v4+s0+$0x0], $0xffff  }
0xc2: {  	v4 =	vld [tilespmem:s9+$0xFFFFFF80]  }
0xc3: {  	v3 =	vld [tilespmem:s9+$0x30]  }
0xc4: {  	v6 =	vld [tilespmem:s9+$0xFFFFFFA0]  }
0xc5: {  	v8 =	vld [tilespmem:s9+$0xFFFFFFB0]  }
0xc6: {  	v9 =	vld [tilespmem:s9+$0xFFFFFFC0];
	v12 =	vmul.f32 v5, v7  }
0xc7: {  	v11 =	vmul.f32 v4, v7;
	v4 =	vld [tilespmem:s9+$0xFFFFFFD0]  }
0xc8: {  	s12 =	simm.s32 $0x4;
	[tilespmem:s9+$0xFFFFFF90] =	vst v12;
	v10 =	vmul.f32 v3, v1;
	v3 =	vld [tilespmem:s9+$0xFFFFFFE0]  }
0xc9: {  	s13 =	simm.s32 $0x7;
	v5 =	vmov s12;
	[tilespmem:s9+$0xFFFFFF80] =	vst v11;
	v11 =	vmul.f32 v6, v7;
	v6 =	vld [tilespmem:s9+$0xFFFFFFF0]  }
0xca: {  	s8 =	sadd.s32 $0x8200, s8;
	s14 =	simm.s32 $0x5;
	v13 =	vand.u32 $0xFFFFFFFC, v5;
	v5 =	vmov s13;
	[tilespmem:s9+$0x30] =	vst v10;
	v10 =	vmul.f32 v8, v7;
	v8 =	vld [tilespmem:s9+$0x0]  }
0xcb: {  	s10 =	simm.s32 $0x9700;
	s12 =	simm.s32 $0x8;
	s13 =	simm.s32 $0x6;
	v12 =	vmov s14;
	v7 =	vbroadcast v13, $0x0;
	[tilespmem:s9+$0xFFFFFFA0] =	vst v11;
	v11 =	vmul.f32 v9, v2;
	v9 =	vld [tilespmem:s9+$0x10]  }
.LBB2_4:
0xcc: {  	p1 =	slt.u32 s12, $0x7C;
	v12 =	vand.u32 $0xFFFFFFFD, v12;
	v13 =	vmov s13;
	[tilespmem:s9+$0xFFFFFFB0] =	vst v10;
	v4 =	vmul.f32 v4, v2;
	v10 =	vld [tilespmem:s9+$0x20]  }
0xcd: {  	v12 =	vbroadcast v12, $0x0;
	v13 =	vand.u32 $0xFFFFFFFE, v13;
	[tilespmem:s9+$0xFFFFFFC0] =	vst v11;
	v3 =	vmul.f32 v3, v2;
	v11 =	vld [tilespmem:s9+$0x40]  }
0xce: {  	v13 =	vbroadcast v13, $0x0;
	[tilespmem:s9+$0xFFFFFFD0] =	vst v4;
	v2 =	vmul.f32 v6, v2;
	v4 =	vld [tilespmem:s9+$0x50]  }
0xcf: {  	[tilespmem:s9+$0xFFFFFFE0] =	vst v3;
	v3 =	vmul.f32 v8, v1;
	v6 =	vld [tilespmem:s9+$0x60]  }
0xd0: {  	[tilespmem:s9+$0xFFFFFFF0] =	vst v2;
	v2 =	vmul.f32 v9, v1;
	v8 =	vld [tilespmem:s9+$0x70]  }
0xd1: {  	v5 =	vld.idx.msk [tilespmem:v5+s0+$0x0], $0xffff;
	[tilespmem:s9+$0x0] =	vst v3;
	v1 =	vmul.f32 v10, v1  }
0xd2: {  	v7 =	vld.idx.msk [tilespmem:v7+s0+$0x0], $0xffff;
	[tilespmem:s9+$0x10] =	vst v2;
	v3 =	vmul.f32 v11, v0  }
0xd3: {  	v2 =	vld.idx.msk [tilespmem:v12+s0+$0x0], $0xffff;
	[tilespmem:s9+$0x20] =	vst v1;
	v4 =	vmul.f32 v4, v0  }
0xd4: {  	s9 =	sadd.s32 $0x100, s9;
	v1 =	vld.idx.msk [tilespmem:v13+s0+$0x0], $0xffff;
	[tilespmem:s10+$0x40] =	vst v3;
	v3 =	vmul.f32 v6, v0  }
0xd5: {  	v6 =	vld [tilespmem:s9+$0x30];
	[tilespmem:s10+$0x50] =	vst v4;
	v8 =	vmul.f32 v8, v0  }
0xd6: {  	v4 =	vld [tilespmem:s9+$0xFFFFFF80];
	[tilespmem:s10+$0x60] =	vst v3  }
0xd7: {  	v0 =	vmov v5;
	v3 =	vld [tilespmem:s9+$0xFFFFFF90];
	[tilespmem:s10+$0x70] =	vst v8;
	s10 =	smov.u32 s9  }
0xd8: {  	v5 =	vld [tilespmem:s9+$0xFFFFFFA0]  }
0xd9: {  	v8 =	vld [tilespmem:s9+$0xFFFFFFB0]  }
0xda: {  	v9 =	vld [tilespmem:s9+$0xFFFFFFC0];
	v6 =	vmul.f32 v6, v1  }
.Ltmp0:
0xdb: {  	v10 =	vmul.f32 v4, v7;
	v4 =	vld [tilespmem:s9+$0xFFFFFFD0];
	(pc) =	sbr.rel @p1 .LBB2_4-.Ltmp0, $4  }
0xdc: {  	v11 =	vmul.f32 v3, v7;
	v3 =	vld [tilespmem:s9+$0xFFFFFFE0];
	[tilespmem:s9+$0x30] =	vst v6  }
0xdd: {  	s13 =	sadd.s32 $0x3, s12;
	v12 =	vmov s12;
	[tilespmem:s9+$0xFFFFFF80] =	vst v10;
	v13 =	vmul.f32 v5, v7;
	v6 =	vld [tilespmem:s9+$0xFFFFFFF0]  }
0xde: {  	s14 =	sadd.s32 $0x1, s12;
	v12 =	vand.u32 $0xFFFFFFFC, v12;
	v5 =	vmov s13;
	[tilespmem:s9+$0xFFFFFF90] =	vst v11;
	v10 =	vmul.f32 v8, v7;
	v8 =	vld [tilespmem:s9+$0x0]  }
0xdf: {  	s13 =	sadd.s32 $0x2, s12;
	s12 =	sadd.s32 $0x4, s12;
	v7 =	vbroadcast v12, $0x0;
	v12 =	vmov s14;
	[tilespmem:s9+$0xFFFFFFA0] =	vst v13;
	v11 =	vmul.f32 v9, v2;
	v9 =	vld [tilespmem:s9+$0x10]  }
0xe0: {  	v14 =	vld [tilespmem:s9+$0x20]  }
0xe1: {  	v15 =	vld [tilespmem:s9+$0x40]  }
0xe2: {  	v16 =	vld [tilespmem:s9+$0x50]  }
0xe3: {  	v17 =	vld [tilespmem:s9+$0x60]  }
0xe4: {  	[tilespmem:s9+$0xFFFFFFB0] =	vst v10;
	v4 =	vmul.f32 v4, v2;
	v23 =	vld [tilespmem:s9+$0x70]  }
0xe5: {  	v5 =	vld.idx.msk [tilespmem:v5+s0+$0x0], $0xffff;
	[tilespmem:s9+$0xFFFFFFC0] =	vst v11;
	v3 =	vmul.f32 v3, v2  }
0xe6: {  	s12 =	sadd.s32 $0x100, s9;
	v25 =	vld.idx.msk [tilespmem:v7+s0+$0x0], $0xffff;
	[tilespmem:s9+$0xFFFFFFD0] =	vst v4;
	v24 =	vmul.f32 v6, v2  }
0xe7: {  	v31 =	vld [tilespmem:s12+$0x30];
	[tilespmem:s9+$0xFFFFFFE0] =	vst v3;
	v26 =	vmul.f32 v8, v1  }
0xe8: {  	v33 =	vld [tilespmem:s12+$0xFFFFFF80];
	[tilespmem:s9+$0xFFFFFFF0] =	vst v24;
	v28 =	vmul.f32 v9, v1  }
0xe9: {  	v35 =	vld [tilespmem:s12+$0xFFFFFF90];
	[tilespmem:s9+$0x0] =	vst v26;
	v30 =	vmul.f32 v14, v1  }
0xea: {  	v12 =	vand.u32 $0xFFFFFFFD, v12;
	v37 =	vld [tilespmem:s12+$0xFFFFFFA0];
	v32 =	vmul.f32 v15, v0;
	[tilespmem:s9+$0x10] =	vst v28  }
0xeb: {  	v12 =	vbroadcast v12, $0x0;
	v39 =	vld [tilespmem:s12+$0xFFFFFFB0];
	v34 =	vmul.f32 v16, v0;
	[tilespmem:s9+$0x20] =	vst v30  }
0xec: {  	v40 =	vld [tilespmem:s12+$0xFFFFFFC0];
	v36 =	vmul.f32 v17, v0;
	[tilespmem:s10+$0x40] =	vst v32  }
0xed: {  	v13 =	vmov s13;
	v52 =	vld [tilespmem:s12+$0x40];
	v38 =	vmul.f32 v23, v0;
	[tilespmem:s10+$0x50] =	vst v34  }
0xee: {  	v13 =	vand.u32 $0xFFFFFFFE, v13;
	v54 =	vld [tilespmem:s12+$0x50];
	v41 =	vmul.f32 v33, v25;
	[tilespmem:s10+$0x60] =	vst v36  }
0xef: {  	v56 =	vld [tilespmem:s12+$0x60];
	v13 =	vbroadcast v13, $0x0;
	v9 =	vmul.f32 v35, v25;
	[tilespmem:s10+$0x70] =	vst v38  }
0xf0: {  	v58 =	vld [tilespmem:s12+$0x70];
	v44 =	vmul.f32 v37, v25;
	[tilespmem:s12+$0xFFFFFF80] =	vst v41  }
0xf1: {  	v1 =	vmul.f32 v39, v25;
	v27 =	vld.idx.msk [tilespmem:v12+s0+$0x0], $0xffff;
	[tilespmem:s12+$0xFFFFFF90] =	vst v9  }
0xf2: {  	v42 =	vld [tilespmem:s12+$0xFFFFFFD0];
	v60 =	vmul.f32 v52, v5;
	[tilespmem:s12+$0xFFFFFFA0] =	vst v44  }
0xf3: {  	v43 =	vld [tilespmem:s12+$0xFFFFFFE0];
	v61 =	vmul.f32 v54, v5;
	[tilespmem:s12+$0xFFFFFFB0] =	vst v1  }
0xf4: {  	v45 =	vld [tilespmem:s12+$0xFFFFFFF0];
	v62 =	vmul.f32 v56, v5;
	[tilespmem:s12+$0x40] =	vst v60  }
0xf5: {  	v63 =	vmul.f32 v58, v5;
	v29 =	vld.idx.msk [tilespmem:v13+s0+$0x0], $0xffff;
	[tilespmem:s12+$0x50] =	vst v61  }
0xf6: {  	v46 =	vld [tilespmem:s12+$0x0];
	[tilespmem:s12+$0x60] =	vst v62;
	v47 =	vmul.f32 v40, v27  }
0xf7: {  	v48 =	vld [tilespmem:s12+$0x10];
	[tilespmem:s12+$0x70] =	vst v63;
	v49 =	vmul.f32 v42, v27  }
0xf8: {  	v50 =	vld [tilespmem:s12+$0x20];
	v51 =	vmul.f32 v43, v27;
	[tilespmem:s12+$0xFFFFFFC0] =	vst v47  }
0xf9: {  	v53 =	vmul.f32 v45, v27;
	[tilespmem:s12+$0xFFFFFFD0] =	vst v49  }
0xfa: {  	v3 =	vmul.f32 v31, v29;
	[tilespmem:s12+$0xFFFFFFE0] =	vst v51  }
0xfb: {  	v55 =	vmul.f32 v46, v29;
	[tilespmem:s12+$0xFFFFFFF0] =	vst v53  }
0xfc: {  	v57 =	vmul.f32 v48, v29;
	[tilespmem:s12+$0x30] =	vst v3  }
0xfd: {  	s24 =	sadd.s32 $0x1, s24;
	v59 =	vmul.f32 v50, v29;
	[tilespmem:s12+$0x0] =	vst v55  }
0xfe: {  	p1 =	sne.s32 s24, $0x14;
	[tilespmem:s12+$0x10] =	vst v57  }
.Ltmp1:
0xff: {  	[tilespmem:s12+$0x20] =	vst v59;
	(pc) =	sbr.rel @p1 .LBB2_3-.Ltmp1, $4  }
0x100: {  	[spmem:s2] =	stream.indirect.scatter.add.f32 [tilespmem:s31], [sflag:$0x1], $0x40, s8, s30, $0xb8;
	[tilespmem:$0x1F680] =	vst v63  }
0x101: {  	_ =	swait.ge [sflag:s22], $0x2000  }
0x102: {  	[sflag:s22] =	ssyncset.done $0x0  }
0x103: {  	[sflag:s22] =	ssyncadd.s32 $0xFFFFE000  }
0x104: {  	s19 =	sadd.s32 $0x1, s19  }
0x105: {  	p1 =	sne.s32 s19, $0x8  }
.Ltmp2:
0x106: {  	_ = 	snop;
	(pc) =	sbr.rel @p1 .LBB2_2-.Ltmp2, $1  }
0x107: {  	_ =	sdelay $0x3  }
0x108: {  	[bflag:$0x0] =	sbarrier.arrive $0xFFFF  }
0x109: {  	s8 =	rddreg [dreg:$0xa]  }
0x10a: {  	[hbm:s8], [sflag:s20] =	dma.local [spmem:s25], $0x1400  }
0x10b: {  	_ =	swait.ge [sflag:s17], $0x1400  }
0x10c: {  	s9 =	simm.s32 @!p0 $0x5000;
	s4 =	sadd.s32 $0x1, s4;
	[sflag:s17] =	ssyncset.done $0x0  }
0x10d: {  	p1 =	sne.s32 s4, s16;
	s8 =	simm.s32 @!p0 $0x0;
	[sflag:s17] =	ssyncadd.s32 $0xFFFFEC00  }
0x10e: {  	[hbm4b:s15+s8] =	stream.linear.scatter @!p0 [tilespmem:s9], [sflag:$0x2], $0x2800, $0x38;
	[tilespmem:$0x1F680] =	vst v63  }
.Ltmp3:
0x10f: {  	_ = 	snop;
	(pc) =	sbr.rel @p1 .LBB2_1-.Ltmp3, $4  }
0x110: {  	s8 =	simm.s32 @!p0 $0x2  }
0x111: {  	_ =	swait.ge @!p0 [sflag:s8], $0x2800  }
0x112: {  	[sflag:s8] =	ssyncset.done @!p0 $0x0  }
0x113: {  	[sflag:s8] =	ssyncadd.s32 @!p0 $0xFFFFD800  }
0x114: {  	_ =	sfence.sel $0x180000  }
0x115: {  	[bflag:$0x0] =	sbarrier.arrive $0xFFFF  }
0x116: {  	_ =	strace $0x9000004A  }
0x117: {  	s0 =	stileid.u32;
	[bflag:$0x2] =	sbarrier.arrive $0xFFFF  }
0x118: {  	p0 =	sne.s32 s0, $0x0;
	s0 =	rddreg [dreg:$0x4]  }
0x119: {  	s0 =	sadd.s32 @!p0 $0x100000, s0  }
0x11a: {  	[sflag:s0] =	ssyncadd.tile.s32 @!p0 $0x1;
	_ =	shalt  }
.Lfunc_end2:
_tile_overlayer_lowered:
.L_overlay_start_2:
0x11b: {  	(tag) =	ssettag $0x2  }
0x11c: {  	s0 =	rddreg [dreg:$0x0];
	s2 =	stileid.u32  }
0x11d: {  	s1 =	rddreg [dreg:$0x1];
	p0 =	sne.s32 s2, $0x0  }
0x11e: {  	s3 =	rddreg [dreg:$0x2];
	[bflag:$0x3] =	sbarrier.arrive $0xFFFF;
	s2 =	simm.s32 @!p0 $0x1C02  }
0x11f: {  	[timem:s3], [sflag:s2] =	dma.local @!p0 [hbm:s0], s1  }
0x120: {  	s0 =	simm.s32 @!p0 $0x2  }
0x121: {  	_ =	swait.ge @!p0 [sflag:s0], s1  }
0x122: {  	s1 =	ssub.s32 @!p0 $0x0, s1;
	[sflag:s0] =	ssyncset.done @!p0 $0x0  }
0x123: {  	[sflag:s0] =	ssyncadd.s32 @!p0 s1  }
0x124: {  	[bflag:$0x3] =	sbarrier.arrive $0xFFFF  }
0x125: {  	_ =	shalt  }

// kernel: kernel.16.cloned.1.call-start
scs
__scs_entry_jumppad:
0x0: {  	(pc) =	sbr.rel $0x88, $3  }
0x1: {  	(tag) =	ssettag $0x0;
	lr =	simm.s32 $0x1  }
0x2: {  	[smem:$0x3F8A] =	sst lr;
	_ =	strace $0xD0000000  }
0x3: {  	_ = 	snop  }
0x4: {  	_ = 	snop  }
0x5: {  	_ = 	snop  }
0x6: {  	_ = 	snop  }
0x7: {  	_ = 	snop  }
__scs_overlays_trampoline_lowered:
0x8: {  	[smem:$0x3F99] =	sst s0  }
0x9: {  	[smem:$0x3F9A] =	sst s1  }
0xa: {  	[smem:$0x3F9B] =	sst s2  }
0xb: {  	[smem:$0x3F9C] =	sst s3  }
0xc: {  	[smem:$0x3F9D] =	sst s4  }
0xd: {  	[smem:$0x3F9E] =	sst s5  }
0xe: {  	[smem:$0x3F9F] =	sst s6  }
0xf: {  	[smem:$0x3FA0] =	sst s7  }
0x10: {  	[smem:$0x3FA1] =	sst s8  }
0x11: {  	[smem:$0x3FA2] =	sst s9;
	s0 =	simm.s32 @!p0 $0x0  }
0x12: {  	s1 =	sld [smem:$0x3F88];
	s0 =	simm.s32 @p0 $0x1  }
0x13: {  	[smem:$0x3FA3] =	sst s0;
	s0 =	simm.s32 @!p1 $0x0  }
0x14: {  	s2 =	sld [smem:$0x3F87];
	s0 =	simm.s32 @p1 $0x1  }
0x15: {  	[smem:$0x3FA4] =	sst s0;
	s0 =	simm.s32 @!p2 $0x0  }
0x16: {  	s3 =	sld [smem:$0x3FDB];
	s0 =	simm.s32 @p2 $0x1  }
0x17: {  	s4 =	simm.s32 $0x1BF5;
	[smem:$0x3FA6] =	sst s0  }
0x18: {  	s0 =	sld [smem:$0x3F89];
	_ =	swait.ge [sflag:s4], $0x0  }
0x19: {  	s7 =	sld [smem:$0x3F8A]  }
0x1a: {  	s8 =	sadd.s32 $0xFFFFE003, lr  }
0x1b: {  	s9 =	sadd.s32 $0xFFFFFEF7, lr;
	s5 =	simm.s32 $0xFFFFFFFF;
	p2 =	slt.u32 s8, $0xFFFFF086  }
0x1c: {  	p1 =	slt.u32 s9, $0xF7A;
	s5 =	simm.s32 @!p2 $0x0  }
0x1d: {  	s5 =	simm.s32 @p1 $0x1;
	p0 =	seq.s32 s7, s2  }
0x1e: {  	s7 =	smul.u32 @!p0 $0xF7A, s2;
	p2 =	seq.s32 @!p0 s5, $0x0  }
0x1f: {  	s9 =	smul.u32 $0xF7A, s1;
	s8 =	simm.s32 @!p0 $0x1BF5;
	p2 =	por !p2, p0  }
0x20: {  	[sflag:s8] =	ssyncset.s32 @!p0 $0xFFFFF086;
	s6 =	sadd.s32 @!p0 s3, s7;
	s7 =	simm.s32 @!p0 $0x108  }
0x21: {  	s3 =	sadd.s32 s3, s9;
	s6 =	sadd.s32 @!p0 $0x88, s6;
	s7 =	simm.s32 @p2 $0x1082  }
0x22: {  	[simem:s7], [sflag:s8] =	dma.local @!p0 [hbm:s6], $0xF7A  }
0x23: {  	s9 =	sor.u32 $0xD0000000, s2;
	s6 =	simm.s32 $0x108;
	_ =	swait.ge @!p0 [sflag:s8], $0x0  }
0x24: {  	s3 =	sadd.s32 $0x88, s3;
	s6 =	simm.s32 @!p1 $0x1082;
	[sflag:s4] =	ssyncset.s32 $0xFFFFF086  }
0x25: {  	[simem:s6], [sflag:s4] =	dma.local [hbm:s3], $0xF7A  }
0x26: {  	[smem:$0x3F8A] =	sst s1;
	(tag) =	ssettag s2;
	_ =	strace s9  }
0x27: {  	s1 =	sld [smem:$0x3F9A]  }
0x28: {  	s2 =	sld [smem:$0x3F9B]  }
0x29: {  	s4 =	sld [smem:$0x3F9D]  }
0x2a: {  	p0 =	seq.s32 s5, $0x0;
	s5 =	sld [smem:$0x3F9E]  }
0x2b: {  	s6 =	sld [smem:$0x3F9F]  }
0x2c: {  	s7 =	sld [smem:$0x3FA0]  }
0x2d: {  	s3 =	simm.s32 $0x108;
	s8 =	sld [smem:$0x3FA1]  }
0x2e: {  	s3 =	simm.s32 @!p0 $0x1082;
	s9 =	sld [smem:$0x3FA2]  }
0x2f: {  	lr =	sadd.s32 s0, s3;
	s0 =	sld [smem:$0x3F99]  }
0x30: {  	s3 =	sld [smem:$0x3F9C]  }
0x31: {  	[smem:$0x3FA5] =	sst s10  }
0x32: {  	s10 =	sld [smem:$0x3FA3];
	_ =	sdelay $0x3  }
0x33: {  	p0 =	seq.s32 s10, $0x1;
	s10 =	sld [smem:$0x3FA5];
	_ =	sdelay $0x3  }
0x34: {  	[smem:$0x3FA5] =	sst s10  }
0x35: {  	s10 =	sld [smem:$0x3FA4];
	_ =	sdelay $0x3  }
0x36: {  	p1 =	seq.s32 s10, $0x1;
	s10 =	sld [smem:$0x3FA5];
	_ =	sdelay $0x3  }
0x37: {  	[smem:$0x3FA5] =	sst s10  }
0x38: {  	s10 =	sld [smem:$0x3FA6]  }
0x39: {  	_ = 	snop;
	(pc) =	sbr.ind lr, $3  }
0x3a: {  	_ = 	snop  }
0x3b: {  	_ = 	snop  }
0x3c: {  	p2 =	seq.s32 s10, $0x1;
	s10 =	sld [smem:$0x3FA5]  }
0x3d: {  	_ =	shalt  }
0x3e: {  	_ =	shalt  }
0x3f: {  	_ =	shalt  }
0x40: {  	_ =	shalt  }
0x41: {  	_ =	shalt  }
0x42: {  	_ =	shalt  }
0x43: {  	_ =	shalt  }
0x44: {  	_ =	shalt  }
0x45: {  	_ =	shalt  }
0x46: {  	_ =	shalt  }
0x47: {  	_ =	shalt  }
0x48: {  	_ =	shalt  }
0x49: {  	_ =	shalt  }
0x4a: {  	_ =	shalt  }
0x4b: {  	_ =	shalt  }
0x4c: {  	_ =	shalt  }
0x4d: {  	_ =	shalt  }
0x4e: {  	_ =	shalt  }
0x4f: {  	_ =	shalt  }
0x50: {  	_ =	shalt  }
0x51: {  	_ =	shalt  }
0x52: {  	_ =	shalt  }
0x53: {  	_ =	shalt  }
0x54: {  	_ =	shalt  }
0x55: {  	_ =	shalt  }
0x56: {  	_ =	shalt  }
0x57: {  	_ =	shalt  }
0x58: {  	_ =	shalt  }
0x59: {  	_ =	shalt  }
0x5a: {  	_ =	shalt  }
0x5b: {  	_ =	shalt  }
0x5c: {  	_ =	shalt  }
0x5d: {  	_ =	shalt  }
0x5e: {  	_ =	shalt  }
0x5f: {  	_ =	shalt  }
0x60: {  	_ =	shalt  }
0x61: {  	_ =	shalt  }
0x62: {  	_ =	shalt  }
0x63: {  	_ =	shalt  }
0x64: {  	_ =	shalt  }
0x65: {  	_ =	shalt  }
0x66: {  	_ =	shalt  }
0x67: {  	_ =	shalt  }
0x68: {  	_ =	shalt  }
0x69: {  	_ =	shalt  }
0x6a: {  	_ =	shalt  }
0x6b: {  	_ =	shalt  }
0x6c: {  	_ =	shalt  }
0x6d: {  	_ =	shalt  }
0x6e: {  	_ =	shalt  }
0x6f: {  	_ =	shalt  }
0x70: {  	_ =	shalt  }
0x71: {  	_ =	shalt  }
0x72: {  	_ =	shalt  }
0x73: {  	_ =	shalt  }
0x74: {  	_ =	shalt  }
0x75: {  	_ =	shalt  }
0x76: {  	_ =	shalt  }
0x77: {  	_ =	shalt  }
0x78: {  	_ =	shalt  }
0x79: {  	_ =	shalt  }
0x7a: {  	_ =	shalt  }
0x7b: {  	_ =	shalt  }
0x7c: {  	_ =	shalt  }
0x7d: {  	_ =	shalt  }
0x7e: {  	_ =	shalt  }
0x7f: {  	_ =	shalt  }
0x80: {  	_ =	shalt  }
0x81: {  	_ =	shalt  }
0x82: {  	_ =	shalt  }
0x83: {  	_ =	shalt  }
0x84: {  	_ =	shalt  }
0x85: {  	_ =	shalt  }
0x86: {  	_ =	shalt  }
0x87: {  	_ =	shalt  }
.Lfunc_end0:
.L_simem_size_0:
called_computation.2_lowered:
.L_overlay_start_0:
0x88: {  	s2 =	sld [smem:$0x3FD9]  }
0x89: {  	s3 =	sld [smem:$0x3FFE];
	_ =	sdelay $0x1  }
0x8a: {  	s1 =	srdreg.scid  }
0x8b: {  	s0 =	sand.u32 $0x1, s1  }
0x8c: {  	s17 =	sshll.u32 s0, $0xA;
	s2 =	sadd.s32 s3, s2  }
0x8d: {  	s2 =	sadd.s32 s2, s17  }
0x8e: {  	[smem:$0x3FB1] =	sst s2  }
0x8f: {  	_ = 	snop  }
0x90: {  	s2 =	sld [smem:$0x3FD0];
	(tm) =	ssettm $0x1  }
0x91: {  	s18 =	sld [smem:$0x3FFB];
	_ =	sdelay $0x3  }
0x92: {  	_ =	strace s18  }
0x93: {  	s3 =	sld [smem:$0x3FFC];
	_ =	sdelay $0x3  }
0x94: {  	_ =	strace s3  }
0x95: {  	s3 =	sld [smem:$0x3FFD];
	_ =	sdelay $0x3  }
0x96: {  	_ =	strace s3  }
0x97: {  	_ =	strace $0x8FFFFFFF  }
0x98: {  	s19 =	sld [smem:$0x3FDB];
	_ =	sdelay $0x1  }
0x99: {  	s4 =	simm.s32 $_scs_section_size  }
0x9a: {  	s5 =	simm.s32 $_size__tile_overlayer_lowered;
	s6 =	simm.s32 $_tile_overlayer_lowered  }
0x9b: {  	s22 =	simm.s32 $0x1BFF;
	s21 =	sshll.u32 s6, $0x1;
	s3 =	sadd.s32 s4, s19  }
0x9c: {  	s7 =	simm.s32 $0x0;
	s20 =	sshll.u32 s5, $0x1;
	s5 =	sadd.s32 s21, s3  }
0x9d: {  	[timem:s7], [sflag:s22] =	dma.local [hbm:s5], s20  }
0x9e: {  	_ =	swait.ge [sflag:s22], s20  }
0x9f: {  	s4 =	ssub.s32 $0x0, s20;
	[sflag:s22] =	ssyncset.done $0x0  }
0xa0: {  	[sflag:s22] =	ssyncadd.s32 s4;
	_ =	sdelay $0x1  }
0xa1: {  	s23 =	simm.s32 $0x1B8B  }
0xa2: {  	_ =	swait.ge [sflag:s23], $0x1  }
0xa3: {  	[sflag:s23] =	ssyncset.done $0x0  }
0xa4: {  	s25 =	simm.s32 $0x1B8E;
	s24 =	sld [smem:$0x3FFE];
	[sflag:s23] =	ssyncadd.s32 $0xFFFFFFFF  }
0xa5: {  	s26 =	simm.s32 $execute0_lowered;
	[smem:$0x3FD2] =	sst s25  }
0xa6: {  	s5 =	sshll.u32 s26, $0x1;
	_ =	strace $0x8000004C;
	[dreg:$0x1] =	wrdreg $0xFFFFFFFF  }
0xa7: {  	s28 =	simm.s32 $_size_execute0_lowered;
	s3 =	sadd.s32 s3, s5;
	[dreg:$0x0] =	wrdreg $0x0  }
0xa8: {  	s5 =	sshll.u32 s28, $0x1;
	[dreg:$0x2] =	wrdreg s3  }
0xa9: {  	[dreg:$0x3] =	wrdreg s5  }
0xaa: {  	[dreg:$0x4] =	wrdreg $0xC0  }
0xab: {  	_ =	task [dreg:s7], $0x5FFFF  }
0xac: {  	[dreg:$0x1] =	wrdreg $0xFFFFFFFF  }
0xad: {  	[dreg:$0x0] =	wrdreg $0x60  }
0xae: {  	[dreg:$0x2] =	wrdreg s24  }
0xaf: {  	[dreg:$0x3] =	wrdreg s2  }
0xb0: {  	[dreg:$0x4] =	wrdreg $0xF8800  }
0xb1: {  	[dreg:$0x5] =	wrdreg $0x120800  }
0xb2: {  	[dreg:$0x6] =	wrdreg $0x9  }
0xb3: {  	_ =	task.clear_ibuf [dreg:s7], $0x7FFFF;
	_ =	strace $0x9000004C  }
0xb4: {  	s29 =	simm.s32 $0x9;
	_ =	strace $0x8000004E  }
0xb5: {  	_ =	swait.ge [sflag:s29], $0x1  }
0xb6: {  	[sflag:s29] =	ssyncadd.s32 $0xFFFFFFFF  }
0xb7: {  	_ =	strace $0x9000004E  }
0xb8: {  	_ =	sfence  }
0xb9: {  	s30 =	sld [smem:$0x0];
	_ =	sdelay $0x2  }
0xba: {  	s31 =	sshll.u32 s1, $0xD;
	s1 =	sshrl.u32 s1, $0x2  }
0xbb: {  	s3 =	sand.u32 $0x4000, s31;
	s1 =	sadd.s32 s1, s30  }
0xbc: {  	s0 =	sor.u32 s3, s0;
	s1 =	sshll.u32 s1, $0x11  }
0xbd: {  	s0 =	sor.u32 s1, s0  }
0xbe: {  	s0 =	sadd.s32 $0x8F2B, s0  }
0xbf: {  	[sflag:s0] =	ssyncadd.remote.s32 $0x1  }
0xc0: {  	_ =	sfence.sel $0xFFFF  }
0xc1: {  	[dreg:$0x0] =	wrdreg $0xFFFFFFFF;
	(pc) =	sbr.abs _section_cstart, $3  }
0xc2: {  	[dreg:$0x1] =	wrdreg $0xFFFFFFFF  }
0xc3: {  	_ =	task.clear_ibuf [dreg:s7], $0x2FFFF;
	_ =	strace $0x9FFFFFFF  }
0xc4: {  	(tm) =	ssettm $0x7FFFFFFF  }
0xc5: {  	_ =	shalt  }
tec
execute0_lowered:
.L_overlay_start_1:
0x0: {  	(tag) =	ssettag $0x1  }
0x1: {  	s0 =	rddreg [dreg:$0x0]  }
0x2: {  	s1 =	srdreg.scid;
	s11 =	rddreg [dreg:$0x1]  }
0x3: {  	s2 =	rddreg [dreg:$0x2];
	s6 =	stileid.u32  }
0x4: {  	s3 =	rddreg [dreg:$0x3];
	s17 =	simm.s32 $0x2;
	s18 =	simm.s32 $0x2800  }
0x5: {  	s19 =	simm.s32 $0x5000;
	s24 =	simm.s32 $0x80;
	s25 =	simm.s32 $0xF080  }
0x6: {  	s26 =	simm.s32 $0x1;
	s28 =	simm.s32 $0xF000;
	s29 =	simm.s32 $0x0  }
0x7: {  	s1 =	sand.u32 $0x1, s1;
	s12 =	smul.u32 $0x2800, s6;
	s31 =	sadd.s32 $0x19C00, s0  }
0x8: {  	s4 =	sshll.u32 s1, $0x4;
	s7 =	smul.u32 $0x28000, s1;
	s1 =	ssub.s32 $0x2, s1  }
0x9: {  	s5 =	sor.u32 s6, s4;
	s4 =	simm.s32 $0x0;
	s6 =	sadd.s32 $0x1A200, s0  }
0xa: {  	s13 =	sshrl.u32 s12, $0x3;
	s9 =	sshrl.u32 s1, $0x1;
	s20 =	sadd.s32 s12, s2  }
0xb: {  	s5 =	smul.u32 $0x500, s5;
	[smem:$0x7FF] =	sst s4;
	s14 =	sadd.s32 s13, s0  }
0xc: {  	s8 =	sadd.s32 s12, s7;
	s7 =	sadd.s32 $0x24800, s0;
	s1 =	ssub.s32 s1, s9  }
0xd: {  	s11 =	sadd.s32 s11, s13;
	s12 =	sadd.s32 s12, s3;
	s23 =	sshrl.u32 s20, $0x3  }
0xe: {  	_ =	strace $0x8000004D;
	[dreg:$0x5] =	wrdreg s31;
	s8 =	sshrl.u32 s8, $0x3  }
0xf: {  	s13 =	sadd.s32 $0x24E00, s14;
	s16 =	smax.u32 s1, $0x1;
	s10 =	sadd.s32 s5, s0  }
0x10: {  	v0 =	vimm.s32 $0x0;
	vm0 =	vcmask $0x300;
	s0 =	sadd.s32 s8, s0;
	s8 =	sadd.s32 $0xFC00, s10;
	s9 =	sadd.s32 $0x5C00, s10  }
0x11: {  	v0 =	vsel vm0, $0x3, v0;
	s10 =	sadd.s32 $0x97E00, s10;
	s14 =	sadd.s32 $0x29E00, s0;
	s15 =	sadd.s32 $0x33E00, s0  }
.LBB2_1:
0x12: {  	s0 =	rddreg [dreg:$0x5]  }
0x13: {  	[tilespmem:s4], [sflag:$0x2] =	stream.linear.gather [hbm4b:s0+s4], $0x2800, $0x38;
	[tilespmem:$0x14880] =	vst v63  }
0x14: {  	_ =	swait.ge [sflag:s17], $0x2800  }
0x15: {  	[sflag:s17] =	ssyncset.done $0x0  }
0x16: {  	[sflag:s17] =	ssyncadd.s32 $0xFFFFD800  }
0x17: {  	[tilespmem:s18], [sflag:$0x2] =	stream.linear.gather [hbm4b:s6+s4], $0x2800, $0x38;
	[tilespmem:$0x14880] =	vst v63  }
0x18: {  	_ =	swait.ge [sflag:s17], $0x2800  }
0x19: {  	[sflag:s17] =	ssyncset.done $0x0  }
0x1a: {  	[sflag:s17] =	ssyncadd.s32 $0xFFFFD800  }
0x1b: {  	[tilespmem:s19], [sflag:$0x2] =	stream.linear.gather [hbm4b:s7+s4], $0x2800, $0x38;
	[tilespmem:$0x14880] =	vst v63  }
0x1c: {  	_ =	swait.ge [sflag:s17], $0x2800  }
0x1d: {  	[sflag:s17] =	ssyncset.done $0x0  }
0x1e: {  	s5 =	simm.s32 $0x7800;
	[sflag:s17] =	ssyncadd.s32 $0xFFFFD800  }
0x1f: {  	[tilespmem:s5], [sflag:$0x2] =	stream.linear.gather [hbm4b:s8+s4], $0x2800, $0x38;
	[tilespmem:$0x14880] =	vst v63  }
0x20: {  	_ =	swait.ge [sflag:s17], $0x2800  }
0x21: {  	[sflag:s17] =	ssyncset.done $0x0  }
0x22: {  	s20 =	simm.s32 $0xA000;
	[sflag:s17] =	ssyncadd.s32 $0xFFFFD800  }
0x23: {  	[tilespmem:s20], [sflag:$0x2] =	stream.linear.gather [hbm4b:s9+s4], $0x2800, $0x38;
	[tilespmem:$0x14880] =	vst v63  }
0x24: {  	_ =	swait.ge [sflag:s17], $0x2800  }
0x25: {  	[sflag:s17] =	ssyncset.done $0x0  }
0x26: {  	s21 =	simm.s32 $0xC800;
	[sflag:s17] =	ssyncadd.s32 $0xFFFFD800  }
0x27: {  	[tilespmem:s21], [sflag:$0x2] =	stream.linear.gather [hbm4b:s10+s4], $0x2800, $0x38;
	[tilespmem:$0x14880] =	vst v63  }
0x28: {  	s22 =	stileid.u32;
	_ =	swait.ge [sflag:s17], $0x2800  }
0x29: {  	s0 =	sshll.u32 s22, $0x6;
	[sflag:s17] =	ssyncset.done $0x0  }
0x2a: {  	s30 =	sor.u32 $0x1C02, s0;
	[sflag:s17] =	ssyncadd.s32 $0xFFFFD800  }
0x2b: {  	[spmem:s23], [sflag:s30] =	dma.local [hbm:s11], $0x500  }
0x2c: {  	_ =	swait.ge [sflag:s17], $0x500  }
0x2d: {  	[sflag:s17] =	ssyncset.done $0x0  }
0x2e: {  	s31 =	sshrl.u32 s12, $0x3;
	[sflag:s17] =	ssyncadd.s32 $0xFFFFFB00  }
0x2f: {  	[spmem:s31], [sflag:s30] =	dma.local [hbm:s13], $0x500  }
0x30: {  	_ =	swait.ge [sflag:s17], $0x500  }
0x31: {  	[sflag:s17] =	ssyncset.done $0x0  }
0x32: {  	[sflag:s17] =	ssyncadd.s32 $0xFFFFFB00  }
0x33: {  	s1 =	simm.s32 $0x0;
	[bflag:$0x0] =	sbarrier.arrive $0xFFFF  }
.LBB2_2:
0x34: {  	s20 =	sshll.u32 s1, $0x7  }
0x35: {  	s0 =	sadd.s32 $0x7800, s20  }
0x36: {  	[tilespmem:s25], [sflag:$0x1] =	stream.indirect.gather [spmem:s2], $0x10, s0, s24, $0xb8;
	[tilespmem:$0x14880] =	vst v63  }
0x37: {  	v1 =	vld [tilespmem:s20+$0x7800]  }
0x38: {  	v2 =	vld [tilespmem:s20+$0xA000];
	_ =	sdelay $0x5  }
0x39: {  	s21 =	simm.s32 $0x0  }
0x3a: {  	v1 =	vld.idx.msk [tilespmem:v1+s21+$0x0], $0xffff  }
0x3b: {  	v3 =	vld.idx.msk [tilespmem:v2+s18+$0x0], $0xffff;
	_ =	sdelay $0x1  }
0x3c: {  	v4 =	vld [tilespmem:s20+$0xC800];
	_ =	sdelay $0x2  }
0x3d: {  	v1 =	vadd.f32 v3, v1;
	_ =	sdelay $0x1  }
0x3e: {  	v1 =	vadd.f32 v4, v1;
	_ =	sdelay $0x1  }
0x3f: {  	v3 =	vmul.f32 $2.000000030e-01, v1  }
0x40: {  	vm0 =	vge.f32 v1, $0.0e+00  }
0x41: {  	v1 =	vsel vm0, v1, v3  }
0x42: {  	v1 =	vmul.f32 $1.442695020e+00, v1;
	_ =	sdelay $0x1  }
0x43: {  	(erf) = vpow2.f32 v1;
	_ =	sdelay $0x8  }
0x44: {  	v1 =	vpop (erf)  }
0x45: {  	[tilespmem:$0xF000] =	vst v1  }
0x46: {  	[tilespmem:v2+s19+$0x0] =	vst.idx.add.f32.msk $0xffff, v1  }
0x47: {  	v1 =	vld [tilespmem:s20+$0x7810]  }
0x48: {  	v2 =	vld [tilespmem:s20+$0xA010];
	_ =	sdelay $0x6  }
0x49: {  	v1 =	vld.idx.msk [tilespmem:v1+s21+$0x0], $0xffff  }
0x4a: {  	v3 =	vld.idx.msk [tilespmem:v2+s18+$0x0], $0xffff;
	_ =	sdelay $0x1  }
0x4b: {  	v4 =	vld [tilespmem:s20+$0xC810];
	_ =	sdelay $0x2  }
0x4c: {  	v1 =	vadd.f32 v3, v1;
	_ =	sdelay $0x1  }
0x4d: {  	v1 =	vadd.f32 v4, v1;
	_ =	sdelay $0x1  }
0x4e: {  	v3 =	vmul.f32 $2.000000030e-01, v1  }
0x4f: {  	vm9 =	vge.f32 v1, $0.0e+00  }
0x50: {  	v1 =	vsel vm9, v1, v3  }
0x51: {  	v1 =	vmul.f32 $1.442695020e+00, v1;
	_ =	sdelay $0x1  }
0x52: {  	(erf) = vpow2.f32 v1;
	_ =	sdelay $0x8  }
0x53: {  	v1 =	vpop (erf)  }
0x54: {  	[tilespmem:$0xF010] =	vst v1  }
0x55: {  	[tilespmem:v2+s19+$0x0] =	vst.idx.add.f32.msk $0xffff, v1  }
0x56: {  	v1 =	vld [tilespmem:s20+$0x7820]  }
0x57: {  	v2 =	vld [tilespmem:s20+$0xA020];
	_ =	sdelay $0x6  }
0x58: {  	v1 =	vld.idx.msk [tilespmem:v1+s21+$0x0], $0xffff  }
0x59: {  	v3 =	vld.idx.msk [tilespmem:v2+s18+$0x0], $0xffff;
	_ =	sdelay $0x1  }
0x5a: {  	v4 =	vld [tilespmem:s20+$0xC820];
	_ =	sdelay $0x2  }
0x5b: {  	v1 =	vadd.f32 v3, v1;
	_ =	sdelay $0x1  }
0x5c: {  	v1 =	vadd.f32 v4, v1;
	_ =	sdelay $0x1  }
0x5d: {  	v3 =	vmul.f32 $2.000000030e-01, v1  }
0x5e: {  	vm10 =	vge.f32 v1, $0.0e+00  }
0x5f: {  	v1 =	vsel vm10, v1, v3  }
0x60: {  	v1 =	vmul.f32 $1.442695020e+00, v1;
	_ =	sdelay $0x1  }
0x61: {  	(erf) = vpow2.f32 v1;
	_ =	sdelay $0x8  }
0x62: {  	v1 =	vpop (erf)  }
0x63: {  	[tilespmem:$0xF020] =	vst v1  }
0x64: {  	[tilespmem:v2+s19+$0x0] =	vst.idx.add.f32.msk $0xffff, v1  }
0x65: {  	v1 =	vld [tilespmem:s20+$0x7830]  }
0x66: {  	v2 =	vld [tilespmem:s20+$0xA030];
	_ =	sdelay $0x6  }
0x67: {  	v1 =	vld.idx.msk [tilespmem:v1+s21+$0x0], $0xffff  }
0x68: {  	v3 =	vld.idx.msk [tilespmem:v2+s18+$0x0], $0xffff;
	_ =	sdelay $0x1  }
0x69: {  	v4 =	vld [tilespmem:s20+$0xC830];
	_ =	sdelay $0x2  }
0x6a: {  	v1 =	vadd.f32 v3, v1;
	_ =	sdelay $0x1  }
0x6b: {  	v1 =	vadd.f32 v4, v1;
	_ =	sdelay $0x1  }
0x6c: {  	v3 =	vmul.f32 $2.000000030e-01, v1  }
0x6d: {  	vm11 =	vge.f32 v1, $0.0e+00  }
0x6e: {  	v1 =	vsel vm11, v1, v3  }
0x6f: {  	v1 =	vmul.f32 $1.442695020e+00, v1;
	_ =	sdelay $0x1  }
0x70: {  	(erf) = vpow2.f32 v1;
	_ =	sdelay $0x8  }
0x71: {  	v1 =	vpop (erf)  }
0x72: {  	[tilespmem:$0xF030] =	vst v1  }
0x73: {  	[tilespmem:v2+s19+$0x0] =	vst.idx.add.f32.msk $0xffff, v1  }
0x74: {  	v1 =	vld [tilespmem:s20+$0x7840]  }
0x75: {  	v2 =	vld [tilespmem:s20+$0xA040];
	_ =	sdelay $0x6  }
0x76: {  	v1 =	vld.idx.msk [tilespmem:v1+s21+$0x0], $0xffff  }
0x77: {  	v3 =	vld.idx.msk [tilespmem:v2+s18+$0x0], $0xffff;
	_ =	sdelay $0x1  }
0x78: {  	v4 =	vld [tilespmem:s20+$0xC840];
	_ =	sdelay $0x2  }
0x79: {  	v1 =	vadd.f32 v3, v1;
	_ =	sdelay $0x1  }
0x7a: {  	v1 =	vadd.f32 v4, v1;
	_ =	sdelay $0x1  }
0x7b: {  	v3 =	vmul.f32 $2.000000030e-01, v1  }
0x7c: {  	vm12 =	vge.f32 v1, $0.0e+00  }
0x7d: {  	v1 =	vsel vm12, v1, v3  }
0x7e: {  	v1 =	vmul.f32 $1.442695020e+00, v1;
	_ =	sdelay $0x1  }
0x7f: {  	(erf) = vpow2.f32 v1;
	_ =	sdelay $0x8  }
0x80: {  	v1 =	vpop (erf)  }
0x81: {  	[tilespmem:$0xF040] =	vst v1  }
0x82: {  	[tilespmem:v2+s19+$0x0] =	vst.idx.add.f32.msk $0xffff, v1  }
0x83: {  	v1 =	vld [tilespmem:s20+$0x7850]  }
0x84: {  	v2 =	vld [tilespmem:s20+$0xA050];
	_ =	sdelay $0x6  }
0x85: {  	v1 =	vld.idx.msk [tilespmem:v1+s21+$0x0], $0xffff  }
0x86: {  	v3 =	vld.idx.msk [tilespmem:v2+s18+$0x0], $0xffff;
	_ =	sdelay $0x1  }
0x87: {  	v4 =	vld [tilespmem:s20+$0xC850];
	_ =	sdelay $0x2  }
0x88: {  	v1 =	vadd.f32 v3, v1;
	_ =	sdelay $0x1  }
0x89: {  	v1 =	vadd.f32 v4, v1;
	_ =	sdelay $0x1  }
0x8a: {  	v3 =	vmul.f32 $2.000000030e-01, v1  }
0x8b: {  	vm13 =	vge.f32 v1, $0.0e+00  }
0x8c: {  	v1 =	vsel vm13, v1, v3  }
0x8d: {  	v1 =	vmul.f32 $1.442695020e+00, v1;
	_ =	sdelay $0x1  }
0x8e: {  	(erf) = vpow2.f32 v1;
	_ =	sdelay $0x8  }
0x8f: {  	v1 =	vpop (erf)  }
0x90: {  	[tilespmem:$0xF050] =	vst v1  }
0x91: {  	[tilespmem:v2+s19+$0x0] =	vst.idx.add.f32.msk $0xffff, v1  }
0x92: {  	v1 =	vld [tilespmem:s20+$0x7860]  }
0x93: {  	v2 =	vld [tilespmem:s20+$0xA060];
	_ =	sdelay $0x6  }
0x94: {  	v1 =	vld.idx.msk [tilespmem:v1+s21+$0x0], $0xffff  }
0x95: {  	v3 =	vld.idx.msk [tilespmem:v2+s18+$0x0], $0xffff;
	_ =	sdelay $0x1  }
0x96: {  	v4 =	vld [tilespmem:s20+$0xC860];
	_ =	sdelay $0x2  }
0x97: {  	v1 =	vadd.f32 v3, v1;
	_ =	sdelay $0x1  }
0x98: {  	v1 =	vadd.f32 v4, v1;
	_ =	sdelay $0x1  }
0x99: {  	v3 =	vmul.f32 $2.000000030e-01, v1  }
0x9a: {  	vm14 =	vge.f32 v1, $0.0e+00  }
0x9b: {  	v1 =	vsel vm14, v1, v3  }
0x9c: {  	v1 =	vmul.f32 $1.442695020e+00, v1;
	_ =	sdelay $0x1  }
0x9d: {  	(erf) = vpow2.f32 v1;
	_ =	sdelay $0x8  }
0x9e: {  	v1 =	vpop (erf)  }
0x9f: {  	[tilespmem:$0xF060] =	vst v1  }
0xa0: {  	[tilespmem:v2+s19+$0x0] =	vst.idx.add.f32.msk $0xffff, v1  }
0xa1: {  	v1 =	vld [tilespmem:s20+$0x7870]  }
0xa2: {  	v2 =	vld [tilespmem:s20+$0xA070];
	_ =	sdelay $0x6  }
0xa3: {  	v1 =	vld.idx.msk [tilespmem:v1+s21+$0x0], $0xffff  }
0xa4: {  	v3 =	vld.idx.msk [tilespmem:v2+s18+$0x0], $0xffff;
	_ =	sdelay $0x1  }
0xa5: {  	v4 =	vld [tilespmem:s20+$0xC870];
	_ =	sdelay $0x2  }
0xa6: {  	v1 =	vadd.f32 v3, v1;
	_ =	sdelay $0x1  }
0xa7: {  	v1 =	vadd.f32 v4, v1;
	_ =	sdelay $0x1  }
0xa8: {  	v3 =	vmul.f32 $2.000000030e-01, v1  }
0xa9: {  	vm15 =	vge.f32 v1, $0.0e+00  }
0xaa: {  	v1 =	vsel vm15, v1, v3  }
0xab: {  	v1 =	vmul.f32 $1.442695020e+00, v1;
	_ =	sdelay $0x1  }
0xac: {  	s5 =	simm.s32 $0x3;
	(erf) = vpow2.f32 v1  }
0xad: {  	v5 =	vmov s5  }
0xae: {  	v5 =	vshrl.u32 v5, $0x3  }
0xaf: {  	s22 =	simm.s32 $0x1;
	s5 =	simm.s32 $0x6;
	v5 =	vshll.u32 v5, v0  }
0xb0: {  	v8 =	vmov s5;
	v5 =	vadd.s32 $0x3, v5;
	v3 =	vmov s22;
	s22 =	simm.s32 $0x4  }
0xb1: {  	v8 =	vshrl.u32 v8, $0x3;
	v5 =	vbroadcast v5, $0x0;
	v6 =	vmov s22;
	s22 =	simm.s32 $0x5  }
0xb2: {  	v3 =	vshrl.u32 v3, $0x3;
	v7 =	vmov s22;
	v1 =	vmov s21;
	s21 =	simm.s32 $0x2  }
0xb3: {  	v6 =	vshrl.u32 v6, $0x3;
	v1 =	vshrl.u32 v1, $0x3;
	v4 =	vmov s21  }
0xb4: {  	v3 =	vshll.u32 v3, v0;
	v1 =	vshll.u32 v1, v0;
	v4 =	vshrl.u32 v4, $0x3  }
0xb5: {  	v3 =	vadd.s32 $0x1, v3;
	v1 =	vbroadcast v1, $0x0;
	v4 =	vshll.u32 v4, v0;
	v9 =	vpop (erf)  }
0xb6: {  	v7 =	vshrl.u32 v7, $0x3;
	v3 =	vbroadcast v3, $0x0;
	v4 =	vadd.s32 $0x2, v4;
	[tilespmem:$0xF070] =	vst v9  }
0xb7: {  	v6 =	vshll.u32 v6, v0;
	v7 =	vshll.u32 v7, v0;
	s21 =	simm.s32 $0x7;
	v4 =	vbroadcast v4, $0x0;
	[tilespmem:v2+s19+$0x0] =	vst.idx.add.f32.msk $0xffff, v9  }
0xb8: {  	v6 =	vadd.s32 $0x4, v6;
	v2 =	vshll.u32 v8, v0;
	v8 =	vmov s21;
	_ =	swait.ge [sflag:s26], $0x800  }
0xb9: {  	v7 =	vadd.s32 $0x5, v7;
	v6 =	vbroadcast v6, $0x0;
	v8 =	vshrl.u32 v8, $0x3;
	[sflag:s26] =	ssyncset.done $0x0  }
0xba: {  	v7 =	vbroadcast v7, $0x0;
	v2 =	vadd.s32 $0x6, v2;
	v8 =	vshll.u32 v8, v0;
	[sflag:s26] =	ssyncadd.s32 $0xFFFFF800  }
0xbb: {  	s5 =	simm.s32 $0x9;
	v9 =	vbroadcast v2, $0x0;
	v2 =	vadd.s32 $0x7, v8;
	v1 =	vld.idx.msk [tilespmem:v1+s28+$0x0], $0xffff  }
0xbc: {  	v11 =	vmov s5;
	s5 =	simm.s32 $0xC;
	v3 =	vld.idx.msk [tilespmem:v3+s28+$0x0], $0xffff;
	v8 =	vbroadcast v2, $0x0  }
0xbd: {  	v13 =	vmov s5;
	v2 =	vld.idx.msk [tilespmem:v4+s28+$0x0], $0xffff  }
0xbe: {  	v11 =	vshrl.u32 v11, $0x3;
	v13 =	vshrl.u32 v13, $0x3;
	v4 =	vld.idx.msk [tilespmem:v5+s28+$0x0], $0xffff  }
0xbf: {  	v11 =	vshll.u32 v11, v0;
	v18 =	vshll.u32 v13, v0;
	s22 =	simm.s32 $0x8;
	s21 =	simm.s32 $0xA;
	v6 =	vld.idx.msk [tilespmem:v6+s28+$0x0], $0xffff  }
0xc0: {  	v11 =	vadd.s32 $0x1, v11;
	v10 =	vmov s22;
	s22 =	simm.s32 $0xB;
	v5 =	vmov s21;
	v7 =	vld.idx.msk [tilespmem:v7+s28+$0x0], $0xffff  }
0xc1: {  	v10 =	vshrl.u32 v10, $0x3;
	v12 =	vmov s22;
	s22 =	simm.s32 $0xE;
	s21 =	simm.s32 $0xD;
	v16 =	vshrl.u32 v5, $0x3;
	v5 =	vld.idx.msk [tilespmem:v9+s28+$0x0], $0xffff  }
0xc2: {  	v10 =	vshll.u32 v10, v0;
	v15 =	vmov s22;
	v14 =	vmov s21;
	s21 =	simm.s32 $0xF0C0;
	v9 =	vld.idx.msk [tilespmem:v8+s28+$0x0], $0xffff  }
0xc3: {  	v12 =	vshrl.u32 v12, $0x3;
	v15 =	vshrl.u32 v15, $0x3;
	v8 =	vbroadcast v10, $0x0;
	v10 =	vld [tilespmem:s21+$0x30]  }
0xc4: {  	v18 =	vadd.s32 $0x4, v18;
	v17 =	vshll.u32 v12, v0;
	v15 =	vshll.u32 v15, v0;
	v12 =	vld [tilespmem:s21+$0xFFFFFFC0]  }
0xc5: {  	v20 =	vadd.s32 $0x3, v17;
	v14 =	vshrl.u32 v14, $0x3;
	v16 =	vshll.u32 v16, v0;
	v13 =	vld [tilespmem:s21+$0xFFFFFFD0]  }
0xc6: {  	v19 =	vshll.u32 v14, v0;
	v16 =	vadd.s32 $0x2, v16;
	v14 =	vbroadcast v11, $0x0;
	v11 =	vld [tilespmem:s21+$0xFFFFFFE0]  }
0xc7: {  	s0 =	simm.s32 $0xF;
	s20 =	sadd.s32 $0xA000, s20;
	s22 =	simm.s32 $0x10;
	v17 =	vadd.s32 $0x6, v15;
	v15 =	vld [tilespmem:s21+$0xFFFFFFF0];
	v16 =	vbroadcast v16, $0x0;
	v19 =	vadd.s32 $0x5, v19  }
.LBB2_3:
0xc8: {  	p0 =	slt.u32 s22, $0x78;
	v20 =	vbroadcast v20, $0x0;
	v21 =	vmov s0;
	v22 =	vld [tilespmem:s21+$0x0];
	v9 =	vmul.f32 v10, v9  }
0xc9: {  	v10 =	vbroadcast v18, $0x0;
	v18 =	vshrl.u32 v21, $0x3;
	v12 =	vmul.f32 v12, v1;
	v21 =	vld [tilespmem:s21+$0x10]  }
0xca: {  	v19 =	vbroadcast v19, $0x0;
	v18 =	vshll.u32 v18, v0;
	v13 =	vmul.f32 v13, v3;
	v23 =	vld [tilespmem:s21+$0x20];
	[tilespmem:s21+$0x30] =	vst v9  }
0xcb: {  	v1 =	vld.idx.msk [tilespmem:v8+s28+$0x0], $0xffff;
	v8 =	vbroadcast v17, $0x0;
	v9 =	vadd.s32 $0x7, v18;
	[tilespmem:s21+$0xFFFFFFC0] =	vst v12;
	v11 =	vmul.f32 v11, v2  }
0xcc: {  	v2 =	vmov s22;
	v3 =	vld.idx.msk [tilespmem:v14+s28+$0x0], $0xffff;
	v9 =	vbroadcast v9, $0x0;
	[tilespmem:s21+$0xFFFFFFD0] =	vst v13;
	v12 =	vmul.f32 v15, v4  }
0xcd: {  	s0 =	sadd.s32 $0x1, s22;
	s5 =	sadd.s32 $0x2, s22;
	v13 =	vshrl.u32 v2, $0x3;
	v2 =	vld.idx.msk [tilespmem:v16+s28+$0x0], $0xffff;
	[tilespmem:s21+$0xFFFFFFE0] =	vst v11;
	v11 =	vmul.f32 v22, v6  }
0xce: {  	v14 =	vmov s0;
	v15 =	vmov s5;
	s0 =	sadd.s32 $0x3, s22;
	s5 =	sadd.s32 $0x4, s22;
	v4 =	vld.idx.msk [tilespmem:v20+s28+$0x0], $0xffff;
	[tilespmem:s21+$0xFFFFFFF0] =	vst v12;
	v12 =	vmul.f32 v21, v7  }
0xcf: {  	v16 =	vmov s0;
	v17 =	vmov s5;
	s0 =	sadd.s32 $0x5, s22;
	s5 =	sadd.s32 $0x6, s22;
	v6 =	vld.idx.msk [tilespmem:v10+s28+$0x0], $0xffff;
	[tilespmem:s21+$0x0] =	vst v11;
	v10 =	vmul.f32 v23, v5  }
0xd0: {  	v18 =	vmov s5;
	v11 =	vshll.u32 v13, v0;
	v13 =	vmov s0;
	v7 =	vld.idx.msk [tilespmem:v19+s28+$0x0], $0xffff;
	[tilespmem:s21+$0x10] =	vst v12  }
0xd1: {  	v12 =	vshrl.u32 v14, $0x3;
	v14 =	vshrl.u32 v15, $0x3;
	v15 =	vshrl.u32 v16, $0x3;
	v5 =	vld.idx.msk [tilespmem:v8+s28+$0x0], $0xffff;
	[tilespmem:s21+$0x20] =	vst v10  }
0xd2: {  	v16 =	vshrl.u32 v17, $0x3;
	v13 =	vshrl.u32 v13, $0x3;
	v17 =	vshrl.u32 v18, $0x3;
	s21 =	sadd.s32 $0x80, s21;
	v9 =	vld.idx.msk [tilespmem:v9+s28+$0x0], $0xffff  }
.Ltmp0:
0xd3: {  	v8 =	vbroadcast v11, $0x0;
	v11 =	vshll.u32 v12, v0;
	v14 =	vshll.u32 v14, v0;
	v10 =	vld [tilespmem:s21+$0x30];
	(pc) =	sbr.rel @p0 .LBB2_3-.Ltmp0, $4  }
0xd4: {  	v15 =	vshll.u32 v15, v0;
	v16 =	vshll.u32 v16, v0;
	v19 =	vshll.u32 v13, v0;
	v12 =	vld [tilespmem:s21+$0xFFFFFFC0]  }
0xd5: {  	v17 =	vshll.u32 v17, v0;
	v11 =	vadd.s32 $0x1, v11;
	v21 =	vadd.s32 $0x2, v14;
	v13 =	vld [tilespmem:s21+$0xFFFFFFD0]  }
0xd6: {  	v20 =	vadd.s32 $0x3, v15;
	v18 =	vadd.s32 $0x4, v16;
	v14 =	vbroadcast v11, $0x0;
	v11 =	vld [tilespmem:s21+$0xFFFFFFE0]  }
0xd7: {  	s0 =	sadd.s32 $0x7, s22;
	s22 =	sadd.s32 $0x8, s22;
	v19 =	vadd.s32 $0x5, v19;
	v17 =	vadd.s32 $0x6, v17;
	v16 =	vbroadcast v21, $0x0;
	v15 =	vld [tilespmem:s21+$0xFFFFFFF0]  }
0xd8: {  	_ = 	snop  }
0xd9: {  	v22 =	vld [tilespmem:s21+$0x0]  }
0xda: {  	v23 =	vld [tilespmem:s21+$0x10]  }
0xdb: {  	v24 =	vld [tilespmem:s21+$0x20]  }
0xdc: {  	v8 =	vld.idx.msk [tilespmem:v8+s28+$0x0], $0xffff  }
0xdd: {  	v21 =	vmov s0;
	v14 =	vld.idx.msk [tilespmem:v14+s28+$0x0], $0xffff  }
0xde: {  	s22 =	sadd.s32 $0x80, s21;
	v21 =	vshrl.u32 v21, $0x3;
	v16 =	vld.idx.msk [tilespmem:v16+s28+$0x0], $0xffff  }
0xdf: {  	v58 =	vld [tilespmem:s22+$0xFFFFFFC0];
	v21 =	vshll.u32 v21, v0  }
0xe0: {  	v18 =	vbroadcast v18, $0x0;
	v59 =	vld [tilespmem:s22+$0xFFFFFFD0];
	v21 =	vadd.s32 $0x7, v21  }
0xe1: {  	v1 =	vmul.f32 v12, v1;
	v60 =	vld [tilespmem:s22+$0xFFFFFFE0];
	v21 =	vbroadcast v21, $0x0  }
0xe2: {  	v61 =	vld [tilespmem:s22+$0xFFFFFFF0];
	v3 =	vmul.f32 v13, v3  }
0xe3: {  	v20 =	vbroadcast v20, $0x0;
	v62 =	vld [tilespmem:s22+$0x10];
	[tilespmem:s21+$0xFFFFFFC0] =	vst v1;
	v1 =	vmul.f32 v11, v2  }
0xe4: {  	v17 =	vbroadcast v17, $0x0;
	v63 =	vld [tilespmem:s22+$0x20];
	[tilespmem:s21+$0xFFFFFFD0] =	vst v3;
	v3 =	vmul.f32 v15, v4  }
0xe5: {  	v19 =	vbroadcast v19, $0x0;
	v2 =	vld [tilespmem:s22+$0x30];
	[tilespmem:s21+$0xFFFFFFE0] =	vst v1;
	v1 =	vmul.f32 v22, v6  }
0xe6: {  	v18 =	vld.idx.msk [tilespmem:v18+s28+$0x0], $0xffff;
	[tilespmem:s21+$0xFFFFFFF0] =	vst v3;
	v3 =	vmul.f32 v23, v7  }
0xe7: {  	[tilespmem:s21+$0x0] =	vst v1;
	v1 =	vmul.f32 v24, v5;
	v57 =	vld.idx.msk [tilespmem:v21+s28+$0x0], $0xffff  }
0xe8: {  	v9 =	vmul.f32 v10, v9;
	[tilespmem:s21+$0x10] =	vst v3;
	v3 =	vld [tilespmem:s22+$0x0]  }
0xe9: {  	v20 =	vld.idx.msk [tilespmem:v20+s28+$0x0], $0xffff;
	[tilespmem:s21+$0x20] =	vst v1;
	v1 =	vmul.f32 v58, v8  }
0xea: {  	[tilespmem:s21+$0x30] =	vst v9;
	v56 =	vld.idx.msk [tilespmem:v17+s28+$0x0], $0xffff;
	v6 =	vmul.f32 v59, v14  }
0xeb: {  	v55 =	vld.idx.msk [tilespmem:v19+s28+$0x0], $0xffff;
	[tilespmem:s22+$0xFFFFFFC0] =	vst v1;
	v1 =	vmul.f32 v60, v16  }
0xec: {  	[tilespmem:s22+$0xFFFFFFD0] =	vst v6;
	v2 =	vmul.f32 v2, v57  }
0xed: {  	[tilespmem:s22+$0xFFFFFFE0] =	vst v1;
	v1 =	vmul.f32 v3, v18  }
0xee: {  	[tilespmem:s22+$0x30] =	vst v2;
	v2 =	vmul.f32 v61, v20  }
0xef: {  	[tilespmem:s22+$0x0] =	vst v1;
	v1 =	vmul.f32 v63, v56  }
0xf0: {  	s1 =	sadd.s32 $0x1, s1;
	[tilespmem:s22+$0xFFFFFFF0] =	vst v2;
	v2 =	vmul.f32 v62, v55  }
0xf1: {  	p0 =	sne.s32 s1, $0x50;
	[tilespmem:s22+$0x20] =	vst v1  }
.Ltmp1:
0xf2: {  	[tilespmem:s22+$0x10] =	vst v2;
	(pc) =	sbr.rel @p0 .LBB2_2-.Ltmp1, $4  }
0xf3: {  	[spmem:s3] =	stream.indirect.scatter.add.f32 [tilespmem:s25], [sflag:$0x1], $0x10, s20, s24, $0xb8;
	[tilespmem:$0x14880] =	vst v63  }
0xf4: {  	_ =	swait.ge [sflag:s26], $0x800  }
0xf5: {  	[sflag:s26] =	ssyncset.done $0x0  }
0xf6: {  	[sflag:s26] =	ssyncadd.s32 $0xFFFFF800  }
0xf7: {  	[bflag:$0x0] =	sbarrier.arrive $0xFFFF  }
0xf8: {  	[hbm:s14], [sflag:s30] =	dma.local [spmem:s31], $0x500  }
0xf9: {  	s29 =	sadd.s32 $0x1, s29;
	_ =	swait.ge [sflag:s17], $0x500  }
0xfa: {  	p0 =	sne.s32 s29, s16;
	[sflag:s17] =	ssyncset.done $0x0  }
.Ltmp2:
0xfb: {  	[sflag:s17] =	ssyncadd.s32 $0xFFFFFB00;
	(pc) =	sbr.rel @p0 .LBB2_1-.Ltmp2, $4  }
0xfc: {  	[hbm4b:s15+s4] =	stream.linear.scatter [tilespmem:s19], [sflag:$0x2], $0x2800, $0x38;
	[tilespmem:$0x14880] =	vst v63  }
0xfd: {  	_ =	swait.ge [sflag:s17], $0x2800  }
0xfe: {  	[sflag:s17] =	ssyncset.done $0x0  }
0xff: {  	[sflag:s17] =	ssyncadd.s32 $0xFFFFD800  }
0x100: {  	_ =	sfence.sel $0x180000  }
0x101: {  	[bflag:$0x0] =	sbarrier.arrive $0xFFFF  }
0x102: {  	_ =	strace $0x9000004D  }
0x103: {  	s0 =	stileid.u32;
	[bflag:$0x2] =	sbarrier.arrive $0xFFFF  }
0x104: {  	p0 =	sne.s32 s0, $0x0;
	s0 =	rddreg [dreg:$0x4]  }
0x105: {  	s0 =	sadd.s32 @!p0 $0x100000, s0  }
0x106: {  	[sflag:s0] =	ssyncadd.tile.s32 @!p0 $0x1;
	_ =	shalt  }
.Lfunc_end2:
_tile_overlayer_lowered:
.L_overlay_start_2:
0x107: {  	(tag) =	ssettag $0x2  }
0x108: {  	s0 =	rddreg [dreg:$0x0];
	s2 =	stileid.u32  }
0x109: {  	s1 =	rddreg [dreg:$0x1];
	p0 =	sne.s32 s2, $0x0  }
0x10a: {  	s3 =	rddreg [dreg:$0x2];
	[bflag:$0x3] =	sbarrier.arrive $0xFFFF;
	s2 =	simm.s32 @!p0 $0x1C02  }
0x10b: {  	[timem:s3], [sflag:s2] =	dma.local @!p0 [hbm:s0], s1  }
0x10c: {  	s0 =	simm.s32 @!p0 $0x2  }
0x10d: {  	_ =	swait.ge @!p0 [sflag:s0], s1  }
0x10e: {  	s1 =	ssub.s32 @!p0 $0x0, s1;
	[sflag:s0] =	ssyncset.done @!p0 $0x0  }
0x10f: {  	[sflag:s0] =	ssyncadd.s32 @!p0 s1  }
0x110: {  	[bflag:$0x3] =	sbarrier.arrive $0xFFFF  }
0x111: {  	_ =	shalt  }

</sc_bundles>
